<compile_context>
chip_gen: v7x
topology: tpu7x:2x2x1
jax: 0.10.2.dev20260603
libtpu: 0.0.44.dev20260713+nightly
codegen_flags: <defaults>
</compile_context>

<pallas_src>
import functools

import jax
import jax.numpy as jnp
from jax import lax
from jax.experimental import pallas as pl
from jax.experimental.pallas import tpu as pltpu
from jax.experimental.pallas import tpu_sc as plsc

NUM_TREES = 512
N_FEAT = 256
BATCH = 4096
N_LEVELS = 7
NLEAF = 256

K = 8
NW = 32
RB = BATCH // NW
TPC = 16
NTC = NUM_TREES // TPC

LVL = [2 ** (j + 1) for j in range(N_LEVELS)]


def _make_traversal():
    mesh = plsc.VectorSubcoreMesh(core_axis_name="c", subcore_axis_name="s")
    buf_set = (
        [pltpu.VMEM((TPC * s,), jnp.int32) for s in LVL]
        + [pltpu.VMEM((TPC * s,), jnp.float32) for s in LVL]
        + [pltpu.VMEM((TPC * NLEAF,), jnp.float32)]
    )
    scratch = (
        [
            pltpu.VMEM((RB * N_FEAT,), jnp.float32),
            pltpu.VMEM((NUM_TREES,), jnp.int32),
            pltpu.VMEM((NUM_TREES,), jnp.float32),
            pltpu.VMEM((RB, NUM_TREES), jnp.float32),
            pltpu.SemaphoreType.DMA,
            pltpu.SemaphoreType.DMA,
            pltpu.SemaphoreType.DMA,
        ]
        + buf_set + buf_set
    )

    @functools.partial(
        pl.kernel,
        out_type=jax.ShapeDtypeStruct((BATCH, NUM_TREES), jnp.float32),
        mesh=mesh,
        scratch_types=scratch,
        compiler_params=pltpu.CompilerParams(needs_layout_passes=False),
    )
    def k(x_hbm, rn_hbm, rb_hbm,
          n0, n1, n2, n3, n4, n5, n6,
          c0, c1, c2, c3, c4, c5, c6,
          leaf_hbm, out_hbm,
          xc, rootn_loc, rootb_loc, outc, semx, sema, semb, *bufs):
        w = lax.axis_index("s") * 2 + lax.axis_index("c")
        n_hbm = [n0, n1, n2, n3, n4, n5, n6]
        b_hbm = [c0, c1, c2, c3, c4, c5, c6]
        set_a, set_b = bufs[:15], bufs[15:]

        def start_set(tc, S, sem):
            for j in range(N_LEVELS):
                sz = TPC * LVL[j]
                pltpu.async_copy(n_hbm[j].at[pl.ds(tc * sz, sz)], S[j], sem)
                pltpu.async_copy(
                    b_hbm[j].at[pl.ds(tc * sz, sz)], S[N_LEVELS + j], sem)
            pltpu.async_copy(
                leaf_hbm.at[pl.ds(tc * (TPC * NLEAF), TPC * NLEAF)],
                S[2 * N_LEVELS], sem)

        def wait_set(S, sem):
            for j in range(N_LEVELS):
                sz = TPC * LVL[j]
                pltpu.make_async_copy(
                    n_hbm[j].at[pl.ds(0, sz)], S[j], sem).wait()
                pltpu.make_async_copy(
                    b_hbm[j].at[pl.ds(0, sz)], S[N_LEVELS + j], sem).wait()
            pltpu.make_async_copy(
                leaf_hbm.at[pl.ds(0, TPC * NLEAF)], S[2 * N_LEVELS], sem
            ).wait()

        xcopy = pltpu.async_copy(
            x_hbm.at[pl.ds(w * (RB * N_FEAT), RB * N_FEAT)], xc, semx)
        rncopy = pltpu.async_copy(rn_hbm, rootn_loc, semx)
        rbcopy = pltpu.async_copy(rb_hbm, rootb_loc, semx)
        start_set(0, set_a, sema)
        xcopy.wait()
        rncopy.wait()
        rbcopy.wait()

        t_iota = lax.iota(jnp.int32, TPC)
        lvl_base = [t_iota * LVL[j] for j in range(N_LEVELS)]
        leaf_base = t_iota * NLEAF

        def process(tc, S):
            rootf_v = rootn_loc[pl.ds(tc * TPC, TPC)]
            rootb_v = rootb_loc[pl.ds(tc * TPC, TPC)]
            out_col = tc * TPC + t_iota

            def row_body(i, rcarry):
                xbs = [(i * K + kk) * N_FEAT for kk in range(K)]
                xvs = [plsc.load_gather(xc, [rootf_v + xb]) for xb in xbs]
                curs = [(xv <= rootb_v).astype(jnp.int32) for xv in xvs]
                for j in range(N_LEVELS):
                    nidxs = [lvl_base[j] + cur for cur in curs]
                    feats = [plsc.load_gather(S[j], [ni]) for ni in nidxs]
                    biass = [plsc.load_gather(S[N_LEVELS + j], [ni])
                             for ni in nidxs]
                    xvjs = [plsc.load_gather(xc, [f + xb])
                            for f, xb in zip(feats, xbs)]
                    curs = [c + c + (xvj <= b).astype(jnp.int32)
                            for c, xvj, b in zip(curs, xvjs, biass)]
                for kk in range(K):
                    leafv = plsc.load_gather(
                        S[2 * N_LEVELS], [leaf_base + curs[kk]])
                    plsc.store_scatter(
                        outc,
                        [jnp.full((TPC,), i * K + kk, jnp.int32), out_col],
                        leafv)
                return rcarry

            lax.fori_loop(0, RB // K, row_body, 0)

        def super_body(i, carry):
            wait_set(set_a, sema)
            start_set(2 * i + 1, set_b, semb)
            process(2 * i, set_a)
            wait_set(set_b, semb)

            @pl.when(i < NTC // 2 - 1)
            def _prefetch_next():
                start_set(2 * i + 2, set_a, sema)

            process(2 * i + 1, set_b)
            return carry

        lax.fori_loop(0, NTC // 2, super_body, 0)
        pltpu.sync_copy(outc, out_hbm.at[pl.ds(w * RB, RB)])

    return k


_traverse = _make_traversal()


def kernel(x, root_nodes, root_biases, tree_indices, nodes, biases, leaf_nodes):
    del tree_indices
    out = _traverse(
        x.reshape(-1),
        root_nodes.astype(jnp.int32),
        root_biases,
        *[n.astype(jnp.int32) for n in nodes],
        *biases,
        leaf_nodes.reshape(-1),
    )
    return out.reshape(BATCH, NUM_TREES, 1)

# --- scband reference (transcript-rebuilt; emitter-appended) ---
"""Pipeline reference for scband-perfect-tree-traversal-tree-impl-50302656970964 (READ-ONLY COPY).

The authoritative reference and input builder live on the scoring server;
editing this copy changes nothing except your own understanding.
"""

import jax, jax.numpy as jnp
import numpy as np

NUM_TREES = 512
MAX_DEPTH = 8
N_FEATURES = 256
N_CLASSES = 1
BATCH = 4096


def setup_inputs(seed: int = 0) -> dict:
    key = jax.random.key(seed)
    ks = jax.random.split(key, 4 + 2 * (MAX_DEPTH - 1))
    x = jax.random.normal(ks[0], (BATCH, N_FEATURES), dtype=jnp.float32)
    root_nodes = jax.random.randint(ks[1], (NUM_TREES,), 0, N_FEATURES)
    root_biases = jax.random.normal(ks[2], (NUM_TREES,), dtype=jnp.float32)
    tree_indices = jnp.arange(0, 2 * NUM_TREES, 2, dtype=jnp.int32)
    nodes = []
    biases = []
    for i in range(1, MAX_DEPTH):
        n = NUM_TREES * (2 ** i)
        nodes.append(jax.random.randint(ks[3 + 2 * (i - 1)], (n,), 0, N_FEATURES))
        biases.append(jax.random.normal(ks[4 + 2 * (i - 1)], (n,), dtype=jnp.float32))
    leaf_nodes = jax.random.normal(ks[3 + 2 * (MAX_DEPTH - 1)], (NUM_TREES * (2 ** MAX_DEPTH), N_CLASSES), dtype=jnp.float32)
    return {"x": x, "root_nodes": root_nodes, "root_biases": root_biases, "tree_indices": tree_indices, "nodes": nodes, "biases": biases, "leaf_nodes": leaf_nodes}


def reference(x, root_nodes, root_biases, tree_indices, nodes, biases, leaf_nodes):
    # Faithful port of PerfectTreeTraversalTreeImpl.forward (regression path,
    # decision_cond = '<=', aggregation = identity).
    num_trees = root_nodes.shape[0]
    prev = (jnp.take(x, root_nodes, axis=1) <= root_biases).astype(jnp.int32)
    prev = prev + tree_indices.astype(jnp.int32)
    prev = prev.reshape(-1)
    for nd, bs in zip(nodes, biases):
        gather_idx = jnp.take(nd, prev, axis=0).reshape(-1, num_trees)
        feats = jnp.take_along_axis(x, gather_idx, axis=1).reshape(-1)
        prev = 2 * prev + (feats <= jnp.take(bs, prev, axis=0)).astype(jnp.int32)
    out = jnp.take(leaf_nodes, prev, axis=0).reshape(-1, num_trees, leaf_nodes.shape[1])
    return out

if __name__ == "__main__":
    import jax
    _d = setup_inputs()
    print(jax.jit(kernel)(*tuple(_d.values())))

</pallas_src>

<mosaic_0001>
#map = affine_map<(d0, d1) -> (0)>
#map1 = affine_map<(d0, d1) -> (0, 0)>
module attributes {stable_mosaic.version = 14 : i64} {
  func.func @k(%arg0: i32, %arg1: i32, %arg2: memref<1048576xf32, #tpu.memory_space<hbm>>, %arg3: memref<512xi32, #tpu.memory_space<hbm>>, %arg4: memref<512xf32, #tpu.memory_space<hbm>>, %arg5: memref<1024xi32, #tpu.memory_space<hbm>>, %arg6: memref<2048xi32, #tpu.memory_space<hbm>>, %arg7: memref<4096xi32, #tpu.memory_space<hbm>>, %arg8: memref<8192xi32, #tpu.memory_space<hbm>>, %arg9: memref<16384xi32, #tpu.memory_space<hbm>>, %arg10: memref<32768xi32, #tpu.memory_space<hbm>>, %arg11: memref<65536xi32, #tpu.memory_space<hbm>>, %arg12: memref<1024xf32, #tpu.memory_space<hbm>>, %arg13: memref<2048xf32, #tpu.memory_space<hbm>>, %arg14: memref<4096xf32, #tpu.memory_space<hbm>>, %arg15: memref<8192xf32, #tpu.memory_space<hbm>>, %arg16: memref<16384xf32, #tpu.memory_space<hbm>>, %arg17: memref<32768xf32, #tpu.memory_space<hbm>>, %arg18: memref<65536xf32, #tpu.memory_space<hbm>>, %arg19: memref<131072xf32, #tpu.memory_space<hbm>>, %arg20: memref<4096x512xf32, #tpu.memory_space<hbm>>, %arg21: memref<32768xf32, #tpu.memory_space<vmem>>, %arg22: memref<512xi32, #tpu.memory_space<vmem>>, %arg23: memref<512xf32, #tpu.memory_space<vmem>>, %arg24: memref<128x512xf32, #tpu.memory_space<vmem>>, %arg25: memref<!tpu.dma_semaphore, #tpu.memory_space<semaphore_mem>>, %arg26: memref<!tpu.dma_semaphore, #tpu.memory_space<semaphore_mem>>, %arg27: memref<!tpu.dma_semaphore, #tpu.memory_space<semaphore_mem>>, %arg28: memref<32xi32, #tpu.memory_space<vmem>>, %arg29: memref<64xi32, #tpu.memory_space<vmem>>, %arg30: memref<128xi32, #tpu.memory_space<vmem>>, %arg31: memref<256xi32, #tpu.memory_space<vmem>>, %arg32: memref<512xi32, #tpu.memory_space<vmem>>, %arg33: memref<1024xi32, #tpu.memory_space<vmem>>, %arg34: memref<2048xi32, #tpu.memory_space<vmem>>, %arg35: memref<32xf32, #tpu.memory_space<vmem>>, %arg36: memref<64xf32, #tpu.memory_space<vmem>>, %arg37: memref<128xf32, #tpu.memory_space<vmem>>, %arg38: memref<256xf32, #tpu.memory_space<vmem>>, %arg39: memref<512xf32, #tpu.memory_space<vmem>>, %arg40: memref<1024xf32, #tpu.memory_space<vmem>>, %arg41: memref<2048xf32, #tpu.memory_space<vmem>>, %arg42: memref<4096xf32, #tpu.memory_space<vmem>>, %arg43: memref<32xi32, #tpu.memory_space<vmem>>, %arg44: memref<64xi32, #tpu.memory_space<vmem>>, %arg45: memref<128xi32, #tpu.memory_space<vmem>>, %arg46: memref<256xi32, #tpu.memory_space<vmem>>, %arg47: memref<512xi32, #tpu.memory_space<vmem>>, %arg48: memref<1024xi32, #tpu.memory_space<vmem>>, %arg49: memref<2048xi32, #tpu.memory_space<vmem>>, %arg50: memref<32xf32, #tpu.memory_space<vmem>>, %arg51: memref<64xf32, #tpu.memory_space<vmem>>, %arg52: memref<128xf32, #tpu.memory_space<vmem>>, %arg53: memref<256xf32, #tpu.memory_space<vmem>>, %arg54: memref<512xf32, #tpu.memory_space<vmem>>, %arg55: memref<1024xf32, #tpu.memory_space<vmem>>, %arg56: memref<2048xf32, #tpu.memory_space<vmem>>, %arg57: memref<4096xf32, #tpu.memory_space<vmem>>) attributes {dimension_semantics = [#tpu.dimension_semantics<core_parallel>, #tpu.dimension_semantics<subcore_parallel>], iteration_bounds = array<i64: 2, 16>, scalar_prefetch = 0 : i64, scratch_operands = 37 : i64, tpu.core_type = #tpu.core_type<sc_vector_subcore>, window_params = [{transform_indices = #map}, {transform_indices = #map}, {transform_indices = #map}, {transform_indices = #map}, {transform_indices = #map}, {transform_indices = #map}, {transform_indices = #map}, {transform_indices = #map}, {transform_indices = #map}, {transform_indices = #map}, {transform_indices = #map}, {transform_indices = #map}, {transform_indices = #map}, {transform_indices = #map}, {transform_indices = #map}, {transform_indices = #map}, {transform_indices = #map}, {transform_indices = #map}, {transform_indices = #map1}]} {
    %mul3A = arith.constant 2 : i32
    %mul3A_0 = arith.muli %arg1, %mul3A : i32
    %add3A = arith.addi %mul3A_0, %arg0 : i32
    %mul3A_1 = arith.constant 32768 : i32
    %mul3A_2 = arith.muli %add3A, %mul3A_1 : i32
    %dma_start3A = tpu.memref_slice %arg2[%mul3A_2] : memref<1048576xf32, #tpu.memory_space<hbm>> -> memref<32768xf32, #tpu.memory_space<hbm>>
    %dma_start3A_3 = tpu.memref_slice %arg2[%mul3A_2] : memref<1048576xf32, #tpu.memory_space<hbm>> -> memref<32768xf32, #tpu.memory_space<hbm>>
    tpu.enqueue_dma source(%dma_start3A_3 : memref<32768xf32, #tpu.memory_space<hbm>>) target(%arg21 : memref<32768xf32, #tpu.memory_space<vmem>>) target_semaphore(%arg25 : memref<!tpu.dma_semaphore, #tpu.memory_space<semaphore_mem>>)
    tpu.enqueue_dma source(%arg3 : memref<512xi32, #tpu.memory_space<hbm>>) target(%arg22 : memref<512xi32, #tpu.memory_space<vmem>>) target_semaphore(%arg25 : memref<!tpu.dma_semaphore, #tpu.memory_space<semaphore_mem>>)
    tpu.enqueue_dma source(%arg4 : memref<512xf32, #tpu.memory_space<hbm>>) target(%arg23 : memref<512xf32, #tpu.memory_space<vmem>>) target_semaphore(%arg25 : memref<!tpu.dma_semaphore, #tpu.memory_space<semaphore_mem>>)
    %dma_start3A_4 = arith.constant 0 : i32
    %dma_start3A_5 = tpu.memref_slice %arg5[%dma_start3A_4] : memref<1024xi32, #tpu.memory_space<hbm>> -> memref<32xi32, #tpu.memory_space<hbm>>
    %dma_start3A_6 = arith.constant 0 : i32
    %dma_start3A_7 = tpu.memref_slice %arg5[%dma_start3A_6] : memref<1024xi32, #tpu.memory_space<hbm>> -> memref<32xi32, #tpu.memory_space<hbm>>
    tpu.enqueue_dma source(%dma_start3A_7 : memref<32xi32, #tpu.memory_space<hbm>>) target(%arg28 : memref<32xi32, #tpu.memory_space<vmem>>) target_semaphore(%arg26 : memref<!tpu.dma_semaphore, #tpu.memory_space<semaphore_mem>>)
    %dma_start3A_8 = arith.constant 0 : i32
    %dma_start3A_9 = tpu.memref_slice %arg12[%dma_start3A_8] : memref<1024xf32, #tpu.memory_space<hbm>> -> memref<32xf32, #tpu.memory_space<hbm>>
    %dma_start3A_10 = arith.constant 0 : i32
    %dma_start3A_11 = tpu.memref_slice %arg12[%dma_start3A_10] : memref<1024xf32, #tpu.memory_space<hbm>> -> memref<32xf32, #tpu.memory_space<hbm>>
    tpu.enqueue_dma source(%dma_start3A_11 : memref<32xf32, #tpu.memory_space<hbm>>) target(%arg35 : memref<32xf32, #tpu.memory_space<vmem>>) target_semaphore(%arg26 : memref<!tpu.dma_semaphore, #tpu.memory_space<semaphore_mem>>)
    %dma_start3A_12 = arith.constant 0 : i32
    %dma_start3A_13 = tpu.memref_slice %arg6[%dma_start3A_12] : memref<2048xi32, #tpu.memory_space<hbm>> -> memref<64xi32, #tpu.memory_space<hbm>>
    %dma_start3A_14 = arith.constant 0 : i32
    %dma_start3A_15 = tpu.memref_slice %arg6[%dma_start3A_14] : memref<2048xi32, #tpu.memory_space<hbm>> -> memref<64xi32, #tpu.memory_space<hbm>>
    tpu.enqueue_dma source(%dma_start3A_15 : memref<64xi32, #tpu.memory_space<hbm>>) target(%arg29 : memref<64xi32, #tpu.memory_space<vmem>>) target_semaphore(%arg26 : memref<!tpu.dma_semaphore, #tpu.memory_space<semaphore_mem>>)
    %dma_start3A_16 = arith.constant 0 : i32
    %dma_start3A_17 = tpu.memref_slice %arg13[%dma_start3A_16] : memref<2048xf32, #tpu.memory_space<hbm>> -> memref<64xf32, #tpu.memory_space<hbm>>
    %dma_start3A_18 = arith.constant 0 : i32
    %dma_start3A_19 = tpu.memref_slice %arg13[%dma_start3A_18] : memref<2048xf32, #tpu.memory_space<hbm>> -> memref<64xf32, #tpu.memory_space<hbm>>
    tpu.enqueue_dma source(%dma_start3A_19 : memref<64xf32, #tpu.memory_space<hbm>>) target(%arg36 : memref<64xf32, #tpu.memory_space<vmem>>) target_semaphore(%arg26 : memref<!tpu.dma_semaphore, #tpu.memory_space<semaphore_mem>>)
    %dma_start3A_20 = arith.constant 0 : i32
    %dma_start3A_21 = tpu.memref_slice %arg7[%dma_start3A_20] : memref<4096xi32, #tpu.memory_space<hbm>> -> memref<128xi32, #tpu.memory_space<hbm>>
    %dma_start3A_22 = arith.constant 0 : i32
    %dma_start3A_23 = tpu.memref_slice %arg7[%dma_start3A_22] : memref<4096xi32, #tpu.memory_space<hbm>> -> memref<128xi32, #tpu.memory_space<hbm>>
    tpu.enqueue_dma source(%dma_start3A_23 : memref<128xi32, #tpu.memory_space<hbm>>) target(%arg30 : memref<128xi32, #tpu.memory_space<vmem>>) target_semaphore(%arg26 : memref<!tpu.dma_semaphore, #tpu.memory_space<semaphore_mem>>)
    %dma_start3A_24 = arith.constant 0 : i32
    %dma_start3A_25 = tpu.memref_slice %arg14[%dma_start3A_24] : memref<4096xf32, #tpu.memory_space<hbm>> -> memref<128xf32, #tpu.memory_space<hbm>>
    %dma_start3A_26 = arith.constant 0 : i32
    %dma_start3A_27 = tpu.memref_slice %arg14[%dma_start3A_26] : memref<4096xf32, #tpu.memory_space<hbm>> -> memref<128xf32, #tpu.memory_space<hbm>>
    tpu.enqueue_dma source(%dma_start3A_27 : memref<128xf32, #tpu.memory_space<hbm>>) target(%arg37 : memref<128xf32, #tpu.memory_space<vmem>>) target_semaphore(%arg26 : memref<!tpu.dma_semaphore, #tpu.memory_space<semaphore_mem>>)
    %dma_start3A_28 = arith.constant 0 : i32
    %dma_start3A_29 = tpu.memref_slice %arg8[%dma_start3A_28] : memref<8192xi32, #tpu.memory_space<hbm>> -> memref<256xi32, #tpu.memory_space<hbm>>
    %dma_start3A_30 = arith.constant 0 : i32
    %dma_start3A_31 = tpu.memref_slice %arg8[%dma_start3A_30] : memref<8192xi32, #tpu.memory_space<hbm>> -> memref<256xi32, #tpu.memory_space<hbm>>
    tpu.enqueue_dma source(%dma_start3A_31 : memref<256xi32, #tpu.memory_space<hbm>>) target(%arg31 : memref<256xi32, #tpu.memory_space<vmem>>) target_semaphore(%arg26 : memref<!tpu.dma_semaphore, #tpu.memory_space<semaphore_mem>>)
    %dma_start3A_32 = arith.constant 0 : i32
    %dma_start3A_33 = tpu.memref_slice %arg15[%dma_start3A_32] : memref<8192xf32, #tpu.memory_space<hbm>> -> memref<256xf32, #tpu.memory_space<hbm>>
    %dma_start3A_34 = arith.constant 0 : i32
    %dma_start3A_35 = tpu.memref_slice %arg15[%dma_start3A_34] : memref<8192xf32, #tpu.memory_space<hbm>> -> memref<256xf32, #tpu.memory_space<hbm>>
    tpu.enqueue_dma source(%dma_start3A_35 : memref<256xf32, #tpu.memory_space<hbm>>) target(%arg38 : memref<256xf32, #tpu.memory_space<vmem>>) target_semaphore(%arg26 : memref<!tpu.dma_semaphore, #tpu.memory_space<semaphore_mem>>)
    %dma_start3A_36 = arith.constant 0 : i32
    %dma_start3A_37 = tpu.memref_slice %arg9[%dma_start3A_36] : memref<16384xi32, #tpu.memory_space<hbm>> -> memref<512xi32, #tpu.memory_space<hbm>>
    %dma_start3A_38 = arith.constant 0 : i32
    %dma_start3A_39 = tpu.memref_slice %arg9[%dma_start3A_38] : memref<16384xi32, #tpu.memory_space<hbm>> -> memref<512xi32, #tpu.memory_space<hbm>>
    tpu.enqueue_dma source(%dma_start3A_39 : memref<512xi32, #tpu.memory_space<hbm>>) target(%arg32 : memref<512xi32, #tpu.memory_space<vmem>>) target_semaphore(%arg26 : memref<!tpu.dma_semaphore, #tpu.memory_space<semaphore_mem>>)
    %dma_start3A_40 = arith.constant 0 : i32
    %dma_start3A_41 = tpu.memref_slice %arg16[%dma_start3A_40] : memref<16384xf32, #tpu.memory_space<hbm>> -> memref<512xf32, #tpu.memory_space<hbm>>
    %dma_start3A_42 = arith.constant 0 : i32
    %dma_start3A_43 = tpu.memref_slice %arg16[%dma_start3A_42] : memref<16384xf32, #tpu.memory_space<hbm>> -> memref<512xf32, #tpu.memory_space<hbm>>
    tpu.enqueue_dma source(%dma_start3A_43 : memref<512xf32, #tpu.memory_space<hbm>>) target(%arg39 : memref<512xf32, #tpu.memory_space<vmem>>) target_semaphore(%arg26 : memref<!tpu.dma_semaphore, #tpu.memory_space<semaphore_mem>>)
    %dma_start3A_44 = arith.constant 0 : i32
    %dma_start3A_45 = tpu.memref_slice %arg10[%dma_start3A_44] : memref<32768xi32, #tpu.memory_space<hbm>> -> memref<1024xi32, #tpu.memory_space<hbm>>
    %dma_start3A_46 = arith.constant 0 : i32
    %dma_start3A_47 = tpu.memref_slice %arg10[%dma_start3A_46] : memref<32768xi32, #tpu.memory_space<hbm>> -> memref<1024xi32, #tpu.memory_space<hbm>>
    tpu.enqueue_dma source(%dma_start3A_47 : memref<1024xi32, #tpu.memory_space<hbm>>) target(%arg33 : memref<1024xi32, #tpu.memory_space<vmem>>) target_semaphore(%arg26 : memref<!tpu.dma_semaphore, #tpu.memory_space<semaphore_mem>>)
    %dma_start3A_48 = arith.constant 0 : i32
    %dma_start3A_49 = tpu.memref_slice %arg17[%dma_start3A_48] : memref<32768xf32, #tpu.memory_space<hbm>> -> memref<1024xf32, #tpu.memory_space<hbm>>
    %dma_start3A_50 = arith.constant 0 : i32
    %dma_start3A_51 = tpu.memref_slice %arg17[%dma_start3A_50] : memref<32768xf32, #tpu.memory_space<hbm>> -> memref<1024xf32, #tpu.memory_space<hbm>>
    tpu.enqueue_dma source(%dma_start3A_51 : memref<1024xf32, #tpu.memory_space<hbm>>) target(%arg40 : memref<1024xf32, #tpu.memory_space<vmem>>) target_semaphore(%arg26 : memref<!tpu.dma_semaphore, #tpu.memory_space<semaphore_mem>>)
    %dma_start3A_52 = arith.constant 0 : i32
    %dma_start3A_53 = tpu.memref_slice %arg11[%dma_start3A_52] : memref<65536xi32, #tpu.memory_space<hbm>> -> memref<2048xi32, #tpu.memory_space<hbm>>
    %dma_start3A_54 = arith.constant 0 : i32
    %dma_start3A_55 = tpu.memref_slice %arg11[%dma_start3A_54] : memref<65536xi32, #tpu.memory_space<hbm>> -> memref<2048xi32, #tpu.memory_space<hbm>>
    tpu.enqueue_dma source(%dma_start3A_55 : memref<2048xi32, #tpu.memory_space<hbm>>) target(%arg34 : memref<2048xi32, #tpu.memory_space<vmem>>) target_semaphore(%arg26 : memref<!tpu.dma_semaphore, #tpu.memory_space<semaphore_mem>>)
    %dma_start3A_56 = arith.constant 0 : i32
    %dma_start3A_57 = tpu.memref_slice %arg18[%dma_start3A_56] : memref<65536xf32, #tpu.memory_space<hbm>> -> memref<2048xf32, #tpu.memory_space<hbm>>
    %dma_start3A_58 = arith.constant 0 : i32
    %dma_start3A_59 = tpu.memref_slice %arg18[%dma_start3A_58] : memref<65536xf32, #tpu.memory_space<hbm>> -> memref<2048xf32, #tpu.memory_space<hbm>>
    tpu.enqueue_dma source(%dma_start3A_59 : memref<2048xf32, #tpu.memory_space<hbm>>) target(%arg41 : memref<2048xf32, #tpu.memory_space<vmem>>) target_semaphore(%arg26 : memref<!tpu.dma_semaphore, #tpu.memory_space<semaphore_mem>>)
    %dma_start3A_60 = arith.constant 0 : i32
    %dma_start3A_61 = tpu.memref_slice %arg19[%dma_start3A_60] : memref<131072xf32, #tpu.memory_space<hbm>> -> memref<4096xf32, #tpu.memory_space<hbm>>
    %dma_start3A_62 = arith.constant 0 : i32
    %dma_start3A_63 = tpu.memref_slice %arg19[%dma_start3A_62] : memref<131072xf32, #tpu.memory_space<hbm>> -> memref<4096xf32, #tpu.memory_space<hbm>>
    tpu.enqueue_dma source(%dma_start3A_63 : memref<4096xf32, #tpu.memory_space<hbm>>) target(%arg42 : memref<4096xf32, #tpu.memory_space<vmem>>) target_semaphore(%arg26 : memref<!tpu.dma_semaphore, #tpu.memory_space<semaphore_mem>>)
    %dma_wait3A = tpu.memref_slice %arg2[%mul3A_2] : memref<1048576xf32, #tpu.memory_space<hbm>> -> memref<32768xf32, #tpu.memory_space<hbm>>
    %dma_wait3A_64 = tpu.memref_slice %arg2[%mul3A_2] : memref<1048576xf32, #tpu.memory_space<hbm>> -> memref<32768xf32, #tpu.memory_space<hbm>>
    tpu.wait_dma2 semaphore(%arg25 : memref<!tpu.dma_semaphore, #tpu.memory_space<semaphore_mem>>) src(%dma_wait3A_64 : memref<32768xf32, #tpu.memory_space<hbm>>) dst(%arg21 : memref<32768xf32, #tpu.memory_space<vmem>>)
    tpu.wait_dma2 semaphore(%arg25 : memref<!tpu.dma_semaphore, #tpu.memory_space<semaphore_mem>>) src(%arg3 : memref<512xi32, #tpu.memory_space<hbm>>) dst(%arg22 : memref<512xi32, #tpu.memory_space<vmem>>)
    tpu.wait_dma2 semaphore(%arg25 : memref<!tpu.dma_semaphore, #tpu.memory_space<semaphore_mem>>) src(%arg4 : memref<512xf32, #tpu.memory_space<hbm>>) dst(%arg23 : memref<512xf32, #tpu.memory_space<vmem>>)
    %iota3A = tpu.iota {dimensions = array<i32: 0>} : vector<16xi32>
    %mul3A_65 = arith.constant 2 : i32
    %mul3A_66 = vector.broadcast %mul3A_65 : i32 to vector<16xi32>
    %mul3A_67 = arith.muli %iota3A, %mul3A_66 : vector<16xi32>
    %mul3A_68 = arith.constant 4 : i32
    %mul3A_69 = vector.broadcast %mul3A_68 : i32 to vector<16xi32>
    %mul3A_70 = arith.muli %iota3A, %mul3A_69 : vector<16xi32>
    %mul3A_71 = arith.constant 8 : i32
    %mul3A_72 = vector.broadcast %mul3A_71 : i32 to vector<16xi32>
    %mul3A_73 = arith.muli %iota3A, %mul3A_72 : vector<16xi32>
    %mul3A_74 = arith.constant 16 : i32
    %mul3A_75 = vector.broadcast %mul3A_74 : i32 to vector<16xi32>
    %mul3A_76 = arith.muli %iota3A, %mul3A_75 : vector<16xi32>
    %mul3A_77 = arith.constant 32 : i32
    %mul3A_78 = vector.broadcast %mul3A_77 : i32 to vector<16xi32>
    %mul3A_79 = arith.muli %iota3A, %mul3A_78 : vector<16xi32>
    %mul3A_80 = arith.constant 64 : i32
    %mul3A_81 = vector.broadcast %mul3A_80 : i32 to vector<16xi32>
    %mul3A_82 = arith.muli %iota3A, %mul3A_81 : vector<16xi32>
    %mul3A_83 = arith.constant 128 : i32
    %mul3A_84 = vector.broadcast %mul3A_83 : i32 to vector<16xi32>
    %mul3A_85 = arith.muli %iota3A, %mul3A_84 : vector<16xi32>
    %mul3A_86 = arith.constant 256 : i32
    %mul3A_87 = vector.broadcast %mul3A_86 : i32 to vector<16xi32>
    %mul3A_88 = arith.muli %iota3A, %mul3A_87 : vector<16xi32>
    %scan3A = arith.constant 0 : i32
    %scan3A_89 = arith.constant 0 : i32
    %scan3A_90 = arith.constant 16 : i32
    %scan3A_91 = arith.addi %scan3A_89, %scan3A_90 : i32
    %scan3A_92 = arith.constant 1 : i32
    scf.for %scan3A_96 = %scan3A_89 to %scan3A_91 step %scan3A_92  : i32 {
      %dma_wait3A_97 = arith.constant 0 : i32
      %dma_wait3A_98 = tpu.memref_slice %arg5[%dma_wait3A_97] : memref<1024xi32, #tpu.memory_space<hbm>> -> memref<32xi32, #tpu.memory_space<hbm>>
      %dma_wait3A_99 = arith.constant 0 : i32
      %dma_wait3A_100 = tpu.memref_slice %arg5[%dma_wait3A_99] : memref<1024xi32, #tpu.memory_space<hbm>> -> memref<32xi32, #tpu.memory_space<hbm>>
      tpu.wait_dma2 semaphore(%arg26 : memref<!tpu.dma_semaphore, #tpu.memory_space<semaphore_mem>>) src(%dma_wait3A_100 : memref<32xi32, #tpu.memory_space<hbm>>) dst(%arg28 : memref<32xi32, #tpu.memory_space<vmem>>)
      %dma_wait3A_101 = arith.constant 0 : i32
      %dma_wait3A_102 = tpu.memref_slice %arg12[%dma_wait3A_101] : memref<1024xf32, #tpu.memory_space<hbm>> -> memref<32xf32, #tpu.memory_space<hbm>>
      %dma_wait3A_103 = arith.constant 0 : i32
      %dma_wait3A_104 = tpu.memref_slice %arg12[%dma_wait3A_103] : memref<1024xf32, #tpu.memory_space<hbm>> -> memref<32xf32, #tpu.memory_space<hbm>>
      tpu.wait_dma2 semaphore(%arg26 : memref<!tpu.dma_semaphore, #tpu.memory_space<semaphore_mem>>) src(%dma_wait3A_104 : memref<32xf32, #tpu.memory_space<hbm>>) dst(%arg35 : memref<32xf32, #tpu.memory_space<vmem>>)
      %dma_wait3A_105 = arith.constant 0 : i32
      %dma_wait3A_106 = tpu.memref_slice %arg6[%dma_wait3A_105] : memref<2048xi32, #tpu.memory_space<hbm>> -> memref<64xi32, #tpu.memory_space<hbm>>
      %dma_wait3A_107 = arith.constant 0 : i32
      %dma_wait3A_108 = tpu.memref_slice %arg6[%dma_wait3A_107] : memref<2048xi32, #tpu.memory_space<hbm>> -> memref<64xi32, #tpu.memory_space<hbm>>
      tpu.wait_dma2 semaphore(%arg26 : memref<!tpu.dma_semaphore, #tpu.memory_space<semaphore_mem>>) src(%dma_wait3A_108 : memref<64xi32, #tpu.memory_space<hbm>>) dst(%arg29 : memref<64xi32, #tpu.memory_space<vmem>>)
      %dma_wait3A_109 = arith.constant 0 : i32
      %dma_wait3A_110 = tpu.memref_slice %arg13[%dma_wait3A_109] : memref<2048xf32, #tpu.memory_space<hbm>> -> memref<64xf32, #tpu.memory_space<hbm>>
      %dma_wait3A_111 = arith.constant 0 : i32
      %dma_wait3A_112 = tpu.memref_slice %arg13[%dma_wait3A_111] : memref<2048xf32, #tpu.memory_space<hbm>> -> memref<64xf32, #tpu.memory_space<hbm>>
      tpu.wait_dma2 semaphore(%arg26 : memref<!tpu.dma_semaphore, #tpu.memory_space<semaphore_mem>>) src(%dma_wait3A_112 : memref<64xf32, #tpu.memory_space<hbm>>) dst(%arg36 : memref<64xf32, #tpu.memory_space<vmem>>)
      %dma_wait3A_113 = arith.constant 0 : i32
      %dma_wait3A_114 = tpu.memref_slice %arg7[%dma_wait3A_113] : memref<4096xi32, #tpu.memory_space<hbm>> -> memref<128xi32, #tpu.memory_space<hbm>>
      %dma_wait3A_115 = arith.constant 0 : i32
      %dma_wait3A_116 = tpu.memref_slice %arg7[%dma_wait3A_115] : memref<4096xi32, #tpu.memory_space<hbm>> -> memref<128xi32, #tpu.memory_space<hbm>>
      tpu.wait_dma2 semaphore(%arg26 : memref<!tpu.dma_semaphore, #tpu.memory_space<semaphore_mem>>) src(%dma_wait3A_116 : memref<128xi32, #tpu.memory_space<hbm>>) dst(%arg30 : memref<128xi32, #tpu.memory_space<vmem>>)
      %dma_wait3A_117 = arith.constant 0 : i32
      %dma_wait3A_118 = tpu.memref_slice %arg14[%dma_wait3A_117] : memref<4096xf32, #tpu.memory_space<hbm>> -> memref<128xf32, #tpu.memory_space<hbm>>
      %dma_wait3A_119 = arith.constant 0 : i32
      %dma_wait3A_120 = tpu.memref_slice %arg14[%dma_wait3A_119] : memref<4096xf32, #tpu.memory_space<hbm>> -> memref<128xf32, #tpu.memory_space<hbm>>
      tpu.wait_dma2 semaphore(%arg26 : memref<!tpu.dma_semaphore, #tpu.memory_space<semaphore_mem>>) src(%dma_wait3A_120 : memref<128xf32, #tpu.memory_space<hbm>>) dst(%arg37 : memref<128xf32, #tpu.memory_space<vmem>>)
      %dma_wait3A_121 = arith.constant 0 : i32
      %dma_wait3A_122 = tpu.memref_slice %arg8[%dma_wait3A_121] : memref<8192xi32, #tpu.memory_space<hbm>> -> memref<256xi32, #tpu.memory_space<hbm>>
      %dma_wait3A_123 = arith.constant 0 : i32
      %dma_wait3A_124 = tpu.memref_slice %arg8[%dma_wait3A_123] : memref<8192xi32, #tpu.memory_space<hbm>> -> memref<256xi32, #tpu.memory_space<hbm>>
      tpu.wait_dma2 semaphore(%arg26 : memref<!tpu.dma_semaphore, #tpu.memory_space<semaphore_mem>>) src(%dma_wait3A_124 : memref<256xi32, #tpu.memory_space<hbm>>) dst(%arg31 : memref<256xi32, #tpu.memory_space<vmem>>)
      %dma_wait3A_125 = arith.constant 0 : i32
      %dma_wait3A_126 = tpu.memref_slice %arg15[%dma_wait3A_125] : memref<8192xf32, #tpu.memory_space<hbm>> -> memref<256xf32, #tpu.memory_space<hbm>>
      %dma_wait3A_127 = arith.constant 0 : i32
      %dma_wait3A_128 = tpu.memref_slice %arg15[%dma_wait3A_127] : memref<8192xf32, #tpu.memory_space<hbm>> -> memref<256xf32, #tpu.memory_space<hbm>>
      tpu.wait_dma2 semaphore(%arg26 : memref<!tpu.dma_semaphore, #tpu.memory_space<semaphore_mem>>) src(%dma_wait3A_128 : memref<256xf32, #tpu.memory_space<hbm>>) dst(%arg38 : memref<256xf32, #tpu.memory_space<vmem>>)
      %dma_wait3A_129 = arith.constant 0 : i32
      %dma_wait3A_130 = tpu.memref_slice %arg9[%dma_wait3A_129] : memref<16384xi32, #tpu.memory_space<hbm>> -> memref<512xi32, #tpu.memory_space<hbm>>
      %dma_wait3A_131 = arith.constant 0 : i32
      %dma_wait3A_132 = tpu.memref_slice %arg9[%dma_wait3A_131] : memref<16384xi32, #tpu.memory_space<hbm>> -> memref<512xi32, #tpu.memory_space<hbm>>
      tpu.wait_dma2 semaphore(%arg26 : memref<!tpu.dma_semaphore, #tpu.memory_space<semaphore_mem>>) src(%dma_wait3A_132 : memref<512xi32, #tpu.memory_space<hbm>>) dst(%arg32 : memref<512xi32, #tpu.memory_space<vmem>>)
      %dma_wait3A_133 = arith.constant 0 : i32
      %dma_wait3A_134 = tpu.memref_slice %arg16[%dma_wait3A_133] : memref<16384xf32, #tpu.memory_space<hbm>> -> memref<512xf32, #tpu.memory_space<hbm>>
      %dma_wait3A_135 = arith.constant 0 : i32
      %dma_wait3A_136 = tpu.memref_slice %arg16[%dma_wait3A_135] : memref<16384xf32, #tpu.memory_space<hbm>> -> memref<512xf32, #tpu.memory_space<hbm>>
      tpu.wait_dma2 semaphore(%arg26 : memref<!tpu.dma_semaphore, #tpu.memory_space<semaphore_mem>>) src(%dma_wait3A_136 : memref<512xf32, #tpu.memory_space<hbm>>) dst(%arg39 : memref<512xf32, #tpu.memory_space<vmem>>)
      %dma_wait3A_137 = arith.constant 0 : i32
      %dma_wait3A_138 = tpu.memref_slice %arg10[%dma_wait3A_137] : memref<32768xi32, #tpu.memory_space<hbm>> -> memref<1024xi32, #tpu.memory_space<hbm>>
      %dma_wait3A_139 = arith.constant 0 : i32
      %dma_wait3A_140 = tpu.memref_slice %arg10[%dma_wait3A_139] : memref<32768xi32, #tpu.memory_space<hbm>> -> memref<1024xi32, #tpu.memory_space<hbm>>
      tpu.wait_dma2 semaphore(%arg26 : memref<!tpu.dma_semaphore, #tpu.memory_space<semaphore_mem>>) src(%dma_wait3A_140 : memref<1024xi32, #tpu.memory_space<hbm>>) dst(%arg33 : memref<1024xi32, #tpu.memory_space<vmem>>)
      %dma_wait3A_141 = arith.constant 0 : i32
      %dma_wait3A_142 = tpu.memref_slice %arg17[%dma_wait3A_141] : memref<32768xf32, #tpu.memory_space<hbm>> -> memref<1024xf32, #tpu.memory_space<hbm>>
      %dma_wait3A_143 = arith.constant 0 : i32
      %dma_wait3A_144 = tpu.memref_slice %arg17[%dma_wait3A_143] : memref<32768xf32, #tpu.memory_space<hbm>> -> memref<1024xf32, #tpu.memory_space<hbm>>
      tpu.wait_dma2 semaphore(%arg26 : memref<!tpu.dma_semaphore, #tpu.memory_space<semaphore_mem>>) src(%dma_wait3A_144 : memref<1024xf32, #tpu.memory_space<hbm>>) dst(%arg40 : memref<1024xf32, #tpu.memory_space<vmem>>)
      %dma_wait3A_145 = arith.constant 0 : i32
      %dma_wait3A_146 = tpu.memref_slice %arg11[%dma_wait3A_145] : memref<65536xi32, #tpu.memory_space<hbm>> -> memref<2048xi32, #tpu.memory_space<hbm>>
      %dma_wait3A_147 = arith.constant 0 : i32
      %dma_wait3A_148 = tpu.memref_slice %arg11[%dma_wait3A_147] : memref<65536xi32, #tpu.memory_space<hbm>> -> memref<2048xi32, #tpu.memory_space<hbm>>
      tpu.wait_dma2 semaphore(%arg26 : memref<!tpu.dma_semaphore, #tpu.memory_space<semaphore_mem>>) src(%dma_wait3A_148 : memref<2048xi32, #tpu.memory_space<hbm>>) dst(%arg34 : memref<2048xi32, #tpu.memory_space<vmem>>)
      %dma_wait3A_149 = arith.constant 0 : i32
      %dma_wait3A_150 = tpu.memref_slice %arg18[%dma_wait3A_149] : memref<65536xf32, #tpu.memory_space<hbm>> -> memref<2048xf32, #tpu.memory_space<hbm>>
      %dma_wait3A_151 = arith.constant 0 : i32
      %dma_wait3A_152 = tpu.memref_slice %arg18[%dma_wait3A_151] : memref<65536xf32, #tpu.memory_space<hbm>> -> memref<2048xf32, #tpu.memory_space<hbm>>
      tpu.wait_dma2 semaphore(%arg26 : memref<!tpu.dma_semaphore, #tpu.memory_space<semaphore_mem>>) src(%dma_wait3A_152 : memref<2048xf32, #tpu.memory_space<hbm>>) dst(%arg41 : memref<2048xf32, #tpu.memory_space<vmem>>)
      %dma_wait3A_153 = arith.constant 0 : i32
      %dma_wait3A_154 = tpu.memref_slice %arg19[%dma_wait3A_153] : memref<131072xf32, #tpu.memory_space<hbm>> -> memref<4096xf32, #tpu.memory_space<hbm>>
      %dma_wait3A_155 = arith.constant 0 : i32
      %dma_wait3A_156 = tpu.memref_slice %arg19[%dma_wait3A_155] : memref<131072xf32, #tpu.memory_space<hbm>> -> memref<4096xf32, #tpu.memory_space<hbm>>
      tpu.wait_dma2 semaphore(%arg26 : memref<!tpu.dma_semaphore, #tpu.memory_space<semaphore_mem>>) src(%dma_wait3A_156 : memref<4096xf32, #tpu.memory_space<hbm>>) dst(%arg42 : memref<4096xf32, #tpu.memory_space<vmem>>)
      %mul3A_157 = arith.constant 2 : i32
      %mul3A_158 = arith.muli %mul3A_157, %scan3A_96 : i32
      %add3A_159 = arith.constant 1 : i32
      %add3A_160 = arith.addi %mul3A_158, %add3A_159 : i32
      %mul3A_161 = arith.constant 32 : i32
      %mul3A_162 = arith.muli %add3A_160, %mul3A_161 : i32
      %dma_start3A_163 = tpu.memref_slice %arg5[%mul3A_162] : memref<1024xi32, #tpu.memory_space<hbm>> -> memref<32xi32, #tpu.memory_space<hbm>>
      %dma_start3A_164 = tpu.memref_slice %arg5[%mul3A_162] : memref<1024xi32, #tpu.memory_space<hbm>> -> memref<32xi32, #tpu.memory_space<hbm>>
      tpu.enqueue_dma source(%dma_start3A_164 : memref<32xi32, #tpu.memory_space<hbm>>) target(%arg43 : memref<32xi32, #tpu.memory_space<vmem>>) target_semaphore(%arg27 : memref<!tpu.dma_semaphore, #tpu.memory_space<semaphore_mem>>)
      %mul3A_165 = arith.constant 32 : i32
      %mul3A_166 = arith.muli %add3A_160, %mul3A_165 : i32
      %dma_start3A_167 = tpu.memref_slice %arg12[%mul3A_166] : memref<1024xf32, #tpu.memory_space<hbm>> -> memref<32xf32, #tpu.memory_space<hbm>>
      %dma_start3A_168 = tpu.memref_slice %arg12[%mul3A_166] : memref<1024xf32, #tpu.memory_space<hbm>> -> memref<32xf32, #tpu.memory_space<hbm>>
      tpu.enqueue_dma source(%dma_start3A_168 : memref<32xf32, #tpu.memory_space<hbm>>) target(%arg50 : memref<32xf32, #tpu.memory_space<vmem>>) target_semaphore(%arg27 : memref<!tpu.dma_semaphore, #tpu.memory_space<semaphore_mem>>)
      %mul3A_169 = arith.constant 64 : i32
      %mul3A_170 = arith.muli %add3A_160, %mul3A_169 : i32
      %dma_start3A_171 = tpu.memref_slice %arg6[%mul3A_170] : memref<2048xi32, #tpu.memory_space<hbm>> -> memref<64xi32, #tpu.memory_space<hbm>>
      %dma_start3A_172 = tpu.memref_slice %arg6[%mul3A_170] : memref<2048xi32, #tpu.memory_space<hbm>> -> memref<64xi32, #tpu.memory_space<hbm>>
      tpu.enqueue_dma source(%dma_start3A_172 : memref<64xi32, #tpu.memory_space<hbm>>) target(%arg44 : memref<64xi32, #tpu.memory_space<vmem>>) target_semaphore(%arg27 : memref<!tpu.dma_semaphore, #tpu.memory_space<semaphore_mem>>)
      %mul3A_173 = arith.constant 64 : i32
      %mul3A_174 = arith.muli %add3A_160, %mul3A_173 : i32
      %dma_start3A_175 = tpu.memref_slice %arg13[%mul3A_174] : memref<2048xf32, #tpu.memory_space<hbm>> -> memref<64xf32, #tpu.memory_space<hbm>>
      %dma_start3A_176 = tpu.memref_slice %arg13[%mul3A_174] : memref<2048xf32, #tpu.memory_space<hbm>> -> memref<64xf32, #tpu.memory_space<hbm>>
      tpu.enqueue_dma source(%dma_start3A_176 : memref<64xf32, #tpu.memory_space<hbm>>) target(%arg51 : memref<64xf32, #tpu.memory_space<vmem>>) target_semaphore(%arg27 : memref<!tpu.dma_semaphore, #tpu.memory_space<semaphore_mem>>)
      %mul3A_177 = arith.constant 128 : i32
      %mul3A_178 = arith.muli %add3A_160, %mul3A_177 : i32
      %dma_start3A_179 = tpu.memref_slice %arg7[%mul3A_178] : memref<4096xi32, #tpu.memory_space<hbm>> -> memref<128xi32, #tpu.memory_space<hbm>>
      %dma_start3A_180 = tpu.memref_slice %arg7[%mul3A_178] : memref<4096xi32, #tpu.memory_space<hbm>> -> memref<128xi32, #tpu.memory_space<hbm>>
      tpu.enqueue_dma source(%dma_start3A_180 : memref<128xi32, #tpu.memory_space<hbm>>) target(%arg45 : memref<128xi32, #tpu.memory_space<vmem>>) target_semaphore(%arg27 : memref<!tpu.dma_semaphore, #tpu.memory_space<semaphore_mem>>)
      %mul3A_181 = arith.constant 128 : i32
      %mul3A_182 = arith.muli %add3A_160, %mul3A_181 : i32
      %dma_start3A_183 = tpu.memref_slice %arg14[%mul3A_182] : memref<4096xf32, #tpu.memory_space<hbm>> -> memref<128xf32, #tpu.memory_space<hbm>>
      %dma_start3A_184 = tpu.memref_slice %arg14[%mul3A_182] : memref<4096xf32, #tpu.memory_space<hbm>> -> memref<128xf32, #tpu.memory_space<hbm>>
      tpu.enqueue_dma source(%dma_start3A_184 : memref<128xf32, #tpu.memory_space<hbm>>) target(%arg52 : memref<128xf32, #tpu.memory_space<vmem>>) target_semaphore(%arg27 : memref<!tpu.dma_semaphore, #tpu.memory_space<semaphore_mem>>)
      %mul3A_185 = arith.constant 256 : i32
      %mul3A_186 = arith.muli %add3A_160, %mul3A_185 : i32
      %dma_start3A_187 = tpu.memref_slice %arg8[%mul3A_186] : memref<8192xi32, #tpu.memory_space<hbm>> -> memref<256xi32, #tpu.memory_space<hbm>>
      %dma_start3A_188 = tpu.memref_slice %arg8[%mul3A_186] : memref<8192xi32, #tpu.memory_space<hbm>> -> memref<256xi32, #tpu.memory_space<hbm>>
      tpu.enqueue_dma source(%dma_start3A_188 : memref<256xi32, #tpu.memory_space<hbm>>) target(%arg46 : memref<256xi32, #tpu.memory_space<vmem>>) target_semaphore(%arg27 : memref<!tpu.dma_semaphore, #tpu.memory_space<semaphore_mem>>)
      %mul3A_189 = arith.constant 256 : i32
      %mul3A_190 = arith.muli %add3A_160, %mul3A_189 : i32
      %dma_start3A_191 = tpu.memref_slice %arg15[%mul3A_190] : memref<8192xf32, #tpu.memory_space<hbm>> -> memref<256xf32, #tpu.memory_space<hbm>>
      %dma_start3A_192 = tpu.memref_slice %arg15[%mul3A_190] : memref<8192xf32, #tpu.memory_space<hbm>> -> memref<256xf32, #tpu.memory_space<hbm>>
      tpu.enqueue_dma source(%dma_start3A_192 : memref<256xf32, #tpu.memory_space<hbm>>) target(%arg53 : memref<256xf32, #tpu.memory_space<vmem>>) target_semaphore(%arg27 : memref<!tpu.dma_semaphore, #tpu.memory_space<semaphore_mem>>)
      %mul3A_193 = arith.constant 512 : i32
      %mul3A_194 = arith.muli %add3A_160, %mul3A_193 : i32
      %dma_start3A_195 = tpu.memref_slice %arg9[%mul3A_194] : memref<16384xi32, #tpu.memory_space<hbm>> -> memref<512xi32, #tpu.memory_space<hbm>>
      %dma_start3A_196 = tpu.memref_slice %arg9[%mul3A_194] : memref<16384xi32, #tpu.memory_space<hbm>> -> memref<512xi32, #tpu.memory_space<hbm>>
      tpu.enqueue_dma source(%dma_start3A_196 : memref<512xi32, #tpu.memory_space<hbm>>) target(%arg47 : memref<512xi32, #tpu.memory_space<vmem>>) target_semaphore(%arg27 : memref<!tpu.dma_semaphore, #tpu.memory_space<semaphore_mem>>)
      %mul3A_197 = arith.constant 512 : i32
      %mul3A_198 = arith.muli %add3A_160, %mul3A_197 : i32
      %dma_start3A_199 = tpu.memref_slice %arg16[%mul3A_198] : memref<16384xf32, #tpu.memory_space<hbm>> -> memref<512xf32, #tpu.memory_space<hbm>>
      %dma_start3A_200 = tpu.memref_slice %arg16[%mul3A_198] : memref<16384xf32, #tpu.memory_space<hbm>> -> memref<512xf32, #tpu.memory_space<hbm>>
      tpu.enqueue_dma source(%dma_start3A_200 : memref<512xf32, #tpu.memory_space<hbm>>) target(%arg54 : memref<512xf32, #tpu.memory_space<vmem>>) target_semaphore(%arg27 : memref<!tpu.dma_semaphore, #tpu.memory_space<semaphore_mem>>)
      %mul3A_201 = arith.constant 1024 : i32
      %mul3A_202 = arith.muli %add3A_160, %mul3A_201 : i32
      %dma_start3A_203 = tpu.memref_slice %arg10[%mul3A_202] : memref<32768xi32, #tpu.memory_space<hbm>> -> memref<1024xi32, #tpu.memory_space<hbm>>
      %dma_start3A_204 = tpu.memref_slice %arg10[%mul3A_202] : memref<32768xi32, #tpu.memory_space<hbm>> -> memref<1024xi32, #tpu.memory_space<hbm>>
      tpu.enqueue_dma source(%dma_start3A_204 : memref<1024xi32, #tpu.memory_space<hbm>>) target(%arg48 : memref<1024xi32, #tpu.memory_space<vmem>>) target_semaphore(%arg27 : memref<!tpu.dma_semaphore, #tpu.memory_space<semaphore_mem>>)
      %mul3A_205 = arith.constant 1024 : i32
      %mul3A_206 = arith.muli %add3A_160, %mul3A_205 : i32
      %dma_start3A_207 = tpu.memref_slice %arg17[%mul3A_206] : memref<32768xf32, #tpu.memory_space<hbm>> -> memref<1024xf32, #tpu.memory_space<hbm>>
      %dma_start3A_208 = tpu.memref_slice %arg17[%mul3A_206] : memref<32768xf32, #tpu.memory_space<hbm>> -> memref<1024xf32, #tpu.memory_space<hbm>>
      tpu.enqueue_dma source(%dma_start3A_208 : memref<1024xf32, #tpu.memory_space<hbm>>) target(%arg55 : memref<1024xf32, #tpu.memory_space<vmem>>) target_semaphore(%arg27 : memref<!tpu.dma_semaphore, #tpu.memory_space<semaphore_mem>>)
      %mul3A_209 = arith.constant 2048 : i32
      %mul3A_210 = arith.muli %add3A_160, %mul3A_209 : i32
      %dma_start3A_211 = tpu.memref_slice %arg11[%mul3A_210] : memref<65536xi32, #tpu.memory_space<hbm>> -> memref<2048xi32, #tpu.memory_space<hbm>>
      %dma_start3A_212 = tpu.memref_slice %arg11[%mul3A_210] : memref<65536xi32, #tpu.memory_space<hbm>> -> memref<2048xi32, #tpu.memory_space<hbm>>
      tpu.enqueue_dma source(%dma_start3A_212 : memref<2048xi32, #tpu.memory_space<hbm>>) target(%arg49 : memref<2048xi32, #tpu.memory_space<vmem>>) target_semaphore(%arg27 : memref<!tpu.dma_semaphore, #tpu.memory_space<semaphore_mem>>)
      %mul3A_213 = arith.constant 2048 : i32
      %mul3A_214 = arith.muli %add3A_160, %mul3A_213 : i32
      %dma_start3A_215 = tpu.memref_slice %arg18[%mul3A_214] : memref<65536xf32, #tpu.memory_space<hbm>> -> memref<2048xf32, #tpu.memory_space<hbm>>
      %dma_start3A_216 = tpu.memref_slice %arg18[%mul3A_214] : memref<65536xf32, #tpu.memory_space<hbm>> -> memref<2048xf32, #tpu.memory_space<hbm>>
      tpu.enqueue_dma source(%dma_start3A_216 : memref<2048xf32, #tpu.memory_space<hbm>>) target(%arg56 : memref<2048xf32, #tpu.memory_space<vmem>>) target_semaphore(%arg27 : memref<!tpu.dma_semaphore, #tpu.memory_space<semaphore_mem>>)
      %mul3A_217 = arith.constant 4096 : i32
      %mul3A_218 = arith.muli %add3A_160, %mul3A_217 : i32
      %dma_start3A_219 = tpu.memref_slice %arg19[%mul3A_218] : memref<131072xf32, #tpu.memory_space<hbm>> -> memref<4096xf32, #tpu.memory_space<hbm>>
      %dma_start3A_220 = tpu.memref_slice %arg19[%mul3A_218] : memref<131072xf32, #tpu.memory_space<hbm>> -> memref<4096xf32, #tpu.memory_space<hbm>>
      tpu.enqueue_dma source(%dma_start3A_220 : memref<4096xf32, #tpu.memory_space<hbm>>) target(%arg57 : memref<4096xf32, #tpu.memory_space<vmem>>) target_semaphore(%arg27 : memref<!tpu.dma_semaphore, #tpu.memory_space<semaphore_mem>>)
      %mul3A_221 = arith.constant 2 : i32
      %mul3A_222 = arith.muli %mul3A_221, %scan3A_96 : i32
      %mul3A_223 = arith.constant 16 : i32
      %mul3A_224 = arith.muli %mul3A_222, %mul3A_223 : i32
      %get3A = arith.index_cast %mul3A_224 : i32 to index
      %get3A_225 = tpu.vector_load %arg22[%get3A] {strides = array<i32>} : memref<512xi32, #tpu.memory_space<vmem>>, vector<16xi32>,
      %mul3A_226 = arith.constant 16 : i32
      %mul3A_227 = arith.muli %mul3A_222, %mul3A_226 : i32
      %get3A_228 = arith.index_cast %mul3A_227 : i32 to index
      %get3A_229 = tpu.vector_load %arg23[%get3A_228] {strides = array<i32>} : memref<512xf32, #tpu.memory_space<vmem>>, vector<16xf32>,
      %mul3A_230 = arith.constant 16 : i32
      %mul3A_231 = arith.muli %mul3A_222, %mul3A_230 : i32
      %add3A_232 = vector.broadcast %mul3A_231 : i32 to vector<16xi32>
      %add3A_233 = arith.addi %add3A_232, %iota3A : vector<16xi32>
      %scan3A_234 = arith.constant 0 : i32
      %scan3A_235 = arith.constant 0 : i32
      %scan3A_236 = arith.constant 16 : i32
      %scan3A_237 = arith.addi %scan3A_235, %scan3A_236 : i32
      %scan3A_238 = arith.constant 1 : i32
      scf.for %scan3A_324 = %scan3A_235 to %scan3A_237 step %scan3A_238  : i32 {
        %mul3A_325 = arith.constant 8 : i32
        %mul3A_326 = arith.muli %scan3A_324, %mul3A_325 : i32
        %add3A_327 = arith.constant 0 : i32
        %add3A_328 = arith.addi %mul3A_326, %add3A_327 : i32
        %mul3A_329 = arith.constant 256 : i32
        %mul3A_330 = arith.muli %add3A_328, %mul3A_329 : i32
        %mul3A_331 = arith.constant 8 : i32
        %mul3A_332 = arith.muli %scan3A_324, %mul3A_331 : i32
        %add3A_333 = arith.constant 1 : i32
        %add3A_334 = arith.addi %mul3A_332, %add3A_333 : i32
        %mul3A_335 = arith.constant 256 : i32
        %mul3A_336 = arith.muli %add3A_334, %mul3A_335 : i32
        %mul3A_337 = arith.constant 8 : i32
        %mul3A_338 = arith.muli %scan3A_324, %mul3A_337 : i32
        %add3A_339 = arith.constant 2 : i32
        %add3A_340 = arith.addi %mul3A_338, %add3A_339 : i32
        %mul3A_341 = arith.constant 256 : i32
        %mul3A_342 = arith.muli %add3A_340, %mul3A_341 : i32
        %mul3A_343 = arith.constant 8 : i32
        %mul3A_344 = arith.muli %scan3A_324, %mul3A_343 : i32
        %add3A_345 = arith.constant 3 : i32
        %add3A_346 = arith.addi %mul3A_344, %add3A_345 : i32
        %mul3A_347 = arith.constant 256 : i32
        %mul3A_348 = arith.muli %add3A_346, %mul3A_347 : i32
        %mul3A_349 = arith.constant 8 : i32
        %mul3A_350 = arith.muli %scan3A_324, %mul3A_349 : i32
        %add3A_351 = arith.constant 4 : i32
        %add3A_352 = arith.addi %mul3A_350, %add3A_351 : i32
        %mul3A_353 = arith.constant 256 : i32
        %mul3A_354 = arith.muli %add3A_352, %mul3A_353 : i32
        %mul3A_355 = arith.constant 8 : i32
        %mul3A_356 = arith.muli %scan3A_324, %mul3A_355 : i32
        %add3A_357 = arith.constant 5 : i32
        %add3A_358 = arith.addi %mul3A_356, %add3A_357 : i32
        %mul3A_359 = arith.constant 256 : i32
        %mul3A_360 = arith.muli %add3A_358, %mul3A_359 : i32
        %mul3A_361 = arith.constant 8 : i32
        %mul3A_362 = arith.muli %scan3A_324, %mul3A_361 : i32
        %add3A_363 = arith.constant 6 : i32
        %add3A_364 = arith.addi %mul3A_362, %add3A_363 : i32
        %mul3A_365 = arith.constant 256 : i32
        %mul3A_366 = arith.muli %add3A_364, %mul3A_365 : i32
        %mul3A_367 = arith.constant 8 : i32
        %mul3A_368 = arith.muli %scan3A_324, %mul3A_367 : i32
        %add3A_369 = arith.constant 7 : i32
        %add3A_370 = arith.addi %mul3A_368, %add3A_369 : i32
        %mul3A_371 = arith.constant 256 : i32
        %mul3A_372 = arith.muli %add3A_370, %mul3A_371 : i32
        %add3A_373 = vector.broadcast %mul3A_330 : i32 to vector<16xi32>
        %add3A_374 = arith.addi %get3A_225, %add3A_373 : vector<16xi32>
        %gather3A = tpu.vector_load_idx %arg21[%add3A_374] : memref<32768xf32, #tpu.memory_space<vmem>>[vector<16xi32>], vector<16xf32>,
        %add3A_375 = vector.broadcast %mul3A_336 : i32 to vector<16xi32>
        %add3A_376 = arith.addi %get3A_225, %add3A_375 : vector<16xi32>
        %gather3A_377 = tpu.vector_load_idx %arg21[%add3A_376] : memref<32768xf32, #tpu.memory_space<vmem>>[vector<16xi32>], vector<16xf32>,
        %add3A_378 = vector.broadcast %mul3A_342 : i32 to vector<16xi32>
        %add3A_379 = arith.addi %get3A_225, %add3A_378 : vector<16xi32>
        %gather3A_380 = tpu.vector_load_idx %arg21[%add3A_379] : memref<32768xf32, #tpu.memory_space<vmem>>[vector<16xi32>], vector<16xf32>,
        %add3A_381 = vector.broadcast %mul3A_348 : i32 to vector<16xi32>
        %add3A_382 = arith.addi %get3A_225, %add3A_381 : vector<16xi32>
        %gather3A_383 = tpu.vector_load_idx %arg21[%add3A_382] : memref<32768xf32, #tpu.memory_space<vmem>>[vector<16xi32>], vector<16xf32>,
        %add3A_384 = vector.broadcast %mul3A_354 : i32 to vector<16xi32>
        %add3A_385 = arith.addi %get3A_225, %add3A_384 : vector<16xi32>
        %gather3A_386 = tpu.vector_load_idx %arg21[%add3A_385] : memref<32768xf32, #tpu.memory_space<vmem>>[vector<16xi32>], vector<16xf32>,
        %add3A_387 = vector.broadcast %mul3A_360 : i32 to vector<16xi32>
        %add3A_388 = arith.addi %get3A_225, %add3A_387 : vector<16xi32>
        %gather3A_389 = tpu.vector_load_idx %arg21[%add3A_388] : memref<32768xf32, #tpu.memory_space<vmem>>[vector<16xi32>], vector<16xf32>,
        %add3A_390 = vector.broadcast %mul3A_366 : i32 to vector<16xi32>
        %add3A_391 = arith.addi %get3A_225, %add3A_390 : vector<16xi32>
        %gather3A_392 = tpu.vector_load_idx %arg21[%add3A_391] : memref<32768xf32, #tpu.memory_space<vmem>>[vector<16xi32>], vector<16xf32>,
        %add3A_393 = vector.broadcast %mul3A_372 : i32 to vector<16xi32>
        %add3A_394 = arith.addi %get3A_225, %add3A_393 : vector<16xi32>
        %gather3A_395 = tpu.vector_load_idx %arg21[%add3A_394] : memref<32768xf32, #tpu.memory_space<vmem>>[vector<16xi32>], vector<16xf32>,
        %le3A = arith.cmpf ole, %gather3A, %get3A_229 : vector<16xf32>
        %convert_element_type3A_396 = arith.extui %le3A : vector<16xi1> to vector<16xi32>
        %le3A_397 = arith.cmpf ole, %gather3A_377, %get3A_229 : vector<16xf32>
        %convert_element_type3A_398 = arith.extui %le3A_397 : vector<16xi1> to vector<16xi32>
        %le3A_399 = arith.cmpf ole, %gather3A_380, %get3A_229 : vector<16xf32>
        %convert_element_type3A_400 = arith.extui %le3A_399 : vector<16xi1> to vector<16xi32>
        %le3A_401 = arith.cmpf ole, %gather3A_383, %get3A_229 : vector<16xf32>
        %convert_element_type3A_402 = arith.extui %le3A_401 : vector<16xi1> to vector<16xi32>
        %le3A_403 = arith.cmpf ole, %gather3A_386, %get3A_229 : vector<16xf32>
        %convert_element_type3A_404 = arith.extui %le3A_403 : vector<16xi1> to vector<16xi32>
        %le3A_405 = arith.cmpf ole, %gather3A_389, %get3A_229 : vector<16xf32>
        %convert_element_type3A_406 = arith.extui %le3A_405 : vector<16xi1> to vector<16xi32>
        %le3A_407 = arith.cmpf ole, %gather3A_392, %get3A_229 : vector<16xf32>
        %convert_element_type3A_408 = arith.extui %le3A_407 : vector<16xi1> to vector<16xi32>
        %le3A_409 = arith.cmpf ole, %gather3A_395, %get3A_229 : vector<16xf32>
        %convert_element_type3A_410 = arith.extui %le3A_409 : vector<16xi1> to vector<16xi32>
        %add3A_411 = arith.addi %mul3A_67, %convert_element_type3A_396 : vector<16xi32>
        %add3A_412 = arith.addi %mul3A_67, %convert_element_type3A_398 : vector<16xi32>
        %add3A_413 = arith.addi %mul3A_67, %convert_element_type3A_400 : vector<16xi32>
        %add3A_414 = arith.addi %mul3A_67, %convert_element_type3A_402 : vector<16xi32>
        %add3A_415 = arith.addi %mul3A_67, %convert_element_type3A_404 : vector<16xi32>
        %add3A_416 = arith.addi %mul3A_67, %convert_element_type3A_406 : vector<16xi32>
        %add3A_417 = arith.addi %mul3A_67, %convert_element_type3A_408 : vector<16xi32>
        %add3A_418 = arith.addi %mul3A_67, %convert_element_type3A_410 : vector<16xi32>
        %gather3A_419 = tpu.vector_load_idx %arg28[%add3A_411] : memref<32xi32, #tpu.memory_space<vmem>>[vector<16xi32>], vector<16xi32>,
        %gather3A_420 = tpu.vector_load_idx %arg28[%add3A_412] : memref<32xi32, #tpu.memory_space<vmem>>[vector<16xi32>], vector<16xi32>,
        %gather3A_421 = tpu.vector_load_idx %arg28[%add3A_413] : memref<32xi32, #tpu.memory_space<vmem>>[vector<16xi32>], vector<16xi32>,
        %gather3A_422 = tpu.vector_load_idx %arg28[%add3A_414] : memref<32xi32, #tpu.memory_space<vmem>>[vector<16xi32>], vector<16xi32>,
        %gather3A_423 = tpu.vector_load_idx %arg28[%add3A_415] : memref<32xi32, #tpu.memory_space<vmem>>[vector<16xi32>], vector<16xi32>,
        %gather3A_424 = tpu.vector_load_idx %arg28[%add3A_416] : memref<32xi32, #tpu.memory_space<vmem>>[vector<16xi32>], vector<16xi32>,
        %gather3A_425 = tpu.vector_load_idx %arg28[%add3A_417] : memref<32xi32, #tpu.memory_space<vmem>>[vector<16xi32>], vector<16xi32>,
        %gather3A_426 = tpu.vector_load_idx %arg28[%add3A_418] : memref<32xi32, #tpu.memory_space<vmem>>[vector<16xi32>], vector<16xi32>,
        %gather3A_427 = tpu.vector_load_idx %arg35[%add3A_411] : memref<32xf32, #tpu.memory_space<vmem>>[vector<16xi32>], vector<16xf32>,
        %gather3A_428 = tpu.vector_load_idx %arg35[%add3A_412] : memref<32xf32, #tpu.memory_space<vmem>>[vector<16xi32>], vector<16xf32>,
        %gather3A_429 = tpu.vector_load_idx %arg35[%add3A_413] : memref<32xf32, #tpu.memory_space<vmem>>[vector<16xi32>], vector<16xf32>,
        %gather3A_430 = tpu.vector_load_idx %arg35[%add3A_414] : memref<32xf32, #tpu.memory_space<vmem>>[vector<16xi32>], vector<16xf32>,
        %gather3A_431 = tpu.vector_load_idx %arg35[%add3A_415] : memref<32xf32, #tpu.memory_space<vmem>>[vector<16xi32>], vector<16xf32>,
        %gather3A_432 = tpu.vector_load_idx %arg35[%add3A_416] : memref<32xf32, #tpu.memory_space<vmem>>[vector<16xi32>], vector<16xf32>,
        %gather3A_433 = tpu.vector_load_idx %arg35[%add3A_417] : memref<32xf32, #tpu.memory_space<vmem>>[vector<16xi32>], vector<16xf32>,
        %gather3A_434 = tpu.vector_load_idx %arg35[%add3A_418] : memref<32xf32, #tpu.memory_space<vmem>>[vector<16xi32>], vector<16xf32>,
        %add3A_435 = vector.broadcast %mul3A_330 : i32 to vector<16xi32>
        %add3A_436 = arith.addi %gather3A_419, %add3A_435 : vector<16xi32>
        %gather3A_437 = tpu.vector_load_idx %arg21[%add3A_436] : memref<32768xf32, #tpu.memory_space<vmem>>[vector<16xi32>], vector<16xf32>,
        %add3A_438 = vector.broadcast %mul3A_336 : i32 to vector<16xi32>
        %add3A_439 = arith.addi %gather3A_420, %add3A_438 : vector<16xi32>
        %gather3A_440 = tpu.vector_load_idx %arg21[%add3A_439] : memref<32768xf32, #tpu.memory_space<vmem>>[vector<16xi32>], vector<16xf32>,
        %add3A_441 = vector.broadcast %mul3A_342 : i32 to vector<16xi32>
        %add3A_442 = arith.addi %gather3A_421, %add3A_441 : vector<16xi32>
        %gather3A_443 = tpu.vector_load_idx %arg21[%add3A_442] : memref<32768xf32, #tpu.memory_space<vmem>>[vector<16xi32>], vector<16xf32>,
        %add3A_444 = vector.broadcast %mul3A_348 : i32 to vector<16xi32>
        %add3A_445 = arith.addi %gather3A_422, %add3A_444 : vector<16xi32>
        %gather3A_446 = tpu.vector_load_idx %arg21[%add3A_445] : memref<32768xf32, #tpu.memory_space<vmem>>[vector<16xi32>], vector<16xf32>,
        %add3A_447 = vector.broadcast %mul3A_354 : i32 to vector<16xi32>
        %add3A_448 = arith.addi %gather3A_423, %add3A_447 : vector<16xi32>
        %gather3A_449 = tpu.vector_load_idx %arg21[%add3A_448] : memref<32768xf32, #tpu.memory_space<vmem>>[vector<16xi32>], vector<16xf32>,
        %add3A_450 = vector.broadcast %mul3A_360 : i32 to vector<16xi32>
        %add3A_451 = arith.addi %gather3A_424, %add3A_450 : vector<16xi32>
        %gather3A_452 = tpu.vector_load_idx %arg21[%add3A_451] : memref<32768xf32, #tpu.memory_space<vmem>>[vector<16xi32>], vector<16xf32>,
        %add3A_453 = vector.broadcast %mul3A_366 : i32 to vector<16xi32>
        %add3A_454 = arith.addi %gather3A_425, %add3A_453 : vector<16xi32>
        %gather3A_455 = tpu.vector_load_idx %arg21[%add3A_454] : memref<32768xf32, #tpu.memory_space<vmem>>[vector<16xi32>], vector<16xf32>,
        %add3A_456 = vector.broadcast %mul3A_372 : i32 to vector<16xi32>
        %add3A_457 = arith.addi %gather3A_426, %add3A_456 : vector<16xi32>
        %gather3A_458 = tpu.vector_load_idx %arg21[%add3A_457] : memref<32768xf32, #tpu.memory_space<vmem>>[vector<16xi32>], vector<16xf32>,
        %add3A_459 = arith.addi %convert_element_type3A_396, %convert_element_type3A_396 : vector<16xi32>
        %le3A_460 = arith.cmpf ole, %gather3A_437, %gather3A_427 : vector<16xf32>
        %convert_element_type3A_461 = arith.extui %le3A_460 : vector<16xi1> to vector<16xi32>
        %add3A_462 = arith.addi %add3A_459, %convert_element_type3A_461 : vector<16xi32>
        %add3A_463 = arith.addi %convert_element_type3A_398, %convert_element_type3A_398 : vector<16xi32>
        %le3A_464 = arith.cmpf ole, %gather3A_440, %gather3A_428 : vector<16xf32>
        %convert_element_type3A_465 = arith.extui %le3A_464 : vector<16xi1> to vector<16xi32>
        %add3A_466 = arith.addi %add3A_463, %convert_element_type3A_465 : vector<16xi32>
        %add3A_467 = arith.addi %convert_element_type3A_400, %convert_element_type3A_400 : vector<16xi32>
        %le3A_468 = arith.cmpf ole, %gather3A_443, %gather3A_429 : vector<16xf32>
        %convert_element_type3A_469 = arith.extui %le3A_468 : vector<16xi1> to vector<16xi32>
        %add3A_470 = arith.addi %add3A_467, %convert_element_type3A_469 : vector<16xi32>
        %add3A_471 = arith.addi %convert_element_type3A_402, %convert_element_type3A_402 : vector<16xi32>
        %le3A_472 = arith.cmpf ole, %gather3A_446, %gather3A_430 : vector<16xf32>
        %convert_element_type3A_473 = arith.extui %le3A_472 : vector<16xi1> to vector<16xi32>
        %add3A_474 = arith.addi %add3A_471, %convert_element_type3A_473 : vector<16xi32>
        %add3A_475 = arith.addi %convert_element_type3A_404, %convert_element_type3A_404 : vector<16xi32>
        %le3A_476 = arith.cmpf ole, %gather3A_449, %gather3A_431 : vector<16xf32>
        %convert_element_type3A_477 = arith.extui %le3A_476 : vector<16xi1> to vector<16xi32>
        %add3A_478 = arith.addi %add3A_475, %convert_element_type3A_477 : vector<16xi32>
        %add3A_479 = arith.addi %convert_element_type3A_406, %convert_element_type3A_406 : vector<16xi32>
        %le3A_480 = arith.cmpf ole, %gather3A_452, %gather3A_432 : vector<16xf32>
        %convert_element_type3A_481 = arith.extui %le3A_480 : vector<16xi1> to vector<16xi32>
        %add3A_482 = arith.addi %add3A_479, %convert_element_type3A_481 : vector<16xi32>
        %add3A_483 = arith.addi %convert_element_type3A_408, %convert_element_type3A_408 : vector<16xi32>
        %le3A_484 = arith.cmpf ole, %gather3A_455, %gather3A_433 : vector<16xf32>
        %convert_element_type3A_485 = arith.extui %le3A_484 : vector<16xi1> to vector<16xi32>
        %add3A_486 = arith.addi %add3A_483, %convert_element_type3A_485 : vector<16xi32>
        %add3A_487 = arith.addi %convert_element_type3A_410, %convert_element_type3A_410 : vector<16xi32>
        %le3A_488 = arith.cmpf ole, %gather3A_458, %gather3A_434 : vector<16xf32>
        %convert_element_type3A_489 = arith.extui %le3A_488 : vector<16xi1> to vector<16xi32>
        %add3A_490 = arith.addi %add3A_487, %convert_element_type3A_489 : vector<16xi32>
        %add3A_491 = arith.addi %mul3A_70, %add3A_462 : vector<16xi32>
        %add3A_492 = arith.addi %mul3A_70, %add3A_466 : vector<16xi32>
        %add3A_493 = arith.addi %mul3A_70, %add3A_470 : vector<16xi32>
        %add3A_494 = arith.addi %mul3A_70, %add3A_474 : vector<16xi32>
        %add3A_495 = arith.addi %mul3A_70, %add3A_478 : vector<16xi32>
        %add3A_496 = arith.addi %mul3A_70, %add3A_482 : vector<16xi32>
        %add3A_497 = arith.addi %mul3A_70, %add3A_486 : vector<16xi32>
        %add3A_498 = arith.addi %mul3A_70, %add3A_490 : vector<16xi32>
        %gather3A_499 = tpu.vector_load_idx %arg29[%add3A_491] : memref<64xi32, #tpu.memory_space<vmem>>[vector<16xi32>], vector<16xi32>,
        %gather3A_500 = tpu.vector_load_idx %arg29[%add3A_492] : memref<64xi32, #tpu.memory_space<vmem>>[vector<16xi32>], vector<16xi32>,
        %gather3A_501 = tpu.vector_load_idx %arg29[%add3A_493] : memref<64xi32, #tpu.memory_space<vmem>>[vector<16xi32>], vector<16xi32>,
        %gather3A_502 = tpu.vector_load_idx %arg29[%add3A_494] : memref<64xi32, #tpu.memory_space<vmem>>[vector<16xi32>], vector<16xi32>,
        %gather3A_503 = tpu.vector_load_idx %arg29[%add3A_495] : memref<64xi32, #tpu.memory_space<vmem>>[vector<16xi32>], vector<16xi32>,
        %gather3A_504 = tpu.vector_load_idx %arg29[%add3A_496] : memref<64xi32, #tpu.memory_space<vmem>>[vector<16xi32>], vector<16xi32>,
        %gather3A_505 = tpu.vector_load_idx %arg29[%add3A_497] : memref<64xi32, #tpu.memory_space<vmem>>[vector<16xi32>], vector<16xi32>,
        %gather3A_506 = tpu.vector_load_idx %arg29[%add3A_498] : memref<64xi32, #tpu.memory_space<vmem>>[vector<16xi32>], vector<16xi32>,
        %gather3A_507 = tpu.vector_load_idx %arg36[%add3A_491] : memref<64xf32, #tpu.memory_space<vmem>>[vector<16xi32>], vector<16xf32>,
        %gather3A_508 = tpu.vector_load_idx %arg36[%add3A_492] : memref<64xf32, #tpu.memory_space<vmem>>[vector<16xi32>], vector<16xf32>,
        %gather3A_509 = tpu.vector_load_idx %arg36[%add3A_493] : memref<64xf32, #tpu.memory_space<vmem>>[vector<16xi32>], vector<16xf32>,
        %gather3A_510 = tpu.vector_load_idx %arg36[%add3A_494] : memref<64xf32, #tpu.memory_space<vmem>>[vector<16xi32>], vector<16xf32>,
        %gather3A_511 = tpu.vector_load_idx %arg36[%add3A_495] : memref<64xf32, #tpu.memory_space<vmem>>[vector<16xi32>], vector<16xf32>,
        %gather3A_512 = tpu.vector_load_idx %arg36[%add3A_496] : memref<64xf32, #tpu.memory_space<vmem>>[vector<16xi32>], vector<16xf32>,
        %gather3A_513 = tpu.vector_load_idx %arg36[%add3A_497] : memref<64xf32, #tpu.memory_space<vmem>>[vector<16xi32>], vector<16xf32>,
        %gather3A_514 = tpu.vector_load_idx %arg36[%add3A_498] : memref<64xf32, #tpu.memory_space<vmem>>[vector<16xi32>], vector<16xf32>,
        %add3A_515 = vector.broadcast %mul3A_330 : i32 to vector<16xi32>
        %add3A_516 = arith.addi %gather3A_499, %add3A_515 : vector<16xi32>
        %gather3A_517 = tpu.vector_load_idx %arg21[%add3A_516] : memref<32768xf32, #tpu.memory_space<vmem>>[vector<16xi32>], vector<16xf32>,
        %add3A_518 = vector.broadcast %mul3A_336 : i32 to vector<16xi32>
        %add3A_519 = arith.addi %gather3A_500, %add3A_518 : vector<16xi32>
        %gather3A_520 = tpu.vector_load_idx %arg21[%add3A_519] : memref<32768xf32, #tpu.memory_space<vmem>>[vector<16xi32>], vector<16xf32>,
        %add3A_521 = vector.broadcast %mul3A_342 : i32 to vector<16xi32>
        %add3A_522 = arith.addi %gather3A_501, %add3A_521 : vector<16xi32>
        %gather3A_523 = tpu.vector_load_idx %arg21[%add3A_522] : memref<32768xf32, #tpu.memory_space<vmem>>[vector<16xi32>], vector<16xf32>,
        %add3A_524 = vector.broadcast %mul3A_348 : i32 to vector<16xi32>
        %add3A_525 = arith.addi %gather3A_502, %add3A_524 : vector<16xi32>
        %gather3A_526 = tpu.vector_load_idx %arg21[%add3A_525] : memref<32768xf32, #tpu.memory_space<vmem>>[vector<16xi32>], vector<16xf32>,
        %add3A_527 = vector.broadcast %mul3A_354 : i32 to vector<16xi32>
        %add3A_528 = arith.addi %gather3A_503, %add3A_527 : vector<16xi32>
        %gather3A_529 = tpu.vector_load_idx %arg21[%add3A_528] : memref<32768xf32, #tpu.memory_space<vmem>>[vector<16xi32>], vector<16xf32>,
        %add3A_530 = vector.broadcast %mul3A_360 : i32 to vector<16xi32>
        %add3A_531 = arith.addi %gather3A_504, %add3A_530 : vector<16xi32>
        %gather3A_532 = tpu.vector_load_idx %arg21[%add3A_531] : memref<32768xf32, #tpu.memory_space<vmem>>[vector<16xi32>], vector<16xf32>,
        %add3A_533 = vector.broadcast %mul3A_366 : i32 to vector<16xi32>
        %add3A_534 = arith.addi %gather3A_505, %add3A_533 : vector<16xi32>
        %gather3A_535 = tpu.vector_load_idx %arg21[%add3A_534] : memref<32768xf32, #tpu.memory_space<vmem>>[vector<16xi32>], vector<16xf32>,
        %add3A_536 = vector.broadcast %mul3A_372 : i32 to vector<16xi32>
        %add3A_537 = arith.addi %gather3A_506, %add3A_536 : vector<16xi32>
        %gather3A_538 = tpu.vector_load_idx %arg21[%add3A_537] : memref<32768xf32, #tpu.memory_space<vmem>>[vector<16xi32>], vector<16xf32>,
        %add3A_539 = arith.addi %add3A_462, %add3A_462 : vector<16xi32>
        %le3A_540 = arith.cmpf ole, %gather3A_517, %gather3A_507 : vector<16xf32>
        %convert_element_type3A_541 = arith.extui %le3A_540 : vector<16xi1> to vector<16xi32>
        %add3A_542 = arith.addi %add3A_539, %convert_element_type3A_541 : vector<16xi32>
        %add3A_543 = arith.addi %add3A_466, %add3A_466 : vector<16xi32>
        %le3A_544 = arith.cmpf ole, %gather3A_520, %gather3A_508 : vector<16xf32>
        %convert_element_type3A_545 = arith.extui %le3A_544 : vector<16xi1> to vector<16xi32>
        %add3A_546 = arith.addi %add3A_543, %convert_element_type3A_545 : vector<16xi32>
        %add3A_547 = arith.addi %add3A_470, %add3A_470 : vector<16xi32>
        %le3A_548 = arith.cmpf ole, %gather3A_523, %gather3A_509 : vector<16xf32>
        %convert_element_type3A_549 = arith.extui %le3A_548 : vector<16xi1> to vector<16xi32>
        %add3A_550 = arith.addi %add3A_547, %convert_element_type3A_549 : vector<16xi32>
        %add3A_551 = arith.addi %add3A_474, %add3A_474 : vector<16xi32>
        %le3A_552 = arith.cmpf ole, %gather3A_526, %gather3A_510 : vector<16xf32>
        %convert_element_type3A_553 = arith.extui %le3A_552 : vector<16xi1> to vector<16xi32>
        %add3A_554 = arith.addi %add3A_551, %convert_element_type3A_553 : vector<16xi32>
        %add3A_555 = arith.addi %add3A_478, %add3A_478 : vector<16xi32>
        %le3A_556 = arith.cmpf ole, %gather3A_529, %gather3A_511 : vector<16xf32>
        %convert_element_type3A_557 = arith.extui %le3A_556 : vector<16xi1> to vector<16xi32>
        %add3A_558 = arith.addi %add3A_555, %convert_element_type3A_557 : vector<16xi32>
        %add3A_559 = arith.addi %add3A_482, %add3A_482 : vector<16xi32>
        %le3A_560 = arith.cmpf ole, %gather3A_532, %gather3A_512 : vector<16xf32>
        %convert_element_type3A_561 = arith.extui %le3A_560 : vector<16xi1> to vector<16xi32>
        %add3A_562 = arith.addi %add3A_559, %convert_element_type3A_561 : vector<16xi32>
        %add3A_563 = arith.addi %add3A_486, %add3A_486 : vector<16xi32>
        %le3A_564 = arith.cmpf ole, %gather3A_535, %gather3A_513 : vector<16xf32>
        %convert_element_type3A_565 = arith.extui %le3A_564 : vector<16xi1> to vector<16xi32>
        %add3A_566 = arith.addi %add3A_563, %convert_element_type3A_565 : vector<16xi32>
        %add3A_567 = arith.addi %add3A_490, %add3A_490 : vector<16xi32>
        %le3A_568 = arith.cmpf ole, %gather3A_538, %gather3A_514 : vector<16xf32>
        %convert_element_type3A_569 = arith.extui %le3A_568 : vector<16xi1> to vector<16xi32>
        %add3A_570 = arith.addi %add3A_567, %convert_element_type3A_569 : vector<16xi32>
        %add3A_571 = arith.addi %mul3A_73, %add3A_542 : vector<16xi32>
        %add3A_572 = arith.addi %mul3A_73, %add3A_546 : vector<16xi32>
        %add3A_573 = arith.addi %mul3A_73, %add3A_550 : vector<16xi32>
        %add3A_574 = arith.addi %mul3A_73, %add3A_554 : vector<16xi32>
        %add3A_575 = arith.addi %mul3A_73, %add3A_558 : vector<16xi32>
        %add3A_576 = arith.addi %mul3A_73, %add3A_562 : vector<16xi32>
        %add3A_577 = arith.addi %mul3A_73, %add3A_566 : vector<16xi32>
        %add3A_578 = arith.addi %mul3A_73, %add3A_570 : vector<16xi32>
        %gather3A_579 = tpu.vector_load_idx %arg30[%add3A_571] : memref<128xi32, #tpu.memory_space<vmem>>[vector<16xi32>], vector<16xi32>,
        %gather3A_580 = tpu.vector_load_idx %arg30[%add3A_572] : memref<128xi32, #tpu.memory_space<vmem>>[vector<16xi32>], vector<16xi32>,
        %gather3A_581 = tpu.vector_load_idx %arg30[%add3A_573] : memref<128xi32, #tpu.memory_space<vmem>>[vector<16xi32>], vector<16xi32>,
        %gather3A_582 = tpu.vector_load_idx %arg30[%add3A_574] : memref<128xi32, #tpu.memory_space<vmem>>[vector<16xi32>], vector<16xi32>,
        %gather3A_583 = tpu.vector_load_idx %arg30[%add3A_575] : memref<128xi32, #tpu.memory_space<vmem>>[vector<16xi32>], vector<16xi32>,
        %gather3A_584 = tpu.vector_load_idx %arg30[%add3A_576] : memref<128xi32, #tpu.memory_space<vmem>>[vector<16xi32>], vector<16xi32>,
        %gather3A_585 = tpu.vector_load_idx %arg30[%add3A_577] : memref<128xi32, #tpu.memory_space<vmem>>[vector<16xi32>], vector<16xi32>,
        %gather3A_586 = tpu.vector_load_idx %arg30[%add3A_578] : memref<128xi32, #tpu.memory_space<vmem>>[vector<16xi32>], vector<16xi32>,
        %gather3A_587 = tpu.vector_load_idx %arg37[%add3A_571] : memref<128xf32, #tpu.memory_space<vmem>>[vector<16xi32>], vector<16xf32>,
        %gather3A_588 = tpu.vector_load_idx %arg37[%add3A_572] : memref<128xf32, #tpu.memory_space<vmem>>[vector<16xi32>], vector<16xf32>,
        %gather3A_589 = tpu.vector_load_idx %arg37[%add3A_573] : memref<128xf32, #tpu.memory_space<vmem>>[vector<16xi32>], vector<16xf32>,
        %gather3A_590 = tpu.vector_load_idx %arg37[%add3A_574] : memref<128xf32, #tpu.memory_space<vmem>>[vector<16xi32>], vector<16xf32>,
        %gather3A_591 = tpu.vector_load_idx %arg37[%add3A_575] : memref<128xf32, #tpu.memory_space<vmem>>[vector<16xi32>], vector<16xf32>,
        %gather3A_592 = tpu.vector_load_idx %arg37[%add3A_576] : memref<128xf32, #tpu.memory_space<vmem>>[vector<16xi32>], vector<16xf32>,
        %gather3A_593 = tpu.vector_load_idx %arg37[%add3A_577] : memref<128xf32, #tpu.memory_space<vmem>>[vector<16xi32>], vector<16xf32>,
        %gather3A_594 = tpu.vector_load_idx %arg37[%add3A_578] : memref<128xf32, #tpu.memory_space<vmem>>[vector<16xi32>], vector<16xf32>,
        %add3A_595 = vector.broadcast %mul3A_330 : i32 to vector<16xi32>
        %add3A_596 = arith.addi %gather3A_579, %add3A_595 : vector<16xi32>
        %gather3A_597 = tpu.vector_load_idx %arg21[%add3A_596] : memref<32768xf32, #tpu.memory_space<vmem>>[vector<16xi32>], vector<16xf32>,
        %add3A_598 = vector.broadcast %mul3A_336 : i32 to vector<16xi32>
        %add3A_599 = arith.addi %gather3A_580, %add3A_598 : vector<16xi32>
        %gather3A_600 = tpu.vector_load_idx %arg21[%add3A_599] : memref<32768xf32, #tpu.memory_space<vmem>>[vector<16xi32>], vector<16xf32>,
        %add3A_601 = vector.broadcast %mul3A_342 : i32 to vector<16xi32>
        %add3A_602 = arith.addi %gather3A_581, %add3A_601 : vector<16xi32>
        %gather3A_603 = tpu.vector_load_idx %arg21[%add3A_602] : memref<32768xf32, #tpu.memory_space<vmem>>[vector<16xi32>], vector<16xf32>,
        %add3A_604 = vector.broadcast %mul3A_348 : i32 to vector<16xi32>
        %add3A_605 = arith.addi %gather3A_582, %add3A_604 : vector<16xi32>
        %gather3A_606 = tpu.vector_load_idx %arg21[%add3A_605] : memref<32768xf32, #tpu.memory_space<vmem>>[vector<16xi32>], vector<16xf32>,
        %add3A_607 = vector.broadcast %mul3A_354 : i32 to vector<16xi32>
        %add3A_608 = arith.addi %gather3A_583, %add3A_607 : vector<16xi32>
        %gather3A_609 = tpu.vector_load_idx %arg21[%add3A_608] : memref<32768xf32, #tpu.memory_space<vmem>>[vector<16xi32>], vector<16xf32>,
        %add3A_610 = vector.broadcast %mul3A_360 : i32 to vector<16xi32>
        %add3A_611 = arith.addi %gather3A_584, %add3A_610 : vector<16xi32>
        %gather3A_612 = tpu.vector_load_idx %arg21[%add3A_611] : memref<32768xf32, #tpu.memory_space<vmem>>[vector<16xi32>], vector<16xf32>,
        %add3A_613 = vector.broadcast %mul3A_366 : i32 to vector<16xi32>
        %add3A_614 = arith.addi %gather3A_585, %add3A_613 : vector<16xi32>
        %gather3A_615 = tpu.vector_load_idx %arg21[%add3A_614] : memref<32768xf32, #tpu.memory_space<vmem>>[vector<16xi32>], vector<16xf32>,
        %add3A_616 = vector.broadcast %mul3A_372 : i32 to vector<16xi32>
        %add3A_617 = arith.addi %gather3A_586, %add3A_616 : vector<16xi32>
        %gather3A_618 = tpu.vector_load_idx %arg21[%add3A_617] : memref<32768xf32, #tpu.memory_space<vmem>>[vector<16xi32>], vector<16xf32>,
        %add3A_619 = arith.addi %add3A_542, %add3A_542 : vector<16xi32>
        %le3A_620 = arith.cmpf ole, %gather3A_597, %gather3A_587 : vector<16xf32>
        %convert_element_type3A_621 = arith.extui %le3A_620 : vector<16xi1> to vector<16xi32>
        %add3A_622 = arith.addi %add3A_619, %convert_element_type3A_621 : vector<16xi32>
        %add3A_623 = arith.addi %add3A_546, %add3A_546 : vector<16xi32>
        %le3A_624 = arith.cmpf ole, %gather3A_600, %gather3A_588 : vector<16xf32>
        %convert_element_type3A_625 = arith.extui %le3A_624 : vector<16xi1> to vector<16xi32>
        %add3A_626 = arith.addi %add3A_623, %convert_element_type3A_625 : vector<16xi32>
        %add3A_627 = arith.addi %add3A_550, %add3A_550 : vector<16xi32>
        %le3A_628 = arith.cmpf ole, %gather3A_603, %gather3A_589 : vector<16xf32>
        %convert_element_type3A_629 = arith.extui %le3A_628 : vector<16xi1> to vector<16xi32>
        %add3A_630 = arith.addi %add3A_627, %convert_element_type3A_629 : vector<16xi32>
        %add3A_631 = arith.addi %add3A_554, %add3A_554 : vector<16xi32>
        %le3A_632 = arith.cmpf ole, %gather3A_606, %gather3A_590 : vector<16xf32>
        %convert_element_type3A_633 = arith.extui %le3A_632 : vector<16xi1> to vector<16xi32>
        %add3A_634 = arith.addi %add3A_631, %convert_element_type3A_633 : vector<16xi32>
        %add3A_635 = arith.addi %add3A_558, %add3A_558 : vector<16xi32>
        %le3A_636 = arith.cmpf ole, %gather3A_609, %gather3A_591 : vector<16xf32>
        %convert_element_type3A_637 = arith.extui %le3A_636 : vector<16xi1> to vector<16xi32>
        %add3A_638 = arith.addi %add3A_635, %convert_element_type3A_637 : vector<16xi32>
        %add3A_639 = arith.addi %add3A_562, %add3A_562 : vector<16xi32>
        %le3A_640 = arith.cmpf ole, %gather3A_612, %gather3A_592 : vector<16xf32>
        %convert_element_type3A_641 = arith.extui %le3A_640 : vector<16xi1> to vector<16xi32>
        %add3A_642 = arith.addi %add3A_639, %convert_element_type3A_641 : vector<16xi32>
        %add3A_643 = arith.addi %add3A_566, %add3A_566 : vector<16xi32>
        %le3A_644 = arith.cmpf ole, %gather3A_615, %gather3A_593 : vector<16xf32>
        %convert_element_type3A_645 = arith.extui %le3A_644 : vector<16xi1> to vector<16xi32>
        %add3A_646 = arith.addi %add3A_643, %convert_element_type3A_645 : vector<16xi32>
        %add3A_647 = arith.addi %add3A_570, %add3A_570 : vector<16xi32>
        %le3A_648 = arith.cmpf ole, %gather3A_618, %gather3A_594 : vector<16xf32>
        %convert_element_type3A_649 = arith.extui %le3A_648 : vector<16xi1> to vector<16xi32>
        %add3A_650 = arith.addi %add3A_647, %convert_element_type3A_649 : vector<16xi32>
        %add3A_651 = arith.addi %mul3A_76, %add3A_622 : vector<16xi32>
        %add3A_652 = arith.addi %mul3A_76, %add3A_626 : vector<16xi32>
        %add3A_653 = arith.addi %mul3A_76, %add3A_630 : vector<16xi32>
        %add3A_654 = arith.addi %mul3A_76, %add3A_634 : vector<16xi32>
        %add3A_655 = arith.addi %mul3A_76, %add3A_638 : vector<16xi32>
        %add3A_656 = arith.addi %mul3A_76, %add3A_642 : vector<16xi32>
        %add3A_657 = arith.addi %mul3A_76, %add3A_646 : vector<16xi32>
        %add3A_658 = arith.addi %mul3A_76, %add3A_650 : vector<16xi32>
        %gather3A_659 = tpu.vector_load_idx %arg31[%add3A_651] : memref<256xi32, #tpu.memory_space<vmem>>[vector<16xi32>], vector<16xi32>,
        %gather3A_660 = tpu.vector_load_idx %arg31[%add3A_652] : memref<256xi32, #tpu.memory_space<vmem>>[vector<16xi32>], vector<16xi32>,
        %gather3A_661 = tpu.vector_load_idx %arg31[%add3A_653] : memref<256xi32, #tpu.memory_space<vmem>>[vector<16xi32>], vector<16xi32>,
        %gather3A_662 = tpu.vector_load_idx %arg31[%add3A_654] : memref<256xi32, #tpu.memory_space<vmem>>[vector<16xi32>], vector<16xi32>,
        %gather3A_663 = tpu.vector_load_idx %arg31[%add3A_655] : memref<256xi32, #tpu.memory_space<vmem>>[vector<16xi32>], vector<16xi32>,
        %gather3A_664 = tpu.vector_load_idx %arg31[%add3A_656] : memref<256xi32, #tpu.memory_space<vmem>>[vector<16xi32>], vector<16xi32>,
        %gather3A_665 = tpu.vector_load_idx %arg31[%add3A_657] : memref<256xi32, #tpu.memory_space<vmem>>[vector<16xi32>], vector<16xi32>,
        %gather3A_666 = tpu.vector_load_idx %arg31[%add3A_658] : memref<256xi32, #tpu.memory_space<vmem>>[vector<16xi32>], vector<16xi32>,
        %gather3A_667 = tpu.vector_load_idx %arg38[%add3A_651] : memref<256xf32, #tpu.memory_space<vmem>>[vector<16xi32>], vector<16xf32>,
        %gather3A_668 = tpu.vector_load_idx %arg38[%add3A_652] : memref<256xf32, #tpu.memory_space<vmem>>[vector<16xi32>], vector<16xf32>,
        %gather3A_669 = tpu.vector_load_idx %arg38[%add3A_653] : memref<256xf32, #tpu.memory_space<vmem>>[vector<16xi32>], vector<16xf32>,
        %gather3A_670 = tpu.vector_load_idx %arg38[%add3A_654] : memref<256xf32, #tpu.memory_space<vmem>>[vector<16xi32>], vector<16xf32>,
        %gather3A_671 = tpu.vector_load_idx %arg38[%add3A_655] : memref<256xf32, #tpu.memory_space<vmem>>[vector<16xi32>], vector<16xf32>,
        %gather3A_672 = tpu.vector_load_idx %arg38[%add3A_656] : memref<256xf32, #tpu.memory_space<vmem>>[vector<16xi32>], vector<16xf32>,
        %gather3A_673 = tpu.vector_load_idx %arg38[%add3A_657] : memref<256xf32, #tpu.memory_space<vmem>>[vector<16xi32>], vector<16xf32>,
        %gather3A_674 = tpu.vector_load_idx %arg38[%add3A_658] : memref<256xf32, #tpu.memory_space<vmem>>[vector<16xi32>], vector<16xf32>,
        %add3A_675 = vector.broadcast %mul3A_330 : i32 to vector<16xi32>
        %add3A_676 = arith.addi %gather3A_659, %add3A_675 : vector<16xi32>
        %gather3A_677 = tpu.vector_load_idx %arg21[%add3A_676] : memref<32768xf32, #tpu.memory_space<vmem>>[vector<16xi32>], vector<16xf32>,
        %add3A_678 = vector.broadcast %mul3A_336 : i32 to vector<16xi32>
        %add3A_679 = arith.addi %gather3A_660, %add3A_678 : vector<16xi32>
        %gather3A_680 = tpu.vector_load_idx %arg21[%add3A_679] : memref<32768xf32, #tpu.memory_space<vmem>>[vector<16xi32>], vector<16xf32>,
        %add3A_681 = vector.broadcast %mul3A_342 : i32 to vector<16xi32>
        %add3A_682 = arith.addi %gather3A_661, %add3A_681 : vector<16xi32>
        %gather3A_683 = tpu.vector_load_idx %arg21[%add3A_682] : memref<32768xf32, #tpu.memory_space<vmem>>[vector<16xi32>], vector<16xf32>,
        %add3A_684 = vector.broadcast %mul3A_348 : i32 to vector<16xi32>
        %add3A_685 = arith.addi %gather3A_662, %add3A_684 : vector<16xi32>
        %gather3A_686 = tpu.vector_load_idx %arg21[%add3A_685] : memref<32768xf32, #tpu.memory_space<vmem>>[vector<16xi32>], vector<16xf32>,
        %add3A_687 = vector.broadcast %mul3A_354 : i32 to vector<16xi32>
        %add3A_688 = arith.addi %gather3A_663, %add3A_687 : vector<16xi32>
        %gather3A_689 = tpu.vector_load_idx %arg21[%add3A_688] : memref<32768xf32, #tpu.memory_space<vmem>>[vector<16xi32>], vector<16xf32>,
        %add3A_690 = vector.broadcast %mul3A_360 : i32 to vector<16xi32>
        %add3A_691 = arith.addi %gather3A_664, %add3A_690 : vector<16xi32>
        %gather3A_692 = tpu.vector_load_idx %arg21[%add3A_691] : memref<32768xf32, #tpu.memory_space<vmem>>[vector<16xi32>], vector<16xf32>,
        %add3A_693 = vector.broadcast %mul3A_366 : i32 to vector<16xi32>
        %add3A_694 = arith.addi %gather3A_665, %add3A_693 : vector<16xi32>
        %gather3A_695 = tpu.vector_load_idx %arg21[%add3A_694] : memref<32768xf32, #tpu.memory_space<vmem>>[vector<16xi32>], vector<16xf32>,
        %add3A_696 = vector.broadcast %mul3A_372 : i32 to vector<16xi32>
        %add3A_697 = arith.addi %gather3A_666, %add3A_696 : vector<16xi32>
        %gather3A_698 = tpu.vector_load_idx %arg21[%add3A_697] : memref<32768xf32, #tpu.memory_space<vmem>>[vector<16xi32>], vector<16xf32>,
        %add3A_699 = arith.addi %add3A_622, %add3A_622 : vector<16xi32>
        %le3A_700 = arith.cmpf ole, %gather3A_677, %gather3A_667 : vector<16xf32>
        %convert_element_type3A_701 = arith.extui %le3A_700 : vector<16xi1> to vector<16xi32>
        %add3A_702 = arith.addi %add3A_699, %convert_element_type3A_701 : vector<16xi32>
        %add3A_703 = arith.addi %add3A_626, %add3A_626 : vector<16xi32>
        %le3A_704 = arith.cmpf ole, %gather3A_680, %gather3A_668 : vector<16xf32>
        %convert_element_type3A_705 = arith.extui %le3A_704 : vector<16xi1> to vector<16xi32>
        %add3A_706 = arith.addi %add3A_703, %convert_element_type3A_705 : vector<16xi32>
        %add3A_707 = arith.addi %add3A_630, %add3A_630 : vector<16xi32>
        %le3A_708 = arith.cmpf ole, %gather3A_683, %gather3A_669 : vector<16xf32>
        %convert_element_type3A_709 = arith.extui %le3A_708 : vector<16xi1> to vector<16xi32>
        %add3A_710 = arith.addi %add3A_707, %convert_element_type3A_709 : vector<16xi32>
        %add3A_711 = arith.addi %add3A_634, %add3A_634 : vector<16xi32>
        %le3A_712 = arith.cmpf ole, %gather3A_686, %gather3A_670 : vector<16xf32>
        %convert_element_type3A_713 = arith.extui %le3A_712 : vector<16xi1> to vector<16xi32>
        %add3A_714 = arith.addi %add3A_711, %convert_element_type3A_713 : vector<16xi32>
        %add3A_715 = arith.addi %add3A_638, %add3A_638 : vector<16xi32>
        %le3A_716 = arith.cmpf ole, %gather3A_689, %gather3A_671 : vector<16xf32>
        %convert_element_type3A_717 = arith.extui %le3A_716 : vector<16xi1> to vector<16xi32>
        %add3A_718 = arith.addi %add3A_715, %convert_element_type3A_717 : vector<16xi32>
        %add3A_719 = arith.addi %add3A_642, %add3A_642 : vector<16xi32>
        %le3A_720 = arith.cmpf ole, %gather3A_692, %gather3A_672 : vector<16xf32>
        %convert_element_type3A_721 = arith.extui %le3A_720 : vector<16xi1> to vector<16xi32>
        %add3A_722 = arith.addi %add3A_719, %convert_element_type3A_721 : vector<16xi32>
        %add3A_723 = arith.addi %add3A_646, %add3A_646 : vector<16xi32>
        %le3A_724 = arith.cmpf ole, %gather3A_695, %gather3A_673 : vector<16xf32>
        %convert_element_type3A_725 = arith.extui %le3A_724 : vector<16xi1> to vector<16xi32>
        %add3A_726 = arith.addi %add3A_723, %convert_element_type3A_725 : vector<16xi32>
        %add3A_727 = arith.addi %add3A_650, %add3A_650 : vector<16xi32>
        %le3A_728 = arith.cmpf ole, %gather3A_698, %gather3A_674 : vector<16xf32>
        %convert_element_type3A_729 = arith.extui %le3A_728 : vector<16xi1> to vector<16xi32>
        %add3A_730 = arith.addi %add3A_727, %convert_element_type3A_729 : vector<16xi32>
        %add3A_731 = arith.addi %mul3A_79, %add3A_702 : vector<16xi32>
        %add3A_732 = arith.addi %mul3A_79, %add3A_706 : vector<16xi32>
        %add3A_733 = arith.addi %mul3A_79, %add3A_710 : vector<16xi32>
        %add3A_734 = arith.addi %mul3A_79, %add3A_714 : vector<16xi32>
        %add3A_735 = arith.addi %mul3A_79, %add3A_718 : vector<16xi32>
        %add3A_736 = arith.addi %mul3A_79, %add3A_722 : vector<16xi32>
        %add3A_737 = arith.addi %mul3A_79, %add3A_726 : vector<16xi32>
        %add3A_738 = arith.addi %mul3A_79, %add3A_730 : vector<16xi32>
        %gather3A_739 = tpu.vector_load_idx %arg32[%add3A_731] : memref<512xi32, #tpu.memory_space<vmem>>[vector<16xi32>], vector<16xi32>,
        %gather3A_740 = tpu.vector_load_idx %arg32[%add3A_732] : memref<512xi32, #tpu.memory_space<vmem>>[vector<16xi32>], vector<16xi32>,
        %gather3A_741 = tpu.vector_load_idx %arg32[%add3A_733] : memref<512xi32, #tpu.memory_space<vmem>>[vector<16xi32>], vector<16xi32>,
        %gather3A_742 = tpu.vector_load_idx %arg32[%add3A_734] : memref<512xi32, #tpu.memory_space<vmem>>[vector<16xi32>], vector<16xi32>,
        %gather3A_743 = tpu.vector_load_idx %arg32[%add3A_735] : memref<512xi32, #tpu.memory_space<vmem>>[vector<16xi32>], vector<16xi32>,
        %gather3A_744 = tpu.vector_load_idx %arg32[%add3A_736] : memref<512xi32, #tpu.memory_space<vmem>>[vector<16xi32>], vector<16xi32>,
        %gather3A_745 = tpu.vector_load_idx %arg32[%add3A_737] : memref<512xi32, #tpu.memory_space<vmem>>[vector<16xi32>], vector<16xi32>,
        %gather3A_746 = tpu.vector_load_idx %arg32[%add3A_738] : memref<512xi32, #tpu.memory_space<vmem>>[vector<16xi32>], vector<16xi32>,
        %gather3A_747 = tpu.vector_load_idx %arg39[%add3A_731] : memref<512xf32, #tpu.memory_space<vmem>>[vector<16xi32>], vector<16xf32>,
        %gather3A_748 = tpu.vector_load_idx %arg39[%add3A_732] : memref<512xf32, #tpu.memory_space<vmem>>[vector<16xi32>], vector<16xf32>,
        %gather3A_749 = tpu.vector_load_idx %arg39[%add3A_733] : memref<512xf32, #tpu.memory_space<vmem>>[vector<16xi32>], vector<16xf32>,
        %gather3A_750 = tpu.vector_load_idx %arg39[%add3A_734] : memref<512xf32, #tpu.memory_space<vmem>>[vector<16xi32>], vector<16xf32>,
        %gather3A_751 = tpu.vector_load_idx %arg39[%add3A_735] : memref<512xf32, #tpu.memory_space<vmem>>[vector<16xi32>], vector<16xf32>,
        %gather3A_752 = tpu.vector_load_idx %arg39[%add3A_736] : memref<512xf32, #tpu.memory_space<vmem>>[vector<16xi32>], vector<16xf32>,
        %gather3A_753 = tpu.vector_load_idx %arg39[%add3A_737] : memref<512xf32, #tpu.memory_space<vmem>>[vector<16xi32>], vector<16xf32>,
        %gather3A_754 = tpu.vector_load_idx %arg39[%add3A_738] : memref<512xf32, #tpu.memory_space<vmem>>[vector<16xi32>], vector<16xf32>,
        %add3A_755 = vector.broadcast %mul3A_330 : i32 to vector<16xi32>
        %add3A_756 = arith.addi %gather3A_739, %add3A_755 : vector<16xi32>
        %gather3A_757 = tpu.vector_load_idx %arg21[%add3A_756] : memref<32768xf32, #tpu.memory_space<vmem>>[vector<16xi32>], vector<16xf32>,
        %add3A_758 = vector.broadcast %mul3A_336 : i32 to vector<16xi32>
        %add3A_759 = arith.addi %gather3A_740, %add3A_758 : vector<16xi32>
        %gather3A_760 = tpu.vector_load_idx %arg21[%add3A_759] : memref<32768xf32, #tpu.memory_space<vmem>>[vector<16xi32>], vector<16xf32>,
        %add3A_761 = vector.broadcast %mul3A_342 : i32 to vector<16xi32>
        %add3A_762 = arith.addi %gather3A_741, %add3A_761 : vector<16xi32>
        %gather3A_763 = tpu.vector_load_idx %arg21[%add3A_762] : memref<32768xf32, #tpu.memory_space<vmem>>[vector<16xi32>], vector<16xf32>,
        %add3A_764 = vector.broadcast %mul3A_348 : i32 to vector<16xi32>
        %add3A_765 = arith.addi %gather3A_742, %add3A_764 : vector<16xi32>
        %gather3A_766 = tpu.vector_load_idx %arg21[%add3A_765] : memref<32768xf32, #tpu.memory_space<vmem>>[vector<16xi32>], vector<16xf32>,
        %add3A_767 = vector.broadcast %mul3A_354 : i32 to vector<16xi32>
        %add3A_768 = arith.addi %gather3A_743, %add3A_767 : vector<16xi32>
        %gather3A_769 = tpu.vector_load_idx %arg21[%add3A_768] : memref<32768xf32, #tpu.memory_space<vmem>>[vector<16xi32>], vector<16xf32>,
        %add3A_770 = vector.broadcast %mul3A_360 : i32 to vector<16xi32>
        %add3A_771 = arith.addi %gather3A_744, %add3A_770 : vector<16xi32>
        %gather3A_772 = tpu.vector_load_idx %arg21[%add3A_771] : memref<32768xf32, #tpu.memory_space<vmem>>[vector<16xi32>], vector<16xf32>,
        %add3A_773 = vector.broadcast %mul3A_366 : i32 to vector<16xi32>
        %add3A_774 = arith.addi %gather3A_745, %add3A_773 : vector<16xi32>
        %gather3A_775 = tpu.vector_load_idx %arg21[%add3A_774] : memref<32768xf32, #tpu.memory_space<vmem>>[vector<16xi32>], vector<16xf32>,
        %add3A_776 = vector.broadcast %mul3A_372 : i32 to vector<16xi32>
        %add3A_777 = arith.addi %gather3A_746, %add3A_776 : vector<16xi32>
        %gather3A_778 = tpu.vector_load_idx %arg21[%add3A_777] : memref<32768xf32, #tpu.memory_space<vmem>>[vector<16xi32>], vector<16xf32>,
        %add3A_779 = arith.addi %add3A_702, %add3A_702 : vector<16xi32>
        %le3A_780 = arith.cmpf ole, %gather3A_757, %gather3A_747 : vector<16xf32>
        %convert_element_type3A_781 = arith.extui %le3A_780 : vector<16xi1> to vector<16xi32>
        %add3A_782 = arith.addi %add3A_779, %convert_element_type3A_781 : vector<16xi32>
        %add3A_783 = arith.addi %add3A_706, %add3A_706 : vector<16xi32>
        %le3A_784 = arith.cmpf ole, %gather3A_760, %gather3A_748 : vector<16xf32>
        %convert_element_type3A_785 = arith.extui %le3A_784 : vector<16xi1> to vector<16xi32>
        %add3A_786 = arith.addi %add3A_783, %convert_element_type3A_785 : vector<16xi32>
        %add3A_787 = arith.addi %add3A_710, %add3A_710 : vector<16xi32>
        %le3A_788 = arith.cmpf ole, %gather3A_763, %gather3A_749 : vector<16xf32>
        %convert_element_type3A_789 = arith.extui %le3A_788 : vector<16xi1> to vector<16xi32>
        %add3A_790 = arith.addi %add3A_787, %convert_element_type3A_789 : vector<16xi32>
        %add3A_791 = arith.addi %add3A_714, %add3A_714 : vector<16xi32>
        %le3A_792 = arith.cmpf ole, %gather3A_766, %gather3A_750 : vector<16xf32>
        %convert_element_type3A_793 = arith.extui %le3A_792 : vector<16xi1> to vector<16xi32>
        %add3A_794 = arith.addi %add3A_791, %convert_element_type3A_793 : vector<16xi32>
        %add3A_795 = arith.addi %add3A_718, %add3A_718 : vector<16xi32>
        %le3A_796 = arith.cmpf ole, %gather3A_769, %gather3A_751 : vector<16xf32>
        %convert_element_type3A_797 = arith.extui %le3A_796 : vector<16xi1> to vector<16xi32>
        %add3A_798 = arith.addi %add3A_795, %convert_element_type3A_797 : vector<16xi32>
        %add3A_799 = arith.addi %add3A_722, %add3A_722 : vector<16xi32>
        %le3A_800 = arith.cmpf ole, %gather3A_772, %gather3A_752 : vector<16xf32>
        %convert_element_type3A_801 = arith.extui %le3A_800 : vector<16xi1> to vector<16xi32>
        %add3A_802 = arith.addi %add3A_799, %convert_element_type3A_801 : vector<16xi32>
        %add3A_803 = arith.addi %add3A_726, %add3A_726 : vector<16xi32>
        %le3A_804 = arith.cmpf ole, %gather3A_775, %gather3A_753 : vector<16xf32>
        %convert_element_type3A_805 = arith.extui %le3A_804 : vector<16xi1> to vector<16xi32>
        %add3A_806 = arith.addi %add3A_803, %convert_element_type3A_805 : vector<16xi32>
        %add3A_807 = arith.addi %add3A_730, %add3A_730 : vector<16xi32>
        %le3A_808 = arith.cmpf ole, %gather3A_778, %gather3A_754 : vector<16xf32>
        %convert_element_type3A_809 = arith.extui %le3A_808 : vector<16xi1> to vector<16xi32>
        %add3A_810 = arith.addi %add3A_807, %convert_element_type3A_809 : vector<16xi32>
        %add3A_811 = arith.addi %mul3A_82, %add3A_782 : vector<16xi32>
        %add3A_812 = arith.addi %mul3A_82, %add3A_786 : vector<16xi32>
        %add3A_813 = arith.addi %mul3A_82, %add3A_790 : vector<16xi32>
        %add3A_814 = arith.addi %mul3A_82, %add3A_794 : vector<16xi32>
        %add3A_815 = arith.addi %mul3A_82, %add3A_798 : vector<16xi32>
        %add3A_816 = arith.addi %mul3A_82, %add3A_802 : vector<16xi32>
        %add3A_817 = arith.addi %mul3A_82, %add3A_806 : vector<16xi32>
        %add3A_818 = arith.addi %mul3A_82, %add3A_810 : vector<16xi32>
        %gather3A_819 = tpu.vector_load_idx %arg33[%add3A_811] : memref<1024xi32, #tpu.memory_space<vmem>>[vector<16xi32>], vector<16xi32>,
        %gather3A_820 = tpu.vector_load_idx %arg33[%add3A_812] : memref<1024xi32, #tpu.memory_space<vmem>>[vector<16xi32>], vector<16xi32>,
        %gather3A_821 = tpu.vector_load_idx %arg33[%add3A_813] : memref<1024xi32, #tpu.memory_space<vmem>>[vector<16xi32>], vector<16xi32>,
        %gather3A_822 = tpu.vector_load_idx %arg33[%add3A_814] : memref<1024xi32, #tpu.memory_space<vmem>>[vector<16xi32>], vector<16xi32>,
        %gather3A_823 = tpu.vector_load_idx %arg33[%add3A_815] : memref<1024xi32, #tpu.memory_space<vmem>>[vector<16xi32>], vector<16xi32>,
        %gather3A_824 = tpu.vector_load_idx %arg33[%add3A_816] : memref<1024xi32, #tpu.memory_space<vmem>>[vector<16xi32>], vector<16xi32>,
        %gather3A_825 = tpu.vector_load_idx %arg33[%add3A_817] : memref<1024xi32, #tpu.memory_space<vmem>>[vector<16xi32>], vector<16xi32>,
        %gather3A_826 = tpu.vector_load_idx %arg33[%add3A_818] : memref<1024xi32, #tpu.memory_space<vmem>>[vector<16xi32>], vector<16xi32>,
        %gather3A_827 = tpu.vector_load_idx %arg40[%add3A_811] : memref<1024xf32, #tpu.memory_space<vmem>>[vector<16xi32>], vector<16xf32>,
        %gather3A_828 = tpu.vector_load_idx %arg40[%add3A_812] : memref<1024xf32, #tpu.memory_space<vmem>>[vector<16xi32>], vector<16xf32>,
        %gather3A_829 = tpu.vector_load_idx %arg40[%add3A_813] : memref<1024xf32, #tpu.memory_space<vmem>>[vector<16xi32>], vector<16xf32>,
        %gather3A_830 = tpu.vector_load_idx %arg40[%add3A_814] : memref<1024xf32, #tpu.memory_space<vmem>>[vector<16xi32>], vector<16xf32>,
        %gather3A_831 = tpu.vector_load_idx %arg40[%add3A_815] : memref<1024xf32, #tpu.memory_space<vmem>>[vector<16xi32>], vector<16xf32>,
        %gather3A_832 = tpu.vector_load_idx %arg40[%add3A_816] : memref<1024xf32, #tpu.memory_space<vmem>>[vector<16xi32>], vector<16xf32>,
        %gather3A_833 = tpu.vector_load_idx %arg40[%add3A_817] : memref<1024xf32, #tpu.memory_space<vmem>>[vector<16xi32>], vector<16xf32>,
        %gather3A_834 = tpu.vector_load_idx %arg40[%add3A_818] : memref<1024xf32, #tpu.memory_space<vmem>>[vector<16xi32>], vector<16xf32>,
        %add3A_835 = vector.broadcast %mul3A_330 : i32 to vector<16xi32>
        %add3A_836 = arith.addi %gather3A_819, %add3A_835 : vector<16xi32>
        %gather3A_837 = tpu.vector_load_idx %arg21[%add3A_836] : memref<32768xf32, #tpu.memory_space<vmem>>[vector<16xi32>], vector<16xf32>,
        %add3A_838 = vector.broadcast %mul3A_336 : i32 to vector<16xi32>
        %add3A_839 = arith.addi %gather3A_820, %add3A_838 : vector<16xi32>
        %gather3A_840 = tpu.vector_load_idx %arg21[%add3A_839] : memref<32768xf32, #tpu.memory_space<vmem>>[vector<16xi32>], vector<16xf32>,
        %add3A_841 = vector.broadcast %mul3A_342 : i32 to vector<16xi32>
        %add3A_842 = arith.addi %gather3A_821, %add3A_841 : vector<16xi32>
        %gather3A_843 = tpu.vector_load_idx %arg21[%add3A_842] : memref<32768xf32, #tpu.memory_space<vmem>>[vector<16xi32>], vector<16xf32>,
        %add3A_844 = vector.broadcast %mul3A_348 : i32 to vector<16xi32>
        %add3A_845 = arith.addi %gather3A_822, %add3A_844 : vector<16xi32>
        %gather3A_846 = tpu.vector_load_idx %arg21[%add3A_845] : memref<32768xf32, #tpu.memory_space<vmem>>[vector<16xi32>], vector<16xf32>,
        %add3A_847 = vector.broadcast %mul3A_354 : i32 to vector<16xi32>
        %add3A_848 = arith.addi %gather3A_823, %add3A_847 : vector<16xi32>
        %gather3A_849 = tpu.vector_load_idx %arg21[%add3A_848] : memref<32768xf32, #tpu.memory_space<vmem>>[vector<16xi32>], vector<16xf32>,
        %add3A_850 = vector.broadcast %mul3A_360 : i32 to vector<16xi32>
        %add3A_851 = arith.addi %gather3A_824, %add3A_850 : vector<16xi32>
        %gather3A_852 = tpu.vector_load_idx %arg21[%add3A_851] : memref<32768xf32, #tpu.memory_space<vmem>>[vector<16xi32>], vector<16xf32>,
        %add3A_853 = vector.broadcast %mul3A_366 : i32 to vector<16xi32>
        %add3A_854 = arith.addi %gather3A_825, %add3A_853 : vector<16xi32>
        %gather3A_855 = tpu.vector_load_idx %arg21[%add3A_854] : memref<32768xf32, #tpu.memory_space<vmem>>[vector<16xi32>], vector<16xf32>,
        %add3A_856 = vector.broadcast %mul3A_372 : i32 to vector<16xi32>
        %add3A_857 = arith.addi %gather3A_826, %add3A_856 : vector<16xi32>
        %gather3A_858 = tpu.vector_load_idx %arg21[%add3A_857] : memref<32768xf32, #tpu.memory_space<vmem>>[vector<16xi32>], vector<16xf32>,
        %add3A_859 = arith.addi %add3A_782, %add3A_782 : vector<16xi32>
        %le3A_860 = arith.cmpf ole, %gather3A_837, %gather3A_827 : vector<16xf32>
        %convert_element_type3A_861 = arith.extui %le3A_860 : vector<16xi1> to vector<16xi32>
        %add3A_862 = arith.addi %add3A_859, %convert_element_type3A_861 : vector<16xi32>
        %add3A_863 = arith.addi %add3A_786, %add3A_786 : vector<16xi32>
        %le3A_864 = arith.cmpf ole, %gather3A_840, %gather3A_828 : vector<16xf32>
        %convert_element_type3A_865 = arith.extui %le3A_864 : vector<16xi1> to vector<16xi32>
        %add3A_866 = arith.addi %add3A_863, %convert_element_type3A_865 : vector<16xi32>
        %add3A_867 = arith.addi %add3A_790, %add3A_790 : vector<16xi32>
        %le3A_868 = arith.cmpf ole, %gather3A_843, %gather3A_829 : vector<16xf32>
        %convert_element_type3A_869 = arith.extui %le3A_868 : vector<16xi1> to vector<16xi32>
        %add3A_870 = arith.addi %add3A_867, %convert_element_type3A_869 : vector<16xi32>
        %add3A_871 = arith.addi %add3A_794, %add3A_794 : vector<16xi32>
        %le3A_872 = arith.cmpf ole, %gather3A_846, %gather3A_830 : vector<16xf32>
        %convert_element_type3A_873 = arith.extui %le3A_872 : vector<16xi1> to vector<16xi32>
        %add3A_874 = arith.addi %add3A_871, %convert_element_type3A_873 : vector<16xi32>
        %add3A_875 = arith.addi %add3A_798, %add3A_798 : vector<16xi32>
        %le3A_876 = arith.cmpf ole, %gather3A_849, %gather3A_831 : vector<16xf32>
        %convert_element_type3A_877 = arith.extui %le3A_876 : vector<16xi1> to vector<16xi32>
        %add3A_878 = arith.addi %add3A_875, %convert_element_type3A_877 : vector<16xi32>
        %add3A_879 = arith.addi %add3A_802, %add3A_802 : vector<16xi32>
        %le3A_880 = arith.cmpf ole, %gather3A_852, %gather3A_832 : vector<16xf32>
        %convert_element_type3A_881 = arith.extui %le3A_880 : vector<16xi1> to vector<16xi32>
        %add3A_882 = arith.addi %add3A_879, %convert_element_type3A_881 : vector<16xi32>
        %add3A_883 = arith.addi %add3A_806, %add3A_806 : vector<16xi32>
        %le3A_884 = arith.cmpf ole, %gather3A_855, %gather3A_833 : vector<16xf32>
        %convert_element_type3A_885 = arith.extui %le3A_884 : vector<16xi1> to vector<16xi32>
        %add3A_886 = arith.addi %add3A_883, %convert_element_type3A_885 : vector<16xi32>
        %add3A_887 = arith.addi %add3A_810, %add3A_810 : vector<16xi32>
        %le3A_888 = arith.cmpf ole, %gather3A_858, %gather3A_834 : vector<16xf32>
        %convert_element_type3A_889 = arith.extui %le3A_888 : vector<16xi1> to vector<16xi32>
        %add3A_890 = arith.addi %add3A_887, %convert_element_type3A_889 : vector<16xi32>
        %add3A_891 = arith.addi %mul3A_85, %add3A_862 : vector<16xi32>
        %add3A_892 = arith.addi %mul3A_85, %add3A_866 : vector<16xi32>
        %add3A_893 = arith.addi %mul3A_85, %add3A_870 : vector<16xi32>
        %add3A_894 = arith.addi %mul3A_85, %add3A_874 : vector<16xi32>
        %add3A_895 = arith.addi %mul3A_85, %add3A_878 : vector<16xi32>
        %add3A_896 = arith.addi %mul3A_85, %add3A_882 : vector<16xi32>
        %add3A_897 = arith.addi %mul3A_85, %add3A_886 : vector<16xi32>
        %add3A_898 = arith.addi %mul3A_85, %add3A_890 : vector<16xi32>
        %gather3A_899 = tpu.vector_load_idx %arg34[%add3A_891] : memref<2048xi32, #tpu.memory_space<vmem>>[vector<16xi32>], vector<16xi32>,
        %gather3A_900 = tpu.vector_load_idx %arg34[%add3A_892] : memref<2048xi32, #tpu.memory_space<vmem>>[vector<16xi32>], vector<16xi32>,
        %gather3A_901 = tpu.vector_load_idx %arg34[%add3A_893] : memref<2048xi32, #tpu.memory_space<vmem>>[vector<16xi32>], vector<16xi32>,
        %gather3A_902 = tpu.vector_load_idx %arg34[%add3A_894] : memref<2048xi32, #tpu.memory_space<vmem>>[vector<16xi32>], vector<16xi32>,
        %gather3A_903 = tpu.vector_load_idx %arg34[%add3A_895] : memref<2048xi32, #tpu.memory_space<vmem>>[vector<16xi32>], vector<16xi32>,
        %gather3A_904 = tpu.vector_load_idx %arg34[%add3A_896] : memref<2048xi32, #tpu.memory_space<vmem>>[vector<16xi32>], vector<16xi32>,
        %gather3A_905 = tpu.vector_load_idx %arg34[%add3A_897] : memref<2048xi32, #tpu.memory_space<vmem>>[vector<16xi32>], vector<16xi32>,
        %gather3A_906 = tpu.vector_load_idx %arg34[%add3A_898] : memref<2048xi32, #tpu.memory_space<vmem>>[vector<16xi32>], vector<16xi32>,
        %gather3A_907 = tpu.vector_load_idx %arg41[%add3A_891] : memref<2048xf32, #tpu.memory_space<vmem>>[vector<16xi32>], vector<16xf32>,
        %gather3A_908 = tpu.vector_load_idx %arg41[%add3A_892] : memref<2048xf32, #tpu.memory_space<vmem>>[vector<16xi32>], vector<16xf32>,
        %gather3A_909 = tpu.vector_load_idx %arg41[%add3A_893] : memref<2048xf32, #tpu.memory_space<vmem>>[vector<16xi32>], vector<16xf32>,
        %gather3A_910 = tpu.vector_load_idx %arg41[%add3A_894] : memref<2048xf32, #tpu.memory_space<vmem>>[vector<16xi32>], vector<16xf32>,
        %gather3A_911 = tpu.vector_load_idx %arg41[%add3A_895] : memref<2048xf32, #tpu.memory_space<vmem>>[vector<16xi32>], vector<16xf32>,
        %gather3A_912 = tpu.vector_load_idx %arg41[%add3A_896] : memref<2048xf32, #tpu.memory_space<vmem>>[vector<16xi32>], vector<16xf32>,
        %gather3A_913 = tpu.vector_load_idx %arg41[%add3A_897] : memref<2048xf32, #tpu.memory_space<vmem>>[vector<16xi32>], vector<16xf32>,
        %gather3A_914 = tpu.vector_load_idx %arg41[%add3A_898] : memref<2048xf32, #tpu.memory_space<vmem>>[vector<16xi32>], vector<16xf32>,
        %add3A_915 = vector.broadcast %mul3A_330 : i32 to vector<16xi32>
        %add3A_916 = arith.addi %gather3A_899, %add3A_915 : vector<16xi32>
        %gather3A_917 = tpu.vector_load_idx %arg21[%add3A_916] : memref<32768xf32, #tpu.memory_space<vmem>>[vector<16xi32>], vector<16xf32>,
        %add3A_918 = vector.broadcast %mul3A_336 : i32 to vector<16xi32>
        %add3A_919 = arith.addi %gather3A_900, %add3A_918 : vector<16xi32>
        %gather3A_920 = tpu.vector_load_idx %arg21[%add3A_919] : memref<32768xf32, #tpu.memory_space<vmem>>[vector<16xi32>], vector<16xf32>,
        %add3A_921 = vector.broadcast %mul3A_342 : i32 to vector<16xi32>
        %add3A_922 = arith.addi %gather3A_901, %add3A_921 : vector<16xi32>
        %gather3A_923 = tpu.vector_load_idx %arg21[%add3A_922] : memref<32768xf32, #tpu.memory_space<vmem>>[vector<16xi32>], vector<16xf32>,
        %add3A_924 = vector.broadcast %mul3A_348 : i32 to vector<16xi32>
        %add3A_925 = arith.addi %gather3A_902, %add3A_924 : vector<16xi32>
        %gather3A_926 = tpu.vector_load_idx %arg21[%add3A_925] : memref<32768xf32, #tpu.memory_space<vmem>>[vector<16xi32>], vector<16xf32>,
        %add3A_927 = vector.broadcast %mul3A_354 : i32 to vector<16xi32>
        %add3A_928 = arith.addi %gather3A_903, %add3A_927 : vector<16xi32>
        %gather3A_929 = tpu.vector_load_idx %arg21[%add3A_928] : memref<32768xf32, #tpu.memory_space<vmem>>[vector<16xi32>], vector<16xf32>,
        %add3A_930 = vector.broadcast %mul3A_360 : i32 to vector<16xi32>
        %add3A_931 = arith.addi %gather3A_904, %add3A_930 : vector<16xi32>
        %gather3A_932 = tpu.vector_load_idx %arg21[%add3A_931] : memref<32768xf32, #tpu.memory_space<vmem>>[vector<16xi32>], vector<16xf32>,
        %add3A_933 = vector.broadcast %mul3A_366 : i32 to vector<16xi32>
        %add3A_934 = arith.addi %gather3A_905, %add3A_933 : vector<16xi32>
        %gather3A_935 = tpu.vector_load_idx %arg21[%add3A_934] : memref<32768xf32, #tpu.memory_space<vmem>>[vector<16xi32>], vector<16xf32>,
        %add3A_936 = vector.broadcast %mul3A_372 : i32 to vector<16xi32>
        %add3A_937 = arith.addi %gather3A_906, %add3A_936 : vector<16xi32>
        %gather3A_938 = tpu.vector_load_idx %arg21[%add3A_937] : memref<32768xf32, #tpu.memory_space<vmem>>[vector<16xi32>], vector<16xf32>,
        %add3A_939 = arith.addi %add3A_862, %add3A_862 : vector<16xi32>
        %le3A_940 = arith.cmpf ole, %gather3A_917, %gather3A_907 : vector<16xf32>
        %convert_element_type3A_941 = arith.extui %le3A_940 : vector<16xi1> to vector<16xi32>
        %add3A_942 = arith.addi %add3A_939, %convert_element_type3A_941 : vector<16xi32>
        %add3A_943 = arith.addi %add3A_866, %add3A_866 : vector<16xi32>
        %le3A_944 = arith.cmpf ole, %gather3A_920, %gather3A_908 : vector<16xf32>
        %convert_element_type3A_945 = arith.extui %le3A_944 : vector<16xi1> to vector<16xi32>
        %add3A_946 = arith.addi %add3A_943, %convert_element_type3A_945 : vector<16xi32>
        %add3A_947 = arith.addi %add3A_870, %add3A_870 : vector<16xi32>
        %le3A_948 = arith.cmpf ole, %gather3A_923, %gather3A_909 : vector<16xf32>
        %convert_element_type3A_949 = arith.extui %le3A_948 : vector<16xi1> to vector<16xi32>
        %add3A_950 = arith.addi %add3A_947, %convert_element_type3A_949 : vector<16xi32>
        %add3A_951 = arith.addi %add3A_874, %add3A_874 : vector<16xi32>
        %le3A_952 = arith.cmpf ole, %gather3A_926, %gather3A_910 : vector<16xf32>
        %convert_element_type3A_953 = arith.extui %le3A_952 : vector<16xi1> to vector<16xi32>
        %add3A_954 = arith.addi %add3A_951, %convert_element_type3A_953 : vector<16xi32>
        %add3A_955 = arith.addi %add3A_878, %add3A_878 : vector<16xi32>
        %le3A_956 = arith.cmpf ole, %gather3A_929, %gather3A_911 : vector<16xf32>
        %convert_element_type3A_957 = arith.extui %le3A_956 : vector<16xi1> to vector<16xi32>
        %add3A_958 = arith.addi %add3A_955, %convert_element_type3A_957 : vector<16xi32>
        %add3A_959 = arith.addi %add3A_882, %add3A_882 : vector<16xi32>
        %le3A_960 = arith.cmpf ole, %gather3A_932, %gather3A_912 : vector<16xf32>
        %convert_element_type3A_961 = arith.extui %le3A_960 : vector<16xi1> to vector<16xi32>
        %add3A_962 = arith.addi %add3A_959, %convert_element_type3A_961 : vector<16xi32>
        %add3A_963 = arith.addi %add3A_886, %add3A_886 : vector<16xi32>
        %le3A_964 = arith.cmpf ole, %gather3A_935, %gather3A_913 : vector<16xf32>
        %convert_element_type3A_965 = arith.extui %le3A_964 : vector<16xi1> to vector<16xi32>
        %add3A_966 = arith.addi %add3A_963, %convert_element_type3A_965 : vector<16xi32>
        %add3A_967 = arith.addi %add3A_890, %add3A_890 : vector<16xi32>
        %le3A_968 = arith.cmpf ole, %gather3A_938, %gather3A_914 : vector<16xf32>
        %convert_element_type3A_969 = arith.extui %le3A_968 : vector<16xi1> to vector<16xi32>
        %add3A_970 = arith.addi %add3A_967, %convert_element_type3A_969 : vector<16xi32>
        %add3A_971 = arith.addi %mul3A_88, %add3A_942 : vector<16xi32>
        %gather3A_972 = tpu.vector_load_idx %arg42[%add3A_971] : memref<4096xf32, #tpu.memory_space<vmem>>[vector<16xi32>], vector<16xf32>,
        %mul3A_973 = arith.constant 8 : i32
        %mul3A_974 = arith.muli %scan3A_324, %mul3A_973 : i32
        %add3A_975 = arith.constant 0 : i32
        %add3A_976 = arith.addi %mul3A_974, %add3A_975 : i32
        %broadcast_in_dim3A = vector.broadcast %add3A_976 : i32 to vector<16xi32>
        tpu.vector_store_idx %arg24[%broadcast_in_dim3A, %add3A_233], %gather3A_972 : memref<128x512xf32, #tpu.memory_space<vmem>>[vector<16xi32>, vector<16xi32>], vector<16xf32>,
        %add3A_977 = arith.addi %mul3A_88, %add3A_946 : vector<16xi32>
        %gather3A_978 = tpu.vector_load_idx %arg42[%add3A_977] : memref<4096xf32, #tpu.memory_space<vmem>>[vector<16xi32>], vector<16xf32>,
        %mul3A_979 = arith.constant 8 : i32
        %mul3A_980 = arith.muli %scan3A_324, %mul3A_979 : i32
        %add3A_981 = arith.constant 1 : i32
        %add3A_982 = arith.addi %mul3A_980, %add3A_981 : i32
        %broadcast_in_dim3A_983 = vector.broadcast %add3A_982 : i32 to vector<16xi32>
        tpu.vector_store_idx %arg24[%broadcast_in_dim3A_983, %add3A_233], %gather3A_978 : memref<128x512xf32, #tpu.memory_space<vmem>>[vector<16xi32>, vector<16xi32>], vector<16xf32>,
        %add3A_984 = arith.addi %mul3A_88, %add3A_950 : vector<16xi32>
        %gather3A_985 = tpu.vector_load_idx %arg42[%add3A_984] : memref<4096xf32, #tpu.memory_space<vmem>>[vector<16xi32>], vector<16xf32>,
        %mul3A_986 = arith.constant 8 : i32
        %mul3A_987 = arith.muli %scan3A_324, %mul3A_986 : i32
        %add3A_988 = arith.constant 2 : i32
        %add3A_989 = arith.addi %mul3A_987, %add3A_988 : i32
        %broadcast_in_dim3A_990 = vector.broadcast %add3A_989 : i32 to vector<16xi32>
        tpu.vector_store_idx %arg24[%broadcast_in_dim3A_990, %add3A_233], %gather3A_985 : memref<128x512xf32, #tpu.memory_space<vmem>>[vector<16xi32>, vector<16xi32>], vector<16xf32>,
        %add3A_991 = arith.addi %mul3A_88, %add3A_954 : vector<16xi32>
        %gather3A_992 = tpu.vector_load_idx %arg42[%add3A_991] : memref<4096xf32, #tpu.memory_space<vmem>>[vector<16xi32>], vector<16xf32>,
        %mul3A_993 = arith.constant 8 : i32
        %mul3A_994 = arith.muli %scan3A_324, %mul3A_993 : i32
        %add3A_995 = arith.constant 3 : i32
        %add3A_996 = arith.addi %mul3A_994, %add3A_995 : i32
        %broadcast_in_dim3A_997 = vector.broadcast %add3A_996 : i32 to vector<16xi32>
        tpu.vector_store_idx %arg24[%broadcast_in_dim3A_997, %add3A_233], %gather3A_992 : memref<128x512xf32, #tpu.memory_space<vmem>>[vector<16xi32>, vector<16xi32>], vector<16xf32>,
        %add3A_998 = arith.addi %mul3A_88, %add3A_958 : vector<16xi32>
        %gather3A_999 = tpu.vector_load_idx %arg42[%add3A_998] : memref<4096xf32, #tpu.memory_space<vmem>>[vector<16xi32>], vector<16xf32>,
        %mul3A_1000 = arith.constant 8 : i32
        %mul3A_1001 = arith.muli %scan3A_324, %mul3A_1000 : i32
        %add3A_1002 = arith.constant 4 : i32
        %add3A_1003 = arith.addi %mul3A_1001, %add3A_1002 : i32
        %broadcast_in_dim3A_1004 = vector.broadcast %add3A_1003 : i32 to vector<16xi32>
        tpu.vector_store_idx %arg24[%broadcast_in_dim3A_1004, %add3A_233], %gather3A_999 : memref<128x512xf32, #tpu.memory_space<vmem>>[vector<16xi32>, vector<16xi32>], vector<16xf32>,
        %add3A_1005 = arith.addi %mul3A_88, %add3A_962 : vector<16xi32>
        %gather3A_1006 = tpu.vector_load_idx %arg42[%add3A_1005] : memref<4096xf32, #tpu.memory_space<vmem>>[vector<16xi32>], vector<16xf32>,
        %mul3A_1007 = arith.constant 8 : i32
        %mul3A_1008 = arith.muli %scan3A_324, %mul3A_1007 : i32
        %add3A_1009 = arith.constant 5 : i32
        %add3A_1010 = arith.addi %mul3A_1008, %add3A_1009 : i32
        %broadcast_in_dim3A_1011 = vector.broadcast %add3A_1010 : i32 to vector<16xi32>
        tpu.vector_store_idx %arg24[%broadcast_in_dim3A_1011, %add3A_233], %gather3A_1006 : memref<128x512xf32, #tpu.memory_space<vmem>>[vector<16xi32>, vector<16xi32>], vector<16xf32>,
        %add3A_1012 = arith.addi %mul3A_88, %add3A_966 : vector<16xi32>
        %gather3A_1013 = tpu.vector_load_idx %arg42[%add3A_1012] : memref<4096xf32, #tpu.memory_space<vmem>>[vector<16xi32>], vector<16xf32>,
        %mul3A_1014 = arith.constant 8 : i32
        %mul3A_1015 = arith.muli %scan3A_324, %mul3A_1014 : i32
        %add3A_1016 = arith.constant 6 : i32
        %add3A_1017 = arith.addi %mul3A_1015, %add3A_1016 : i32
        %broadcast_in_dim3A_1018 = vector.broadcast %add3A_1017 : i32 to vector<16xi32>
        tpu.vector_store_idx %arg24[%broadcast_in_dim3A_1018, %add3A_233], %gather3A_1013 : memref<128x512xf32, #tpu.memory_space<vmem>>[vector<16xi32>, vector<16xi32>], vector<16xf32>,
        %add3A_1019 = arith.addi %mul3A_88, %add3A_970 : vector<16xi32>
        %gather3A_1020 = tpu.vector_load_idx %arg42[%add3A_1019] : memref<4096xf32, #tpu.memory_space<vmem>>[vector<16xi32>], vector<16xf32>,
        %mul3A_1021 = arith.constant 8 : i32
        %mul3A_1022 = arith.muli %scan3A_324, %mul3A_1021 : i32
        %add3A_1023 = arith.constant 7 : i32
        %add3A_1024 = arith.addi %mul3A_1022, %add3A_1023 : i32
        %broadcast_in_dim3A_1025 = vector.broadcast %add3A_1024 : i32 to vector<16xi32>
        tpu.vector_store_idx %arg24[%broadcast_in_dim3A_1025, %add3A_233], %gather3A_1020 : memref<128x512xf32, #tpu.memory_space<vmem>>[vector<16xi32>, vector<16xi32>], vector<16xf32>,
      }
      %scan3A_239 = arith.constant 16 : i32
      %dma_wait3A_240 = arith.constant 0 : i32
      %dma_wait3A_241 = tpu.memref_slice %arg5[%dma_wait3A_240] : memref<1024xi32, #tpu.memory_space<hbm>> -> memref<32xi32, #tpu.memory_space<hbm>>
      %dma_wait3A_242 = arith.constant 0 : i32
      %dma_wait3A_243 = tpu.memref_slice %arg5[%dma_wait3A_242] : memref<1024xi32, #tpu.memory_space<hbm>> -> memref<32xi32, #tpu.memory_space<hbm>>
      tpu.wait_dma2 semaphore(%arg27 : memref<!tpu.dma_semaphore, #tpu.memory_space<semaphore_mem>>) src(%dma_wait3A_243 : memref<32xi32, #tpu.memory_space<hbm>>) dst(%arg43 : memref<32xi32, #tpu.memory_space<vmem>>)
      %dma_wait3A_244 = arith.constant 0 : i32
      %dma_wait3A_245 = tpu.memref_slice %arg12[%dma_wait3A_244] : memref<1024xf32, #tpu.memory_space<hbm>> -> memref<32xf32, #tpu.memory_space<hbm>>
      %dma_wait3A_246 = arith.constant 0 : i32
      %dma_wait3A_247 = tpu.memref_slice %arg12[%dma_wait3A_246] : memref<1024xf32, #tpu.memory_space<hbm>> -> memref<32xf32, #tpu.memory_space<hbm>>
      tpu.wait_dma2 semaphore(%arg27 : memref<!tpu.dma_semaphore, #tpu.memory_space<semaphore_mem>>) src(%dma_wait3A_247 : memref<32xf32, #tpu.memory_space<hbm>>) dst(%arg50 : memref<32xf32, #tpu.memory_space<vmem>>)
      %dma_wait3A_248 = arith.constant 0 : i32
      %dma_wait3A_249 = tpu.memref_slice %arg6[%dma_wait3A_248] : memref<2048xi32, #tpu.memory_space<hbm>> -> memref<64xi32, #tpu.memory_space<hbm>>
      %dma_wait3A_250 = arith.constant 0 : i32
      %dma_wait3A_251 = tpu.memref_slice %arg6[%dma_wait3A_250] : memref<2048xi32, #tpu.memory_space<hbm>> -> memref<64xi32, #tpu.memory_space<hbm>>
      tpu.wait_dma2 semaphore(%arg27 : memref<!tpu.dma_semaphore, #tpu.memory_space<semaphore_mem>>) src(%dma_wait3A_251 : memref<64xi32, #tpu.memory_space<hbm>>) dst(%arg44 : memref<64xi32, #tpu.memory_space<vmem>>)
      %dma_wait3A_252 = arith.constant 0 : i32
      %dma_wait3A_253 = tpu.memref_slice %arg13[%dma_wait3A_252] : memref<2048xf32, #tpu.memory_space<hbm>> -> memref<64xf32, #tpu.memory_space<hbm>>
      %dma_wait3A_254 = arith.constant 0 : i32
      %dma_wait3A_255 = tpu.memref_slice %arg13[%dma_wait3A_254] : memref<2048xf32, #tpu.memory_space<hbm>> -> memref<64xf32, #tpu.memory_space<hbm>>
      tpu.wait_dma2 semaphore(%arg27 : memref<!tpu.dma_semaphore, #tpu.memory_space<semaphore_mem>>) src(%dma_wait3A_255 : memref<64xf32, #tpu.memory_space<hbm>>) dst(%arg51 : memref<64xf32, #tpu.memory_space<vmem>>)
      %dma_wait3A_256 = arith.constant 0 : i32
      %dma_wait3A_257 = tpu.memref_slice %arg7[%dma_wait3A_256] : memref<4096xi32, #tpu.memory_space<hbm>> -> memref<128xi32, #tpu.memory_space<hbm>>
      %dma_wait3A_258 = arith.constant 0 : i32
      %dma_wait3A_259 = tpu.memref_slice %arg7[%dma_wait3A_258] : memref<4096xi32, #tpu.memory_space<hbm>> -> memref<128xi32, #tpu.memory_space<hbm>>
      tpu.wait_dma2 semaphore(%arg27 : memref<!tpu.dma_semaphore, #tpu.memory_space<semaphore_mem>>) src(%dma_wait3A_259 : memref<128xi32, #tpu.memory_space<hbm>>) dst(%arg45 : memref<128xi32, #tpu.memory_space<vmem>>)
      %dma_wait3A_260 = arith.constant 0 : i32
      %dma_wait3A_261 = tpu.memref_slice %arg14[%dma_wait3A_260] : memref<4096xf32, #tpu.memory_space<hbm>> -> memref<128xf32, #tpu.memory_space<hbm>>
      %dma_wait3A_262 = arith.constant 0 : i32
      %dma_wait3A_263 = tpu.memref_slice %arg14[%dma_wait3A_262] : memref<4096xf32, #tpu.memory_space<hbm>> -> memref<128xf32, #tpu.memory_space<hbm>>
      tpu.wait_dma2 semaphore(%arg27 : memref<!tpu.dma_semaphore, #tpu.memory_space<semaphore_mem>>) src(%dma_wait3A_263 : memref<128xf32, #tpu.memory_space<hbm>>) dst(%arg52 : memref<128xf32, #tpu.memory_space<vmem>>)
      %dma_wait3A_264 = arith.constant 0 : i32
      %dma_wait3A_265 = tpu.memref_slice %arg8[%dma_wait3A_264] : memref<8192xi32, #tpu.memory_space<hbm>> -> memref<256xi32, #tpu.memory_space<hbm>>
      %dma_wait3A_266 = arith.constant 0 : i32
      %dma_wait3A_267 = tpu.memref_slice %arg8[%dma_wait3A_266] : memref<8192xi32, #tpu.memory_space<hbm>> -> memref<256xi32, #tpu.memory_space<hbm>>
      tpu.wait_dma2 semaphore(%arg27 : memref<!tpu.dma_semaphore, #tpu.memory_space<semaphore_mem>>) src(%dma_wait3A_267 : memref<256xi32, #tpu.memory_space<hbm>>) dst(%arg46 : memref<256xi32, #tpu.memory_space<vmem>>)
      %dma_wait3A_268 = arith.constant 0 : i32
      %dma_wait3A_269 = tpu.memref_slice %arg15[%dma_wait3A_268] : memref<8192xf32, #tpu.memory_space<hbm>> -> memref<256xf32, #tpu.memory_space<hbm>>
      %dma_wait3A_270 = arith.constant 0 : i32
      %dma_wait3A_271 = tpu.memref_slice %arg15[%dma_wait3A_270] : memref<8192xf32, #tpu.memory_space<hbm>> -> memref<256xf32, #tpu.memory_space<hbm>>
      tpu.wait_dma2 semaphore(%arg27 : memref<!tpu.dma_semaphore, #tpu.memory_space<semaphore_mem>>) src(%dma_wait3A_271 : memref<256xf32, #tpu.memory_space<hbm>>) dst(%arg53 : memref<256xf32, #tpu.memory_space<vmem>>)
      %dma_wait3A_272 = arith.constant 0 : i32
      %dma_wait3A_273 = tpu.memref_slice %arg9[%dma_wait3A_272] : memref<16384xi32, #tpu.memory_space<hbm>> -> memref<512xi32, #tpu.memory_space<hbm>>
      %dma_wait3A_274 = arith.constant 0 : i32
      %dma_wait3A_275 = tpu.memref_slice %arg9[%dma_wait3A_274] : memref<16384xi32, #tpu.memory_space<hbm>> -> memref<512xi32, #tpu.memory_space<hbm>>
      tpu.wait_dma2 semaphore(%arg27 : memref<!tpu.dma_semaphore, #tpu.memory_space<semaphore_mem>>) src(%dma_wait3A_275 : memref<512xi32, #tpu.memory_space<hbm>>) dst(%arg47 : memref<512xi32, #tpu.memory_space<vmem>>)
      %dma_wait3A_276 = arith.constant 0 : i32
      %dma_wait3A_277 = tpu.memref_slice %arg16[%dma_wait3A_276] : memref<16384xf32, #tpu.memory_space<hbm>> -> memref<512xf32, #tpu.memory_space<hbm>>
      %dma_wait3A_278 = arith.constant 0 : i32
      %dma_wait3A_279 = tpu.memref_slice %arg16[%dma_wait3A_278] : memref<16384xf32, #tpu.memory_space<hbm>> -> memref<512xf32, #tpu.memory_space<hbm>>
      tpu.wait_dma2 semaphore(%arg27 : memref<!tpu.dma_semaphore, #tpu.memory_space<semaphore_mem>>) src(%dma_wait3A_279 : memref<512xf32, #tpu.memory_space<hbm>>) dst(%arg54 : memref<512xf32, #tpu.memory_space<vmem>>)
      %dma_wait3A_280 = arith.constant 0 : i32
      %dma_wait3A_281 = tpu.memref_slice %arg10[%dma_wait3A_280] : memref<32768xi32, #tpu.memory_space<hbm>> -> memref<1024xi32, #tpu.memory_space<hbm>>
      %dma_wait3A_282 = arith.constant 0 : i32
      %dma_wait3A_283 = tpu.memref_slice %arg10[%dma_wait3A_282] : memref<32768xi32, #tpu.memory_space<hbm>> -> memref<1024xi32, #tpu.memory_space<hbm>>
      tpu.wait_dma2 semaphore(%arg27 : memref<!tpu.dma_semaphore, #tpu.memory_space<semaphore_mem>>) src(%dma_wait3A_283 : memref<1024xi32, #tpu.memory_space<hbm>>) dst(%arg48 : memref<1024xi32, #tpu.memory_space<vmem>>)
      %dma_wait3A_284 = arith.constant 0 : i32
      %dma_wait3A_285 = tpu.memref_slice %arg17[%dma_wait3A_284] : memref<32768xf32, #tpu.memory_space<hbm>> -> memref<1024xf32, #tpu.memory_space<hbm>>
      %dma_wait3A_286 = arith.constant 0 : i32
      %dma_wait3A_287 = tpu.memref_slice %arg17[%dma_wait3A_286] : memref<32768xf32, #tpu.memory_space<hbm>> -> memref<1024xf32, #tpu.memory_space<hbm>>
      tpu.wait_dma2 semaphore(%arg27 : memref<!tpu.dma_semaphore, #tpu.memory_space<semaphore_mem>>) src(%dma_wait3A_287 : memref<1024xf32, #tpu.memory_space<hbm>>) dst(%arg55 : memref<1024xf32, #tpu.memory_space<vmem>>)
      %dma_wait3A_288 = arith.constant 0 : i32
      %dma_wait3A_289 = tpu.memref_slice %arg11[%dma_wait3A_288] : memref<65536xi32, #tpu.memory_space<hbm>> -> memref<2048xi32, #tpu.memory_space<hbm>>
      %dma_wait3A_290 = arith.constant 0 : i32
      %dma_wait3A_291 = tpu.memref_slice %arg11[%dma_wait3A_290] : memref<65536xi32, #tpu.memory_space<hbm>> -> memref<2048xi32, #tpu.memory_space<hbm>>
      tpu.wait_dma2 semaphore(%arg27 : memref<!tpu.dma_semaphore, #tpu.memory_space<semaphore_mem>>) src(%dma_wait3A_291 : memref<2048xi32, #tpu.memory_space<hbm>>) dst(%arg49 : memref<2048xi32, #tpu.memory_space<vmem>>)
      %dma_wait3A_292 = arith.constant 0 : i32
      %dma_wait3A_293 = tpu.memref_slice %arg18[%dma_wait3A_292] : memref<65536xf32, #tpu.memory_space<hbm>> -> memref<2048xf32, #tpu.memory_space<hbm>>
      %dma_wait3A_294 = arith.constant 0 : i32
      %dma_wait3A_295 = tpu.memref_slice %arg18[%dma_wait3A_294] : memref<65536xf32, #tpu.memory_space<hbm>> -> memref<2048xf32, #tpu.memory_space<hbm>>
      tpu.wait_dma2 semaphore(%arg27 : memref<!tpu.dma_semaphore, #tpu.memory_space<semaphore_mem>>) src(%dma_wait3A_295 : memref<2048xf32, #tpu.memory_space<hbm>>) dst(%arg56 : memref<2048xf32, #tpu.memory_space<vmem>>)
      %dma_wait3A_296 = arith.constant 0 : i32
      %dma_wait3A_297 = tpu.memref_slice %arg19[%dma_wait3A_296] : memref<131072xf32, #tpu.memory_space<hbm>> -> memref<4096xf32, #tpu.memory_space<hbm>>
      %dma_wait3A_298 = arith.constant 0 : i32
      %dma_wait3A_299 = tpu.memref_slice %arg19[%dma_wait3A_298] : memref<131072xf32, #tpu.memory_space<hbm>> -> memref<4096xf32, #tpu.memory_space<hbm>>
      tpu.wait_dma2 semaphore(%arg27 : memref<!tpu.dma_semaphore, #tpu.memory_space<semaphore_mem>>) src(%dma_wait3A_299 : memref<4096xf32, #tpu.memory_space<hbm>>) dst(%arg57 : memref<4096xf32, #tpu.memory_space<vmem>>)
      %lt3A = arith.constant 15 : i32
      %lt3A_300 = arith.cmpi slt, %scan3A_96, %lt3A : i32
      %convert_element_type3A = arith.extui %lt3A_300 : i1 to i32
      %cond3A = arith.constant 0 : i32
      %cond3A_301 = arith.cmpi ne, %convert_element_type3A, %cond3A : i32
      scf.if %cond3A_301 {
        %mul3A_324 = arith.constant 2 : i32
        %mul3A_325 = arith.muli %mul3A_324, %scan3A_96 : i32
        %add3A_326 = arith.constant 2 : i32
        %add3A_327 = arith.addi %mul3A_325, %add3A_326 : i32
        %mul3A_328 = arith.constant 32 : i32
        %mul3A_329 = arith.muli %add3A_327, %mul3A_328 : i32
        %dma_start3A_330 = tpu.memref_slice %arg5[%mul3A_329] : memref<1024xi32, #tpu.memory_space<hbm>> -> memref<32xi32, #tpu.memory_space<hbm>>
        %dma_start3A_331 = tpu.memref_slice %arg5[%mul3A_329] : memref<1024xi32, #tpu.memory_space<hbm>> -> memref<32xi32, #tpu.memory_space<hbm>>
        tpu.enqueue_dma source(%dma_start3A_331 : memref<32xi32, #tpu.memory_space<hbm>>) target(%arg28 : memref<32xi32, #tpu.memory_space<vmem>>) target_semaphore(%arg26 : memref<!tpu.dma_semaphore, #tpu.memory_space<semaphore_mem>>)
        %mul3A_332 = arith.constant 32 : i32
        %mul3A_333 = arith.muli %add3A_327, %mul3A_332 : i32
        %dma_start3A_334 = tpu.memref_slice %arg12[%mul3A_333] : memref<1024xf32, #tpu.memory_space<hbm>> -> memref<32xf32, #tpu.memory_space<hbm>>
        %dma_start3A_335 = tpu.memref_slice %arg12[%mul3A_333] : memref<1024xf32, #tpu.memory_space<hbm>> -> memref<32xf32, #tpu.memory_space<hbm>>
        tpu.enqueue_dma source(%dma_start3A_335 : memref<32xf32, #tpu.memory_space<hbm>>) target(%arg35 : memref<32xf32, #tpu.memory_space<vmem>>) target_semaphore(%arg26 : memref<!tpu.dma_semaphore, #tpu.memory_space<semaphore_mem>>)
        %mul3A_336 = arith.constant 64 : i32
        %mul3A_337 = arith.muli %add3A_327, %mul3A_336 : i32
        %dma_start3A_338 = tpu.memref_slice %arg6[%mul3A_337] : memref<2048xi32, #tpu.memory_space<hbm>> -> memref<64xi32, #tpu.memory_space<hbm>>
        %dma_start3A_339 = tpu.memref_slice %arg6[%mul3A_337] : memref<2048xi32, #tpu.memory_space<hbm>> -> memref<64xi32, #tpu.memory_space<hbm>>
        tpu.enqueue_dma source(%dma_start3A_339 : memref<64xi32, #tpu.memory_space<hbm>>) target(%arg29 : memref<64xi32, #tpu.memory_space<vmem>>) target_semaphore(%arg26 : memref<!tpu.dma_semaphore, #tpu.memory_space<semaphore_mem>>)
        %mul3A_340 = arith.constant 64 : i32
        %mul3A_341 = arith.muli %add3A_327, %mul3A_340 : i32
        %dma_start3A_342 = tpu.memref_slice %arg13[%mul3A_341] : memref<2048xf32, #tpu.memory_space<hbm>> -> memref<64xf32, #tpu.memory_space<hbm>>
        %dma_start3A_343 = tpu.memref_slice %arg13[%mul3A_341] : memref<2048xf32, #tpu.memory_space<hbm>> -> memref<64xf32, #tpu.memory_space<hbm>>
        tpu.enqueue_dma source(%dma_start3A_343 : memref<64xf32, #tpu.memory_space<hbm>>) target(%arg36 : memref<64xf32, #tpu.memory_space<vmem>>) target_semaphore(%arg26 : memref<!tpu.dma_semaphore, #tpu.memory_space<semaphore_mem>>)
        %mul3A_344 = arith.constant 128 : i32
        %mul3A_345 = arith.muli %add3A_327, %mul3A_344 : i32
        %dma_start3A_346 = tpu.memref_slice %arg7[%mul3A_345] : memref<4096xi32, #tpu.memory_space<hbm>> -> memref<128xi32, #tpu.memory_space<hbm>>
        %dma_start3A_347 = tpu.memref_slice %arg7[%mul3A_345] : memref<4096xi32, #tpu.memory_space<hbm>> -> memref<128xi32, #tpu.memory_space<hbm>>
        tpu.enqueue_dma source(%dma_start3A_347 : memref<128xi32, #tpu.memory_space<hbm>>) target(%arg30 : memref<128xi32, #tpu.memory_space<vmem>>) target_semaphore(%arg26 : memref<!tpu.dma_semaphore, #tpu.memory_space<semaphore_mem>>)
        %mul3A_348 = arith.constant 128 : i32
        %mul3A_349 = arith.muli %add3A_327, %mul3A_348 : i32
        %dma_start3A_350 = tpu.memref_slice %arg14[%mul3A_349] : memref<4096xf32, #tpu.memory_space<hbm>> -> memref<128xf32, #tpu.memory_space<hbm>>
        %dma_start3A_351 = tpu.memref_slice %arg14[%mul3A_349] : memref<4096xf32, #tpu.memory_space<hbm>> -> memref<128xf32, #tpu.memory_space<hbm>>
        tpu.enqueue_dma source(%dma_start3A_351 : memref<128xf32, #tpu.memory_space<hbm>>) target(%arg37 : memref<128xf32, #tpu.memory_space<vmem>>) target_semaphore(%arg26 : memref<!tpu.dma_semaphore, #tpu.memory_space<semaphore_mem>>)
        %mul3A_352 = arith.constant 256 : i32
        %mul3A_353 = arith.muli %add3A_327, %mul3A_352 : i32
        %dma_start3A_354 = tpu.memref_slice %arg8[%mul3A_353] : memref<8192xi32, #tpu.memory_space<hbm>> -> memref<256xi32, #tpu.memory_space<hbm>>
        %dma_start3A_355 = tpu.memref_slice %arg8[%mul3A_353] : memref<8192xi32, #tpu.memory_space<hbm>> -> memref<256xi32, #tpu.memory_space<hbm>>
        tpu.enqueue_dma source(%dma_start3A_355 : memref<256xi32, #tpu.memory_space<hbm>>) target(%arg31 : memref<256xi32, #tpu.memory_space<vmem>>) target_semaphore(%arg26 : memref<!tpu.dma_semaphore, #tpu.memory_space<semaphore_mem>>)
        %mul3A_356 = arith.constant 256 : i32
        %mul3A_357 = arith.muli %add3A_327, %mul3A_356 : i32
        %dma_start3A_358 = tpu.memref_slice %arg15[%mul3A_357] : memref<8192xf32, #tpu.memory_space<hbm>> -> memref<256xf32, #tpu.memory_space<hbm>>
        %dma_start3A_359 = tpu.memref_slice %arg15[%mul3A_357] : memref<8192xf32, #tpu.memory_space<hbm>> -> memref<256xf32, #tpu.memory_space<hbm>>
        tpu.enqueue_dma source(%dma_start3A_359 : memref<256xf32, #tpu.memory_space<hbm>>) target(%arg38 : memref<256xf32, #tpu.memory_space<vmem>>) target_semaphore(%arg26 : memref<!tpu.dma_semaphore, #tpu.memory_space<semaphore_mem>>)
        %mul3A_360 = arith.constant 512 : i32
        %mul3A_361 = arith.muli %add3A_327, %mul3A_360 : i32
        %dma_start3A_362 = tpu.memref_slice %arg9[%mul3A_361] : memref<16384xi32, #tpu.memory_space<hbm>> -> memref<512xi32, #tpu.memory_space<hbm>>
        %dma_start3A_363 = tpu.memref_slice %arg9[%mul3A_361] : memref<16384xi32, #tpu.memory_space<hbm>> -> memref<512xi32, #tpu.memory_space<hbm>>
        tpu.enqueue_dma source(%dma_start3A_363 : memref<512xi32, #tpu.memory_space<hbm>>) target(%arg32 : memref<512xi32, #tpu.memory_space<vmem>>) target_semaphore(%arg26 : memref<!tpu.dma_semaphore, #tpu.memory_space<semaphore_mem>>)
        %mul3A_364 = arith.constant 512 : i32
        %mul3A_365 = arith.muli %add3A_327, %mul3A_364 : i32
        %dma_start3A_366 = tpu.memref_slice %arg16[%mul3A_365] : memref<16384xf32, #tpu.memory_space<hbm>> -> memref<512xf32, #tpu.memory_space<hbm>>
        %dma_start3A_367 = tpu.memref_slice %arg16[%mul3A_365] : memref<16384xf32, #tpu.memory_space<hbm>> -> memref<512xf32, #tpu.memory_space<hbm>>
        tpu.enqueue_dma source(%dma_start3A_367 : memref<512xf32, #tpu.memory_space<hbm>>) target(%arg39 : memref<512xf32, #tpu.memory_space<vmem>>) target_semaphore(%arg26 : memref<!tpu.dma_semaphore, #tpu.memory_space<semaphore_mem>>)
        %mul3A_368 = arith.constant 1024 : i32
        %mul3A_369 = arith.muli %add3A_327, %mul3A_368 : i32
        %dma_start3A_370 = tpu.memref_slice %arg10[%mul3A_369] : memref<32768xi32, #tpu.memory_space<hbm>> -> memref<1024xi32, #tpu.memory_space<hbm>>
        %dma_start3A_371 = tpu.memref_slice %arg10[%mul3A_369] : memref<32768xi32, #tpu.memory_space<hbm>> -> memref<1024xi32, #tpu.memory_space<hbm>>
        tpu.enqueue_dma source(%dma_start3A_371 : memref<1024xi32, #tpu.memory_space<hbm>>) target(%arg33 : memref<1024xi32, #tpu.memory_space<vmem>>) target_semaphore(%arg26 : memref<!tpu.dma_semaphore, #tpu.memory_space<semaphore_mem>>)
        %mul3A_372 = arith.constant 1024 : i32
        %mul3A_373 = arith.muli %add3A_327, %mul3A_372 : i32
        %dma_start3A_374 = tpu.memref_slice %arg17[%mul3A_373] : memref<32768xf32, #tpu.memory_space<hbm>> -> memref<1024xf32, #tpu.memory_space<hbm>>
        %dma_start3A_375 = tpu.memref_slice %arg17[%mul3A_373] : memref<32768xf32, #tpu.memory_space<hbm>> -> memref<1024xf32, #tpu.memory_space<hbm>>
        tpu.enqueue_dma source(%dma_start3A_375 : memref<1024xf32, #tpu.memory_space<hbm>>) target(%arg40 : memref<1024xf32, #tpu.memory_space<vmem>>) target_semaphore(%arg26 : memref<!tpu.dma_semaphore, #tpu.memory_space<semaphore_mem>>)
        %mul3A_376 = arith.constant 2048 : i32
        %mul3A_377 = arith.muli %add3A_327, %mul3A_376 : i32
        %dma_start3A_378 = tpu.memref_slice %arg11[%mul3A_377] : memref<65536xi32, #tpu.memory_space<hbm>> -> memref<2048xi32, #tpu.memory_space<hbm>>
        %dma_start3A_379 = tpu.memref_slice %arg11[%mul3A_377] : memref<65536xi32, #tpu.memory_space<hbm>> -> memref<2048xi32, #tpu.memory_space<hbm>>
        tpu.enqueue_dma source(%dma_start3A_379 : memref<2048xi32, #tpu.memory_space<hbm>>) target(%arg34 : memref<2048xi32, #tpu.memory_space<vmem>>) target_semaphore(%arg26 : memref<!tpu.dma_semaphore, #tpu.memory_space<semaphore_mem>>)
        %mul3A_380 = arith.constant 2048 : i32
        %mul3A_381 = arith.muli %add3A_327, %mul3A_380 : i32
        %dma_start3A_382 = tpu.memref_slice %arg18[%mul3A_381] : memref<65536xf32, #tpu.memory_space<hbm>> -> memref<2048xf32, #tpu.memory_space<hbm>>
        %dma_start3A_383 = tpu.memref_slice %arg18[%mul3A_381] : memref<65536xf32, #tpu.memory_space<hbm>> -> memref<2048xf32, #tpu.memory_space<hbm>>
        tpu.enqueue_dma source(%dma_start3A_383 : memref<2048xf32, #tpu.memory_space<hbm>>) target(%arg41 : memref<2048xf32, #tpu.memory_space<vmem>>) target_semaphore(%arg26 : memref<!tpu.dma_semaphore, #tpu.memory_space<semaphore_mem>>)
        %mul3A_384 = arith.constant 4096 : i32
        %mul3A_385 = arith.muli %add3A_327, %mul3A_384 : i32
        %dma_start3A_386 = tpu.memref_slice %arg19[%mul3A_385] : memref<131072xf32, #tpu.memory_space<hbm>> -> memref<4096xf32, #tpu.memory_space<hbm>>
        %dma_start3A_387 = tpu.memref_slice %arg19[%mul3A_385] : memref<131072xf32, #tpu.memory_space<hbm>> -> memref<4096xf32, #tpu.memory_space<hbm>>
        tpu.enqueue_dma source(%dma_start3A_387 : memref<4096xf32, #tpu.memory_space<hbm>>) target(%arg42 : memref<4096xf32, #tpu.memory_space<vmem>>) target_semaphore(%arg26 : memref<!tpu.dma_semaphore, #tpu.memory_space<semaphore_mem>>)
      } else {
      }
      %mul3A_302 = arith.constant 2 : i32
      %mul3A_303 = arith.muli %mul3A_302, %scan3A_96 : i32
      %add3A_304 = arith.constant 1 : i32
      %add3A_305 = arith.addi %mul3A_303, %add3A_304 : i32
      %mul3A_306 = arith.constant 16 : i32
      %mul3A_307 = arith.muli %add3A_305, %mul3A_306 : i32
      %get3A_308 = arith.index_cast %mul3A_307 : i32 to index
      %get3A_309 = tpu.vector_load %arg22[%get3A_308] {strides = array<i32>} : memref<512xi32, #tpu.memory_space<vmem>>, vector<16xi32>,
      %mul3A_310 = arith.constant 16 : i32
      %mul3A_311 = arith.muli %add3A_305, %mul3A_310 : i32
      %get3A_312 = arith.index_cast %mul3A_311 : i32 to index
      %get3A_313 = tpu.vector_load %arg23[%get3A_312] {strides = array<i32>} : memref<512xf32, #tpu.memory_space<vmem>>, vector<16xf32>,
      %mul3A_314 = arith.constant 16 : i32
      %mul3A_315 = arith.muli %add3A_305, %mul3A_314 : i32
      %add3A_316 = vector.broadcast %mul3A_315 : i32 to vector<16xi32>
      %add3A_317 = arith.addi %add3A_316, %iota3A : vector<16xi32>
      %scan3A_318 = arith.constant 0 : i32
      %scan3A_319 = arith.constant 0 : i32
      %scan3A_320 = arith.constant 16 : i32
      %scan3A_321 = arith.addi %scan3A_319, %scan3A_320 : i32
      %scan3A_322 = arith.constant 1 : i32
      scf.for %scan3A_324 = %scan3A_319 to %scan3A_321 step %scan3A_322  : i32 {
        %mul3A_325 = arith.constant 8 : i32
        %mul3A_326 = arith.muli %scan3A_324, %mul3A_325 : i32
        %add3A_327 = arith.constant 0 : i32
        %add3A_328 = arith.addi %mul3A_326, %add3A_327 : i32
        %mul3A_329 = arith.constant 256 : i32
        %mul3A_330 = arith.muli %add3A_328, %mul3A_329 : i32
        %mul3A_331 = arith.constant 8 : i32
        %mul3A_332 = arith.muli %scan3A_324, %mul3A_331 : i32
        %add3A_333 = arith.constant 1 : i32
        %add3A_334 = arith.addi %mul3A_332, %add3A_333 : i32
        %mul3A_335 = arith.constant 256 : i32
        %mul3A_336 = arith.muli %add3A_334, %mul3A_335 : i32
        %mul3A_337 = arith.constant 8 : i32
        %mul3A_338 = arith.muli %scan3A_324, %mul3A_337 : i32
        %add3A_339 = arith.constant 2 : i32
        %add3A_340 = arith.addi %mul3A_338, %add3A_339 : i32
        %mul3A_341 = arith.constant 256 : i32
        %mul3A_342 = arith.muli %add3A_340, %mul3A_341 : i32
        %mul3A_343 = arith.constant 8 : i32
        %mul3A_344 = arith.muli %scan3A_324, %mul3A_343 : i32
        %add3A_345 = arith.constant 3 : i32
        %add3A_346 = arith.addi %mul3A_344, %add3A_345 : i32
        %mul3A_347 = arith.constant 256 : i32
        %mul3A_348 = arith.muli %add3A_346, %mul3A_347 : i32
        %mul3A_349 = arith.constant 8 : i32
        %mul3A_350 = arith.muli %scan3A_324, %mul3A_349 : i32
        %add3A_351 = arith.constant 4 : i32
        %add3A_352 = arith.addi %mul3A_350, %add3A_351 : i32
        %mul3A_353 = arith.constant 256 : i32
        %mul3A_354 = arith.muli %add3A_352, %mul3A_353 : i32
        %mul3A_355 = arith.constant 8 : i32
        %mul3A_356 = arith.muli %scan3A_324, %mul3A_355 : i32
        %add3A_357 = arith.constant 5 : i32
        %add3A_358 = arith.addi %mul3A_356, %add3A_357 : i32
        %mul3A_359 = arith.constant 256 : i32
        %mul3A_360 = arith.muli %add3A_358, %mul3A_359 : i32
        %mul3A_361 = arith.constant 8 : i32
        %mul3A_362 = arith.muli %scan3A_324, %mul3A_361 : i32
        %add3A_363 = arith.constant 6 : i32
        %add3A_364 = arith.addi %mul3A_362, %add3A_363 : i32
        %mul3A_365 = arith.constant 256 : i32
        %mul3A_366 = arith.muli %add3A_364, %mul3A_365 : i32
        %mul3A_367 = arith.constant 8 : i32
        %mul3A_368 = arith.muli %scan3A_324, %mul3A_367 : i32
        %add3A_369 = arith.constant 7 : i32
        %add3A_370 = arith.addi %mul3A_368, %add3A_369 : i32
        %mul3A_371 = arith.constant 256 : i32
        %mul3A_372 = arith.muli %add3A_370, %mul3A_371 : i32
        %add3A_373 = vector.broadcast %mul3A_330 : i32 to vector<16xi32>
        %add3A_374 = arith.addi %get3A_309, %add3A_373 : vector<16xi32>
        %gather3A = tpu.vector_load_idx %arg21[%add3A_374] : memref<32768xf32, #tpu.memory_space<vmem>>[vector<16xi32>], vector<16xf32>,
        %add3A_375 = vector.broadcast %mul3A_336 : i32 to vector<16xi32>
        %add3A_376 = arith.addi %get3A_309, %add3A_375 : vector<16xi32>
        %gather3A_377 = tpu.vector_load_idx %arg21[%add3A_376] : memref<32768xf32, #tpu.memory_space<vmem>>[vector<16xi32>], vector<16xf32>,
        %add3A_378 = vector.broadcast %mul3A_342 : i32 to vector<16xi32>
        %add3A_379 = arith.addi %get3A_309, %add3A_378 : vector<16xi32>
        %gather3A_380 = tpu.vector_load_idx %arg21[%add3A_379] : memref<32768xf32, #tpu.memory_space<vmem>>[vector<16xi32>], vector<16xf32>,
        %add3A_381 = vector.broadcast %mul3A_348 : i32 to vector<16xi32>
        %add3A_382 = arith.addi %get3A_309, %add3A_381 : vector<16xi32>
        %gather3A_383 = tpu.vector_load_idx %arg21[%add3A_382] : memref<32768xf32, #tpu.memory_space<vmem>>[vector<16xi32>], vector<16xf32>,
        %add3A_384 = vector.broadcast %mul3A_354 : i32 to vector<16xi32>
        %add3A_385 = arith.addi %get3A_309, %add3A_384 : vector<16xi32>
        %gather3A_386 = tpu.vector_load_idx %arg21[%add3A_385] : memref<32768xf32, #tpu.memory_space<vmem>>[vector<16xi32>], vector<16xf32>,
        %add3A_387 = vector.broadcast %mul3A_360 : i32 to vector<16xi32>
        %add3A_388 = arith.addi %get3A_309, %add3A_387 : vector<16xi32>
        %gather3A_389 = tpu.vector_load_idx %arg21[%add3A_388] : memref<32768xf32, #tpu.memory_space<vmem>>[vector<16xi32>], vector<16xf32>,
        %add3A_390 = vector.broadcast %mul3A_366 : i32 to vector<16xi32>
        %add3A_391 = arith.addi %get3A_309, %add3A_390 : vector<16xi32>
        %gather3A_392 = tpu.vector_load_idx %arg21[%add3A_391] : memref<32768xf32, #tpu.memory_space<vmem>>[vector<16xi32>], vector<16xf32>,
        %add3A_393 = vector.broadcast %mul3A_372 : i32 to vector<16xi32>
        %add3A_394 = arith.addi %get3A_309, %add3A_393 : vector<16xi32>
        %gather3A_395 = tpu.vector_load_idx %arg21[%add3A_394] : memref<32768xf32, #tpu.memory_space<vmem>>[vector<16xi32>], vector<16xf32>,
        %le3A = arith.cmpf ole, %gather3A, %get3A_313 : vector<16xf32>
        %convert_element_type3A_396 = arith.extui %le3A : vector<16xi1> to vector<16xi32>
        %le3A_397 = arith.cmpf ole, %gather3A_377, %get3A_313 : vector<16xf32>
        %convert_element_type3A_398 = arith.extui %le3A_397 : vector<16xi1> to vector<16xi32>
        %le3A_399 = arith.cmpf ole, %gather3A_380, %get3A_313 : vector<16xf32>
        %convert_element_type3A_400 = arith.extui %le3A_399 : vector<16xi1> to vector<16xi32>
        %le3A_401 = arith.cmpf ole, %gather3A_383, %get3A_313 : vector<16xf32>
        %convert_element_type3A_402 = arith.extui %le3A_401 : vector<16xi1> to vector<16xi32>
        %le3A_403 = arith.cmpf ole, %gather3A_386, %get3A_313 : vector<16xf32>
        %convert_element_type3A_404 = arith.extui %le3A_403 : vector<16xi1> to vector<16xi32>
        %le3A_405 = arith.cmpf ole, %gather3A_389, %get3A_313 : vector<16xf32>
        %convert_element_type3A_406 = arith.extui %le3A_405 : vector<16xi1> to vector<16xi32>
        %le3A_407 = arith.cmpf ole, %gather3A_392, %get3A_313 : vector<16xf32>
        %convert_element_type3A_408 = arith.extui %le3A_407 : vector<16xi1> to vector<16xi32>
        %le3A_409 = arith.cmpf ole, %gather3A_395, %get3A_313 : vector<16xf32>
        %convert_element_type3A_410 = arith.extui %le3A_409 : vector<16xi1> to vector<16xi32>
        %add3A_411 = arith.addi %mul3A_67, %convert_element_type3A_396 : vector<16xi32>
        %add3A_412 = arith.addi %mul3A_67, %convert_element_type3A_398 : vector<16xi32>
        %add3A_413 = arith.addi %mul3A_67, %convert_element_type3A_400 : vector<16xi32>
        %add3A_414 = arith.addi %mul3A_67, %convert_element_type3A_402 : vector<16xi32>
        %add3A_415 = arith.addi %mul3A_67, %convert_element_type3A_404 : vector<16xi32>
        %add3A_416 = arith.addi %mul3A_67, %convert_element_type3A_406 : vector<16xi32>
        %add3A_417 = arith.addi %mul3A_67, %convert_element_type3A_408 : vector<16xi32>
        %add3A_418 = arith.addi %mul3A_67, %convert_element_type3A_410 : vector<16xi32>
        %gather3A_419 = tpu.vector_load_idx %arg43[%add3A_411] : memref<32xi32, #tpu.memory_space<vmem>>[vector<16xi32>], vector<16xi32>,
        %gather3A_420 = tpu.vector_load_idx %arg43[%add3A_412] : memref<32xi32, #tpu.memory_space<vmem>>[vector<16xi32>], vector<16xi32>,
        %gather3A_421 = tpu.vector_load_idx %arg43[%add3A_413] : memref<32xi32, #tpu.memory_space<vmem>>[vector<16xi32>], vector<16xi32>,
        %gather3A_422 = tpu.vector_load_idx %arg43[%add3A_414] : memref<32xi32, #tpu.memory_space<vmem>>[vector<16xi32>], vector<16xi32>,
        %gather3A_423 = tpu.vector_load_idx %arg43[%add3A_415] : memref<32xi32, #tpu.memory_space<vmem>>[vector<16xi32>], vector<16xi32>,
        %gather3A_424 = tpu.vector_load_idx %arg43[%add3A_416] : memref<32xi32, #tpu.memory_space<vmem>>[vector<16xi32>], vector<16xi32>,
        %gather3A_425 = tpu.vector_load_idx %arg43[%add3A_417] : memref<32xi32, #tpu.memory_space<vmem>>[vector<16xi32>], vector<16xi32>,
        %gather3A_426 = tpu.vector_load_idx %arg43[%add3A_418] : memref<32xi32, #tpu.memory_space<vmem>>[vector<16xi32>], vector<16xi32>,
        %gather3A_427 = tpu.vector_load_idx %arg50[%add3A_411] : memref<32xf32, #tpu.memory_space<vmem>>[vector<16xi32>], vector<16xf32>,
        %gather3A_428 = tpu.vector_load_idx %arg50[%add3A_412] : memref<32xf32, #tpu.memory_space<vmem>>[vector<16xi32>], vector<16xf32>,
        %gather3A_429 = tpu.vector_load_idx %arg50[%add3A_413] : memref<32xf32, #tpu.memory_space<vmem>>[vector<16xi32>], vector<16xf32>,
        %gather3A_430 = tpu.vector_load_idx %arg50[%add3A_414] : memref<32xf32, #tpu.memory_space<vmem>>[vector<16xi32>], vector<16xf32>,
        %gather3A_431 = tpu.vector_load_idx %arg50[%add3A_415] : memref<32xf32, #tpu.memory_space<vmem>>[vector<16xi32>], vector<16xf32>,
        %gather3A_432 = tpu.vector_load_idx %arg50[%add3A_416] : memref<32xf32, #tpu.memory_space<vmem>>[vector<16xi32>], vector<16xf32>,
        %gather3A_433 = tpu.vector_load_idx %arg50[%add3A_417] : memref<32xf32, #tpu.memory_space<vmem>>[vector<16xi32>], vector<16xf32>,
        %gather3A_434 = tpu.vector_load_idx %arg50[%add3A_418] : memref<32xf32, #tpu.memory_space<vmem>>[vector<16xi32>], vector<16xf32>,
        %add3A_435 = vector.broadcast %mul3A_330 : i32 to vector<16xi32>
        %add3A_436 = arith.addi %gather3A_419, %add3A_435 : vector<16xi32>
        %gather3A_437 = tpu.vector_load_idx %arg21[%add3A_436] : memref<32768xf32, #tpu.memory_space<vmem>>[vector<16xi32>], vector<16xf32>,
        %add3A_438 = vector.broadcast %mul3A_336 : i32 to vector<16xi32>
        %add3A_439 = arith.addi %gather3A_420, %add3A_438 : vector<16xi32>
        %gather3A_440 = tpu.vector_load_idx %arg21[%add3A_439] : memref<32768xf32, #tpu.memory_space<vmem>>[vector<16xi32>], vector<16xf32>,
        %add3A_441 = vector.broadcast %mul3A_342 : i32 to vector<16xi32>
        %add3A_442 = arith.addi %gather3A_421, %add3A_441 : vector<16xi32>
        %gather3A_443 = tpu.vector_load_idx %arg21[%add3A_442] : memref<32768xf32, #tpu.memory_space<vmem>>[vector<16xi32>], vector<16xf32>,
        %add3A_444 = vector.broadcast %mul3A_348 : i32 to vector<16xi32>
        %add3A_445 = arith.addi %gather3A_422, %add3A_444 : vector<16xi32>
        %gather3A_446 = tpu.vector_load_idx %arg21[%add3A_445] : memref<32768xf32, #tpu.memory_space<vmem>>[vector<16xi32>], vector<16xf32>,
        %add3A_447 = vector.broadcast %mul3A_354 : i32 to vector<16xi32>
        %add3A_448 = arith.addi %gather3A_423, %add3A_447 : vector<16xi32>
        %gather3A_449 = tpu.vector_load_idx %arg21[%add3A_448] : memref<32768xf32, #tpu.memory_space<vmem>>[vector<16xi32>], vector<16xf32>,
        %add3A_450 = vector.broadcast %mul3A_360 : i32 to vector<16xi32>
        %add3A_451 = arith.addi %gather3A_424, %add3A_450 : vector<16xi32>
        %gather3A_452 = tpu.vector_load_idx %arg21[%add3A_451] : memref<32768xf32, #tpu.memory_space<vmem>>[vector<16xi32>], vector<16xf32>,
        %add3A_453 = vector.broadcast %mul3A_366 : i32 to vector<16xi32>
        %add3A_454 = arith.addi %gather3A_425, %add3A_453 : vector<16xi32>
        %gather3A_455 = tpu.vector_load_idx %arg21[%add3A_454] : memref<32768xf32, #tpu.memory_space<vmem>>[vector<16xi32>], vector<16xf32>,
        %add3A_456 = vector.broadcast %mul3A_372 : i32 to vector<16xi32>
        %add3A_457 = arith.addi %gather3A_426, %add3A_456 : vector<16xi32>
        %gather3A_458 = tpu.vector_load_idx %arg21[%add3A_457] : memref<32768xf32, #tpu.memory_space<vmem>>[vector<16xi32>], vector<16xf32>,
        %add3A_459 = arith.addi %convert_element_type3A_396, %convert_element_type3A_396 : vector<16xi32>
        %le3A_460 = arith.cmpf ole, %gather3A_437, %gather3A_427 : vector<16xf32>
        %convert_element_type3A_461 = arith.extui %le3A_460 : vector<16xi1> to vector<16xi32>
        %add3A_462 = arith.addi %add3A_459, %convert_element_type3A_461 : vector<16xi32>
        %add3A_463 = arith.addi %convert_element_type3A_398, %convert_element_type3A_398 : vector<16xi32>
        %le3A_464 = arith.cmpf ole, %gather3A_440, %gather3A_428 : vector<16xf32>
        %convert_element_type3A_465 = arith.extui %le3A_464 : vector<16xi1> to vector<16xi32>
        %add3A_466 = arith.addi %add3A_463, %convert_element_type3A_465 : vector<16xi32>
        %add3A_467 = arith.addi %convert_element_type3A_400, %convert_element_type3A_400 : vector<16xi32>
        %le3A_468 = arith.cmpf ole, %gather3A_443, %gather3A_429 : vector<16xf32>
        %convert_element_type3A_469 = arith.extui %le3A_468 : vector<16xi1> to vector<16xi32>
        %add3A_470 = arith.addi %add3A_467, %convert_element_type3A_469 : vector<16xi32>
        %add3A_471 = arith.addi %convert_element_type3A_402, %convert_element_type3A_402 : vector<16xi32>
        %le3A_472 = arith.cmpf ole, %gather3A_446, %gather3A_430 : vector<16xf32>
        %convert_element_type3A_473 = arith.extui %le3A_472 : vector<16xi1> to vector<16xi32>
        %add3A_474 = arith.addi %add3A_471, %convert_element_type3A_473 : vector<16xi32>
        %add3A_475 = arith.addi %convert_element_type3A_404, %convert_element_type3A_404 : vector<16xi32>
        %le3A_476 = arith.cmpf ole, %gather3A_449, %gather3A_431 : vector<16xf32>
        %convert_element_type3A_477 = arith.extui %le3A_476 : vector<16xi1> to vector<16xi32>
        %add3A_478 = arith.addi %add3A_475, %convert_element_type3A_477 : vector<16xi32>
        %add3A_479 = arith.addi %convert_element_type3A_406, %convert_element_type3A_406 : vector<16xi32>
        %le3A_480 = arith.cmpf ole, %gather3A_452, %gather3A_432 : vector<16xf32>
        %convert_element_type3A_481 = arith.extui %le3A_480 : vector<16xi1> to vector<16xi32>
        %add3A_482 = arith.addi %add3A_479, %convert_element_type3A_481 : vector<16xi32>
        %add3A_483 = arith.addi %convert_element_type3A_408, %convert_element_type3A_408 : vector<16xi32>
        %le3A_484 = arith.cmpf ole, %gather3A_455, %gather3A_433 : vector<16xf32>
        %convert_element_type3A_485 = arith.extui %le3A_484 : vector<16xi1> to vector<16xi32>
        %add3A_486 = arith.addi %add3A_483, %convert_element_type3A_485 : vector<16xi32>
        %add3A_487 = arith.addi %convert_element_type3A_410, %convert_element_type3A_410 : vector<16xi32>
        %le3A_488 = arith.cmpf ole, %gather3A_458, %gather3A_434 : vector<16xf32>
        %convert_element_type3A_489 = arith.extui %le3A_488 : vector<16xi1> to vector<16xi32>
        %add3A_490 = arith.addi %add3A_487, %convert_element_type3A_489 : vector<16xi32>
        %add3A_491 = arith.addi %mul3A_70, %add3A_462 : vector<16xi32>
        %add3A_492 = arith.addi %mul3A_70, %add3A_466 : vector<16xi32>
        %add3A_493 = arith.addi %mul3A_70, %add3A_470 : vector<16xi32>
        %add3A_494 = arith.addi %mul3A_70, %add3A_474 : vector<16xi32>
        %add3A_495 = arith.addi %mul3A_70, %add3A_478 : vector<16xi32>
        %add3A_496 = arith.addi %mul3A_70, %add3A_482 : vector<16xi32>
        %add3A_497 = arith.addi %mul3A_70, %add3A_486 : vector<16xi32>
        %add3A_498 = arith.addi %mul3A_70, %add3A_490 : vector<16xi32>
        %gather3A_499 = tpu.vector_load_idx %arg44[%add3A_491] : memref<64xi32, #tpu.memory_space<vmem>>[vector<16xi32>], vector<16xi32>,
        %gather3A_500 = tpu.vector_load_idx %arg44[%add3A_492] : memref<64xi32, #tpu.memory_space<vmem>>[vector<16xi32>], vector<16xi32>,
        %gather3A_501 = tpu.vector_load_idx %arg44[%add3A_493] : memref<64xi32, #tpu.memory_space<vmem>>[vector<16xi32>], vector<16xi32>,
        %gather3A_502 = tpu.vector_load_idx %arg44[%add3A_494] : memref<64xi32, #tpu.memory_space<vmem>>[vector<16xi32>], vector<16xi32>,
        %gather3A_503 = tpu.vector_load_idx %arg44[%add3A_495] : memref<64xi32, #tpu.memory_space<vmem>>[vector<16xi32>], vector<16xi32>,
        %gather3A_504 = tpu.vector_load_idx %arg44[%add3A_496] : memref<64xi32, #tpu.memory_space<vmem>>[vector<16xi32>], vector<16xi32>,
        %gather3A_505 = tpu.vector_load_idx %arg44[%add3A_497] : memref<64xi32, #tpu.memory_space<vmem>>[vector<16xi32>], vector<16xi32>,
        %gather3A_506 = tpu.vector_load_idx %arg44[%add3A_498] : memref<64xi32, #tpu.memory_space<vmem>>[vector<16xi32>], vector<16xi32>,
        %gather3A_507 = tpu.vector_load_idx %arg51[%add3A_491] : memref<64xf32, #tpu.memory_space<vmem>>[vector<16xi32>], vector<16xf32>,
        %gather3A_508 = tpu.vector_load_idx %arg51[%add3A_492] : memref<64xf32, #tpu.memory_space<vmem>>[vector<16xi32>], vector<16xf32>,
        %gather3A_509 = tpu.vector_load_idx %arg51[%add3A_493] : memref<64xf32, #tpu.memory_space<vmem>>[vector<16xi32>], vector<16xf32>,
        %gather3A_510 = tpu.vector_load_idx %arg51[%add3A_494] : memref<64xf32, #tpu.memory_space<vmem>>[vector<16xi32>], vector<16xf32>,
        %gather3A_511 = tpu.vector_load_idx %arg51[%add3A_495] : memref<64xf32, #tpu.memory_space<vmem>>[vector<16xi32>], vector<16xf32>,
        %gather3A_512 = tpu.vector_load_idx %arg51[%add3A_496] : memref<64xf32, #tpu.memory_space<vmem>>[vector<16xi32>], vector<16xf32>,
        %gather3A_513 = tpu.vector_load_idx %arg51[%add3A_497] : memref<64xf32, #tpu.memory_space<vmem>>[vector<16xi32>], vector<16xf32>,
        %gather3A_514 = tpu.vector_load_idx %arg51[%add3A_498] : memref<64xf32, #tpu.memory_space<vmem>>[vector<16xi32>], vector<16xf32>,
        %add3A_515 = vector.broadcast %mul3A_330 : i32 to vector<16xi32>
        %add3A_516 = arith.addi %gather3A_499, %add3A_515 : vector<16xi32>
        %gather3A_517 = tpu.vector_load_idx %arg21[%add3A_516] : memref<32768xf32, #tpu.memory_space<vmem>>[vector<16xi32>], vector<16xf32>,
        %add3A_518 = vector.broadcast %mul3A_336 : i32 to vector<16xi32>
        %add3A_519 = arith.addi %gather3A_500, %add3A_518 : vector<16xi32>
        %gather3A_520 = tpu.vector_load_idx %arg21[%add3A_519] : memref<32768xf32, #tpu.memory_space<vmem>>[vector<16xi32>], vector<16xf32>,
        %add3A_521 = vector.broadcast %mul3A_342 : i32 to vector<16xi32>
        %add3A_522 = arith.addi %gather3A_501, %add3A_521 : vector<16xi32>
        %gather3A_523 = tpu.vector_load_idx %arg21[%add3A_522] : memref<32768xf32, #tpu.memory_space<vmem>>[vector<16xi32>], vector<16xf32>,
        %add3A_524 = vector.broadcast %mul3A_348 : i32 to vector<16xi32>
        %add3A_525 = arith.addi %gather3A_502, %add3A_524 : vector<16xi32>
        %gather3A_526 = tpu.vector_load_idx %arg21[%add3A_525] : memref<32768xf32, #tpu.memory_space<vmem>>[vector<16xi32>], vector<16xf32>,
        %add3A_527 = vector.broadcast %mul3A_354 : i32 to vector<16xi32>
        %add3A_528 = arith.addi %gather3A_503, %add3A_527 : vector<16xi32>
        %gather3A_529 = tpu.vector_load_idx %arg21[%add3A_528] : memref<32768xf32, #tpu.memory_space<vmem>>[vector<16xi32>], vector<16xf32>,
        %add3A_530 = vector.broadcast %mul3A_360 : i32 to vector<16xi32>
        %add3A_531 = arith.addi %gather3A_504, %add3A_530 : vector<16xi32>
        %gather3A_532 = tpu.vector_load_idx %arg21[%add3A_531] : memref<32768xf32, #tpu.memory_space<vmem>>[vector<16xi32>], vector<16xf32>,
        %add3A_533 = vector.broadcast %mul3A_366 : i32 to vector<16xi32>
        %add3A_534 = arith.addi %gather3A_505, %add3A_533 : vector<16xi32>
        %gather3A_535 = tpu.vector_load_idx %arg21[%add3A_534] : memref<32768xf32, #tpu.memory_space<vmem>>[vector<16xi32>], vector<16xf32>,
        %add3A_536 = vector.broadcast %mul3A_372 : i32 to vector<16xi32>
        %add3A_537 = arith.addi %gather3A_506, %add3A_536 : vector<16xi32>
        %gather3A_538 = tpu.vector_load_idx %arg21[%add3A_537] : memref<32768xf32, #tpu.memory_space<vmem>>[vector<16xi32>], vector<16xf32>,
        %add3A_539 = arith.addi %add3A_462, %add3A_462 : vector<16xi32>
        %le3A_540 = arith.cmpf ole, %gather3A_517, %gather3A_507 : vector<16xf32>
        %convert_element_type3A_541 = arith.extui %le3A_540 : vector<16xi1> to vector<16xi32>
        %add3A_542 = arith.addi %add3A_539, %convert_element_type3A_541 : vector<16xi32>
        %add3A_543 = arith.addi %add3A_466, %add3A_466 : vector<16xi32>
        %le3A_544 = arith.cmpf ole, %gather3A_520, %gather3A_508 : vector<16xf32>
        %convert_element_type3A_545 = arith.extui %le3A_544 : vector<16xi1> to vector<16xi32>
        %add3A_546 = arith.addi %add3A_543, %convert_element_type3A_545 : vector<16xi32>
        %add3A_547 = arith.addi %add3A_470, %add3A_470 : vector<16xi32>
        %le3A_548 = arith.cmpf ole, %gather3A_523, %gather3A_509 : vector<16xf32>
        %convert_element_type3A_549 = arith.extui %le3A_548 : vector<16xi1> to vector<16xi32>
        %add3A_550 = arith.addi %add3A_547, %convert_element_type3A_549 : vector<16xi32>
        %add3A_551 = arith.addi %add3A_474, %add3A_474 : vector<16xi32>
        %le3A_552 = arith.cmpf ole, %gather3A_526, %gather3A_510 : vector<16xf32>
        %convert_element_type3A_553 = arith.extui %le3A_552 : vector<16xi1> to vector<16xi32>
        %add3A_554 = arith.addi %add3A_551, %convert_element_type3A_553 : vector<16xi32>
        %add3A_555 = arith.addi %add3A_478, %add3A_478 : vector<16xi32>
        %le3A_556 = arith.cmpf ole, %gather3A_529, %gather3A_511 : vector<16xf32>
        %convert_element_type3A_557 = arith.extui %le3A_556 : vector<16xi1> to vector<16xi32>
        %add3A_558 = arith.addi %add3A_555, %convert_element_type3A_557 : vector<16xi32>
        %add3A_559 = arith.addi %add3A_482, %add3A_482 : vector<16xi32>
        %le3A_560 = arith.cmpf ole, %gather3A_532, %gather3A_512 : vector<16xf32>
        %convert_element_type3A_561 = arith.extui %le3A_560 : vector<16xi1> to vector<16xi32>
        %add3A_562 = arith.addi %add3A_559, %convert_element_type3A_561 : vector<16xi32>
        %add3A_563 = arith.addi %add3A_486, %add3A_486 : vector<16xi32>
        %le3A_564 = arith.cmpf ole, %gather3A_535, %gather3A_513 : vector<16xf32>
        %convert_element_type3A_565 = arith.extui %le3A_564 : vector<16xi1> to vector<16xi32>
        %add3A_566 = arith.addi %add3A_563, %convert_element_type3A_565 : vector<16xi32>
        %add3A_567 = arith.addi %add3A_490, %add3A_490 : vector<16xi32>
        %le3A_568 = arith.cmpf ole, %gather3A_538, %gather3A_514 : vector<16xf32>
        %convert_element_type3A_569 = arith.extui %le3A_568 : vector<16xi1> to vector<16xi32>
        %add3A_570 = arith.addi %add3A_567, %convert_element_type3A_569 : vector<16xi32>
        %add3A_571 = arith.addi %mul3A_73, %add3A_542 : vector<16xi32>
        %add3A_572 = arith.addi %mul3A_73, %add3A_546 : vector<16xi32>
        %add3A_573 = arith.addi %mul3A_73, %add3A_550 : vector<16xi32>
        %add3A_574 = arith.addi %mul3A_73, %add3A_554 : vector<16xi32>
        %add3A_575 = arith.addi %mul3A_73, %add3A_558 : vector<16xi32>
        %add3A_576 = arith.addi %mul3A_73, %add3A_562 : vector<16xi32>
        %add3A_577 = arith.addi %mul3A_73, %add3A_566 : vector<16xi32>
        %add3A_578 = arith.addi %mul3A_73, %add3A_570 : vector<16xi32>
        %gather3A_579 = tpu.vector_load_idx %arg45[%add3A_571] : memref<128xi32, #tpu.memory_space<vmem>>[vector<16xi32>], vector<16xi32>,
        %gather3A_580 = tpu.vector_load_idx %arg45[%add3A_572] : memref<128xi32, #tpu.memory_space<vmem>>[vector<16xi32>], vector<16xi32>,
        %gather3A_581 = tpu.vector_load_idx %arg45[%add3A_573] : memref<128xi32, #tpu.memory_space<vmem>>[vector<16xi32>], vector<16xi32>,
        %gather3A_582 = tpu.vector_load_idx %arg45[%add3A_574] : memref<128xi32, #tpu.memory_space<vmem>>[vector<16xi32>], vector<16xi32>,
        %gather3A_583 = tpu.vector_load_idx %arg45[%add3A_575] : memref<128xi32, #tpu.memory_space<vmem>>[vector<16xi32>], vector<16xi32>,
        %gather3A_584 = tpu.vector_load_idx %arg45[%add3A_576] : memref<128xi32, #tpu.memory_space<vmem>>[vector<16xi32>], vector<16xi32>,
        %gather3A_585 = tpu.vector_load_idx %arg45[%add3A_577] : memref<128xi32, #tpu.memory_space<vmem>>[vector<16xi32>], vector<16xi32>,
        %gather3A_586 = tpu.vector_load_idx %arg45[%add3A_578] : memref<128xi32, #tpu.memory_space<vmem>>[vector<16xi32>], vector<16xi32>,
        %gather3A_587 = tpu.vector_load_idx %arg52[%add3A_571] : memref<128xf32, #tpu.memory_space<vmem>>[vector<16xi32>], vector<16xf32>,
        %gather3A_588 = tpu.vector_load_idx %arg52[%add3A_572] : memref<128xf32, #tpu.memory_space<vmem>>[vector<16xi32>], vector<16xf32>,
        %gather3A_589 = tpu.vector_load_idx %arg52[%add3A_573] : memref<128xf32, #tpu.memory_space<vmem>>[vector<16xi32>], vector<16xf32>,
        %gather3A_590 = tpu.vector_load_idx %arg52[%add3A_574] : memref<128xf32, #tpu.memory_space<vmem>>[vector<16xi32>], vector<16xf32>,
        %gather3A_591 = tpu.vector_load_idx %arg52[%add3A_575] : memref<128xf32, #tpu.memory_space<vmem>>[vector<16xi32>], vector<16xf32>,
        %gather3A_592 = tpu.vector_load_idx %arg52[%add3A_576] : memref<128xf32, #tpu.memory_space<vmem>>[vector<16xi32>], vector<16xf32>,
        %gather3A_593 = tpu.vector_load_idx %arg52[%add3A_577] : memref<128xf32, #tpu.memory_space<vmem>>[vector<16xi32>], vector<16xf32>,
        %gather3A_594 = tpu.vector_load_idx %arg52[%add3A_578] : memref<128xf32, #tpu.memory_space<vmem>>[vector<16xi32>], vector<16xf32>,
        %add3A_595 = vector.broadcast %mul3A_330 : i32 to vector<16xi32>
        %add3A_596 = arith.addi %gather3A_579, %add3A_595 : vector<16xi32>
        %gather3A_597 = tpu.vector_load_idx %arg21[%add3A_596] : memref<32768xf32, #tpu.memory_space<vmem>>[vector<16xi32>], vector<16xf32>,
        %add3A_598 = vector.broadcast %mul3A_336 : i32 to vector<16xi32>
        %add3A_599 = arith.addi %gather3A_580, %add3A_598 : vector<16xi32>
        %gather3A_600 = tpu.vector_load_idx %arg21[%add3A_599] : memref<32768xf32, #tpu.memory_space<vmem>>[vector<16xi32>], vector<16xf32>,
        %add3A_601 = vector.broadcast %mul3A_342 : i32 to vector<16xi32>
        %add3A_602 = arith.addi %gather3A_581, %add3A_601 : vector<16xi32>
        %gather3A_603 = tpu.vector_load_idx %arg21[%add3A_602] : memref<32768xf32, #tpu.memory_space<vmem>>[vector<16xi32>], vector<16xf32>,
        %add3A_604 = vector.broadcast %mul3A_348 : i32 to vector<16xi32>
        %add3A_605 = arith.addi %gather3A_582, %add3A_604 : vector<16xi32>
        %gather3A_606 = tpu.vector_load_idx %arg21[%add3A_605] : memref<32768xf32, #tpu.memory_space<vmem>>[vector<16xi32>], vector<16xf32>,
        %add3A_607 = vector.broadcast %mul3A_354 : i32 to vector<16xi32>
        %add3A_608 = arith.addi %gather3A_583, %add3A_607 : vector<16xi32>
        %gather3A_609 = tpu.vector_load_idx %arg21[%add3A_608] : memref<32768xf32, #tpu.memory_space<vmem>>[vector<16xi32>], vector<16xf32>,
        %add3A_610 = vector.broadcast %mul3A_360 : i32 to vector<16xi32>
        %add3A_611 = arith.addi %gather3A_584, %add3A_610 : vector<16xi32>
        %gather3A_612 = tpu.vector_load_idx %arg21[%add3A_611] : memref<32768xf32, #tpu.memory_space<vmem>>[vector<16xi32>], vector<16xf32>,
        %add3A_613 = vector.broadcast %mul3A_366 : i32 to vector<16xi32>
        %add3A_614 = arith.addi %gather3A_585, %add3A_613 : vector<16xi32>
        %gather3A_615 = tpu.vector_load_idx %arg21[%add3A_614] : memref<32768xf32, #tpu.memory_space<vmem>>[vector<16xi32>], vector<16xf32>,
        %add3A_616 = vector.broadcast %mul3A_372 : i32 to vector<16xi32>
        %add3A_617 = arith.addi %gather3A_586, %add3A_616 : vector<16xi32>
        %gather3A_618 = tpu.vector_load_idx %arg21[%add3A_617] : memref<32768xf32, #tpu.memory_space<vmem>>[vector<16xi32>], vector<16xf32>,
        %add3A_619 = arith.addi %add3A_542, %add3A_542 : vector<16xi32>
        %le3A_620 = arith.cmpf ole, %gather3A_597, %gather3A_587 : vector<16xf32>
        %convert_element_type3A_621 = arith.extui %le3A_620 : vector<16xi1> to vector<16xi32>
        %add3A_622 = arith.addi %add3A_619, %convert_element_type3A_621 : vector<16xi32>
        %add3A_623 = arith.addi %add3A_546, %add3A_546 : vector<16xi32>
        %le3A_624 = arith.cmpf ole, %gather3A_600, %gather3A_588 : vector<16xf32>
        %convert_element_type3A_625 = arith.extui %le3A_624 : vector<16xi1> to vector<16xi32>
        %add3A_626 = arith.addi %add3A_623, %convert_element_type3A_625 : vector<16xi32>
        %add3A_627 = arith.addi %add3A_550, %add3A_550 : vector<16xi32>
        %le3A_628 = arith.cmpf ole, %gather3A_603, %gather3A_589 : vector<16xf32>
        %convert_element_type3A_629 = arith.extui %le3A_628 : vector<16xi1> to vector<16xi32>
        %add3A_630 = arith.addi %add3A_627, %convert_element_type3A_629 : vector<16xi32>
        %add3A_631 = arith.addi %add3A_554, %add3A_554 : vector<16xi32>
        %le3A_632 = arith.cmpf ole, %gather3A_606, %gather3A_590 : vector<16xf32>
        %convert_element_type3A_633 = arith.extui %le3A_632 : vector<16xi1> to vector<16xi32>
        %add3A_634 = arith.addi %add3A_631, %convert_element_type3A_633 : vector<16xi32>
        %add3A_635 = arith.addi %add3A_558, %add3A_558 : vector<16xi32>
        %le3A_636 = arith.cmpf ole, %gather3A_609, %gather3A_591 : vector<16xf32>
        %convert_element_type3A_637 = arith.extui %le3A_636 : vector<16xi1> to vector<16xi32>
        %add3A_638 = arith.addi %add3A_635, %convert_element_type3A_637 : vector<16xi32>
        %add3A_639 = arith.addi %add3A_562, %add3A_562 : vector<16xi32>
        %le3A_640 = arith.cmpf ole, %gather3A_612, %gather3A_592 : vector<16xf32>
        %convert_element_type3A_641 = arith.extui %le3A_640 : vector<16xi1> to vector<16xi32>
        %add3A_642 = arith.addi %add3A_639, %convert_element_type3A_641 : vector<16xi32>
        %add3A_643 = arith.addi %add3A_566, %add3A_566 : vector<16xi32>
        %le3A_644 = arith.cmpf ole, %gather3A_615, %gather3A_593 : vector<16xf32>
        %convert_element_type3A_645 = arith.extui %le3A_644 : vector<16xi1> to vector<16xi32>
        %add3A_646 = arith.addi %add3A_643, %convert_element_type3A_645 : vector<16xi32>
        %add3A_647 = arith.addi %add3A_570, %add3A_570 : vector<16xi32>
        %le3A_648 = arith.cmpf ole, %gather3A_618, %gather3A_594 : vector<16xf32>
        %convert_element_type3A_649 = arith.extui %le3A_648 : vector<16xi1> to vector<16xi32>
        %add3A_650 = arith.addi %add3A_647, %convert_element_type3A_649 : vector<16xi32>
        %add3A_651 = arith.addi %mul3A_76, %add3A_622 : vector<16xi32>
        %add3A_652 = arith.addi %mul3A_76, %add3A_626 : vector<16xi32>
        %add3A_653 = arith.addi %mul3A_76, %add3A_630 : vector<16xi32>
        %add3A_654 = arith.addi %mul3A_76, %add3A_634 : vector<16xi32>
        %add3A_655 = arith.addi %mul3A_76, %add3A_638 : vector<16xi32>
        %add3A_656 = arith.addi %mul3A_76, %add3A_642 : vector<16xi32>
        %add3A_657 = arith.addi %mul3A_76, %add3A_646 : vector<16xi32>
        %add3A_658 = arith.addi %mul3A_76, %add3A_650 : vector<16xi32>
        %gather3A_659 = tpu.vector_load_idx %arg46[%add3A_651] : memref<256xi32, #tpu.memory_space<vmem>>[vector<16xi32>], vector<16xi32>,
        %gather3A_660 = tpu.vector_load_idx %arg46[%add3A_652] : memref<256xi32, #tpu.memory_space<vmem>>[vector<16xi32>], vector<16xi32>,
        %gather3A_661 = tpu.vector_load_idx %arg46[%add3A_653] : memref<256xi32, #tpu.memory_space<vmem>>[vector<16xi32>], vector<16xi32>,
        %gather3A_662 = tpu.vector_load_idx %arg46[%add3A_654] : memref<256xi32, #tpu.memory_space<vmem>>[vector<16xi32>], vector<16xi32>,
        %gather3A_663 = tpu.vector_load_idx %arg46[%add3A_655] : memref<256xi32, #tpu.memory_space<vmem>>[vector<16xi32>], vector<16xi32>,
        %gather3A_664 = tpu.vector_load_idx %arg46[%add3A_656] : memref<256xi32, #tpu.memory_space<vmem>>[vector<16xi32>], vector<16xi32>,
        %gather3A_665 = tpu.vector_load_idx %arg46[%add3A_657] : memref<256xi32, #tpu.memory_space<vmem>>[vector<16xi32>], vector<16xi32>,
        %gather3A_666 = tpu.vector_load_idx %arg46[%add3A_658] : memref<256xi32, #tpu.memory_space<vmem>>[vector<16xi32>], vector<16xi32>,
        %gather3A_667 = tpu.vector_load_idx %arg53[%add3A_651] : memref<256xf32, #tpu.memory_space<vmem>>[vector<16xi32>], vector<16xf32>,
        %gather3A_668 = tpu.vector_load_idx %arg53[%add3A_652] : memref<256xf32, #tpu.memory_space<vmem>>[vector<16xi32>], vector<16xf32>,
        %gather3A_669 = tpu.vector_load_idx %arg53[%add3A_653] : memref<256xf32, #tpu.memory_space<vmem>>[vector<16xi32>], vector<16xf32>,
        %gather3A_670 = tpu.vector_load_idx %arg53[%add3A_654] : memref<256xf32, #tpu.memory_space<vmem>>[vector<16xi32>], vector<16xf32>,
        %gather3A_671 = tpu.vector_load_idx %arg53[%add3A_655] : memref<256xf32, #tpu.memory_space<vmem>>[vector<16xi32>], vector<16xf32>,
        %gather3A_672 = tpu.vector_load_idx %arg53[%add3A_656] : memref<256xf32, #tpu.memory_space<vmem>>[vector<16xi32>], vector<16xf32>,
        %gather3A_673 = tpu.vector_load_idx %arg53[%add3A_657] : memref<256xf32, #tpu.memory_space<vmem>>[vector<16xi32>], vector<16xf32>,
        %gather3A_674 = tpu.vector_load_idx %arg53[%add3A_658] : memref<256xf32, #tpu.memory_space<vmem>>[vector<16xi32>], vector<16xf32>,
        %add3A_675 = vector.broadcast %mul3A_330 : i32 to vector<16xi32>
        %add3A_676 = arith.addi %gather3A_659, %add3A_675 : vector<16xi32>
        %gather3A_677 = tpu.vector_load_idx %arg21[%add3A_676] : memref<32768xf32, #tpu.memory_space<vmem>>[vector<16xi32>], vector<16xf32>,
        %add3A_678 = vector.broadcast %mul3A_336 : i32 to vector<16xi32>
        %add3A_679 = arith.addi %gather3A_660, %add3A_678 : vector<16xi32>
        %gather3A_680 = tpu.vector_load_idx %arg21[%add3A_679] : memref<32768xf32, #tpu.memory_space<vmem>>[vector<16xi32>], vector<16xf32>,
        %add3A_681 = vector.broadcast %mul3A_342 : i32 to vector<16xi32>
        %add3A_682 = arith.addi %gather3A_661, %add3A_681 : vector<16xi32>
        %gather3A_683 = tpu.vector_load_idx %arg21[%add3A_682] : memref<32768xf32, #tpu.memory_space<vmem>>[vector<16xi32>], vector<16xf32>,
        %add3A_684 = vector.broadcast %mul3A_348 : i32 to vector<16xi32>
        %add3A_685 = arith.addi %gather3A_662, %add3A_684 : vector<16xi32>
        %gather3A_686 = tpu.vector_load_idx %arg21[%add3A_685] : memref<32768xf32, #tpu.memory_space<vmem>>[vector<16xi32>], vector<16xf32>,
        %add3A_687 = vector.broadcast %mul3A_354 : i32 to vector<16xi32>
        %add3A_688 = arith.addi %gather3A_663, %add3A_687 : vector<16xi32>
        %gather3A_689 = tpu.vector_load_idx %arg21[%add3A_688] : memref<32768xf32, #tpu.memory_space<vmem>>[vector<16xi32>], vector<16xf32>,
        %add3A_690 = vector.broadcast %mul3A_360 : i32 to vector<16xi32>
        %add3A_691 = arith.addi %gather3A_664, %add3A_690 : vector<16xi32>
        %gather3A_692 = tpu.vector_load_idx %arg21[%add3A_691] : memref<32768xf32, #tpu.memory_space<vmem>>[vector<16xi32>], vector<16xf32>,
        %add3A_693 = vector.broadcast %mul3A_366 : i32 to vector<16xi32>
        %add3A_694 = arith.addi %gather3A_665, %add3A_693 : vector<16xi32>
        %gather3A_695 = tpu.vector_load_idx %arg21[%add3A_694] : memref<32768xf32, #tpu.memory_space<vmem>>[vector<16xi32>], vector<16xf32>,
        %add3A_696 = vector.broadcast %mul3A_372 : i32 to vector<16xi32>
        %add3A_697 = arith.addi %gather3A_666, %add3A_696 : vector<16xi32>
        %gather3A_698 = tpu.vector_load_idx %arg21[%add3A_697] : memref<32768xf32, #tpu.memory_space<vmem>>[vector<16xi32>], vector<16xf32>,
        %add3A_699 = arith.addi %add3A_622, %add3A_622 : vector<16xi32>
        %le3A_700 = arith.cmpf ole, %gather3A_677, %gather3A_667 : vector<16xf32>
        %convert_element_type3A_701 = arith.extui %le3A_700 : vector<16xi1> to vector<16xi32>
        %add3A_702 = arith.addi %add3A_699, %convert_element_type3A_701 : vector<16xi32>
        %add3A_703 = arith.addi %add3A_626, %add3A_626 : vector<16xi32>
        %le3A_704 = arith.cmpf ole, %gather3A_680, %gather3A_668 : vector<16xf32>
        %convert_element_type3A_705 = arith.extui %le3A_704 : vector<16xi1> to vector<16xi32>
        %add3A_706 = arith.addi %add3A_703, %convert_element_type3A_705 : vector<16xi32>
        %add3A_707 = arith.addi %add3A_630, %add3A_630 : vector<16xi32>
        %le3A_708 = arith.cmpf ole, %gather3A_683, %gather3A_669 : vector<16xf32>
        %convert_element_type3A_709 = arith.extui %le3A_708 : vector<16xi1> to vector<16xi32>
        %add3A_710 = arith.addi %add3A_707, %convert_element_type3A_709 : vector<16xi32>
        %add3A_711 = arith.addi %add3A_634, %add3A_634 : vector<16xi32>
        %le3A_712 = arith.cmpf ole, %gather3A_686, %gather3A_670 : vector<16xf32>
        %convert_element_type3A_713 = arith.extui %le3A_712 : vector<16xi1> to vector<16xi32>
        %add3A_714 = arith.addi %add3A_711, %convert_element_type3A_713 : vector<16xi32>
        %add3A_715 = arith.addi %add3A_638, %add3A_638 : vector<16xi32>
        %le3A_716 = arith.cmpf ole, %gather3A_689, %gather3A_671 : vector<16xf32>
        %convert_element_type3A_717 = arith.extui %le3A_716 : vector<16xi1> to vector<16xi32>
        %add3A_718 = arith.addi %add3A_715, %convert_element_type3A_717 : vector<16xi32>
        %add3A_719 = arith.addi %add3A_642, %add3A_642 : vector<16xi32>
        %le3A_720 = arith.cmpf ole, %gather3A_692, %gather3A_672 : vector<16xf32>
        %convert_element_type3A_721 = arith.extui %le3A_720 : vector<16xi1> to vector<16xi32>
        %add3A_722 = arith.addi %add3A_719, %convert_element_type3A_721 : vector<16xi32>
        %add3A_723 = arith.addi %add3A_646, %add3A_646 : vector<16xi32>
        %le3A_724 = arith.cmpf ole, %gather3A_695, %gather3A_673 : vector<16xf32>
        %convert_element_type3A_725 = arith.extui %le3A_724 : vector<16xi1> to vector<16xi32>
        %add3A_726 = arith.addi %add3A_723, %convert_element_type3A_725 : vector<16xi32>
        %add3A_727 = arith.addi %add3A_650, %add3A_650 : vector<16xi32>
        %le3A_728 = arith.cmpf ole, %gather3A_698, %gather3A_674 : vector<16xf32>
        %convert_element_type3A_729 = arith.extui %le3A_728 : vector<16xi1> to vector<16xi32>
        %add3A_730 = arith.addi %add3A_727, %convert_element_type3A_729 : vector<16xi32>
        %add3A_731 = arith.addi %mul3A_79, %add3A_702 : vector<16xi32>
        %add3A_732 = arith.addi %mul3A_79, %add3A_706 : vector<16xi32>
        %add3A_733 = arith.addi %mul3A_79, %add3A_710 : vector<16xi32>
        %add3A_734 = arith.addi %mul3A_79, %add3A_714 : vector<16xi32>
        %add3A_735 = arith.addi %mul3A_79, %add3A_718 : vector<16xi32>
        %add3A_736 = arith.addi %mul3A_79, %add3A_722 : vector<16xi32>
        %add3A_737 = arith.addi %mul3A_79, %add3A_726 : vector<16xi32>
        %add3A_738 = arith.addi %mul3A_79, %add3A_730 : vector<16xi32>
        %gather3A_739 = tpu.vector_load_idx %arg47[%add3A_731] : memref<512xi32, #tpu.memory_space<vmem>>[vector<16xi32>], vector<16xi32>,
        %gather3A_740 = tpu.vector_load_idx %arg47[%add3A_732] : memref<512xi32, #tpu.memory_space<vmem>>[vector<16xi32>], vector<16xi32>,
        %gather3A_741 = tpu.vector_load_idx %arg47[%add3A_733] : memref<512xi32, #tpu.memory_space<vmem>>[vector<16xi32>], vector<16xi32>,
        %gather3A_742 = tpu.vector_load_idx %arg47[%add3A_734] : memref<512xi32, #tpu.memory_space<vmem>>[vector<16xi32>], vector<16xi32>,
        %gather3A_743 = tpu.vector_load_idx %arg47[%add3A_735] : memref<512xi32, #tpu.memory_space<vmem>>[vector<16xi32>], vector<16xi32>,
        %gather3A_744 = tpu.vector_load_idx %arg47[%add3A_736] : memref<512xi32, #tpu.memory_space<vmem>>[vector<16xi32>], vector<16xi32>,
        %gather3A_745 = tpu.vector_load_idx %arg47[%add3A_737] : memref<512xi32, #tpu.memory_space<vmem>>[vector<16xi32>], vector<16xi32>,
        %gather3A_746 = tpu.vector_load_idx %arg47[%add3A_738] : memref<512xi32, #tpu.memory_space<vmem>>[vector<16xi32>], vector<16xi32>,
        %gather3A_747 = tpu.vector_load_idx %arg54[%add3A_731] : memref<512xf32, #tpu.memory_space<vmem>>[vector<16xi32>], vector<16xf32>,
        %gather3A_748 = tpu.vector_load_idx %arg54[%add3A_732] : memref<512xf32, #tpu.memory_space<vmem>>[vector<16xi32>], vector<16xf32>,
        %gather3A_749 = tpu.vector_load_idx %arg54[%add3A_733] : memref<512xf32, #tpu.memory_space<vmem>>[vector<16xi32>], vector<16xf32>,
        %gather3A_750 = tpu.vector_load_idx %arg54[%add3A_734] : memref<512xf32, #tpu.memory_space<vmem>>[vector<16xi32>], vector<16xf32>,
        %gather3A_751 = tpu.vector_load_idx %arg54[%add3A_735] : memref<512xf32, #tpu.memory_space<vmem>>[vector<16xi32>], vector<16xf32>,
        %gather3A_752 = tpu.vector_load_idx %arg54[%add3A_736] : memref<512xf32, #tpu.memory_space<vmem>>[vector<16xi32>], vector<16xf32>,
        %gather3A_753 = tpu.vector_load_idx %arg54[%add3A_737] : memref<512xf32, #tpu.memory_space<vmem>>[vector<16xi32>], vector<16xf32>,
        %gather3A_754 = tpu.vector_load_idx %arg54[%add3A_738] : memref<512xf32, #tpu.memory_space<vmem>>[vector<16xi32>], vector<16xf32>,
        %add3A_755 = vector.broadcast %mul3A_330 : i32 to vector<16xi32>
        %add3A_756 = arith.addi %gather3A_739, %add3A_755 : vector<16xi32>
        %gather3A_757 = tpu.vector_load_idx %arg21[%add3A_756] : memref<32768xf32, #tpu.memory_space<vmem>>[vector<16xi32>], vector<16xf32>,
        %add3A_758 = vector.broadcast %mul3A_336 : i32 to vector<16xi32>
        %add3A_759 = arith.addi %gather3A_740, %add3A_758 : vector<16xi32>
        %gather3A_760 = tpu.vector_load_idx %arg21[%add3A_759] : memref<32768xf32, #tpu.memory_space<vmem>>[vector<16xi32>], vector<16xf32>,
        %add3A_761 = vector.broadcast %mul3A_342 : i32 to vector<16xi32>
        %add3A_762 = arith.addi %gather3A_741, %add3A_761 : vector<16xi32>
        %gather3A_763 = tpu.vector_load_idx %arg21[%add3A_762] : memref<32768xf32, #tpu.memory_space<vmem>>[vector<16xi32>], vector<16xf32>,
        %add3A_764 = vector.broadcast %mul3A_348 : i32 to vector<16xi32>
        %add3A_765 = arith.addi %gather3A_742, %add3A_764 : vector<16xi32>
        %gather3A_766 = tpu.vector_load_idx %arg21[%add3A_765] : memref<32768xf32, #tpu.memory_space<vmem>>[vector<16xi32>], vector<16xf32>,
        %add3A_767 = vector.broadcast %mul3A_354 : i32 to vector<16xi32>
        %add3A_768 = arith.addi %gather3A_743, %add3A_767 : vector<16xi32>
        %gather3A_769 = tpu.vector_load_idx %arg21[%add3A_768] : memref<32768xf32, #tpu.memory_space<vmem>>[vector<16xi32>], vector<16xf32>,
        %add3A_770 = vector.broadcast %mul3A_360 : i32 to vector<16xi32>
        %add3A_771 = arith.addi %gather3A_744, %add3A_770 : vector<16xi32>
        %gather3A_772 = tpu.vector_load_idx %arg21[%add3A_771] : memref<32768xf32, #tpu.memory_space<vmem>>[vector<16xi32>], vector<16xf32>,
        %add3A_773 = vector.broadcast %mul3A_366 : i32 to vector<16xi32>
        %add3A_774 = arith.addi %gather3A_745, %add3A_773 : vector<16xi32>
        %gather3A_775 = tpu.vector_load_idx %arg21[%add3A_774] : memref<32768xf32, #tpu.memory_space<vmem>>[vector<16xi32>], vector<16xf32>,
        %add3A_776 = vector.broadcast %mul3A_372 : i32 to vector<16xi32>
        %add3A_777 = arith.addi %gather3A_746, %add3A_776 : vector<16xi32>
        %gather3A_778 = tpu.vector_load_idx %arg21[%add3A_777] : memref<32768xf32, #tpu.memory_space<vmem>>[vector<16xi32>], vector<16xf32>,
        %add3A_779 = arith.addi %add3A_702, %add3A_702 : vector<16xi32>
        %le3A_780 = arith.cmpf ole, %gather3A_757, %gather3A_747 : vector<16xf32>
        %convert_element_type3A_781 = arith.extui %le3A_780 : vector<16xi1> to vector<16xi32>
        %add3A_782 = arith.addi %add3A_779, %convert_element_type3A_781 : vector<16xi32>
        %add3A_783 = arith.addi %add3A_706, %add3A_706 : vector<16xi32>
        %le3A_784 = arith.cmpf ole, %gather3A_760, %gather3A_748 : vector<16xf32>
        %convert_element_type3A_785 = arith.extui %le3A_784 : vector<16xi1> to vector<16xi32>
        %add3A_786 = arith.addi %add3A_783, %convert_element_type3A_785 : vector<16xi32>
        %add3A_787 = arith.addi %add3A_710, %add3A_710 : vector<16xi32>
        %le3A_788 = arith.cmpf ole, %gather3A_763, %gather3A_749 : vector<16xf32>
        %convert_element_type3A_789 = arith.extui %le3A_788 : vector<16xi1> to vector<16xi32>
        %add3A_790 = arith.addi %add3A_787, %convert_element_type3A_789 : vector<16xi32>
        %add3A_791 = arith.addi %add3A_714, %add3A_714 : vector<16xi32>
        %le3A_792 = arith.cmpf ole, %gather3A_766, %gather3A_750 : vector<16xf32>
        %convert_element_type3A_793 = arith.extui %le3A_792 : vector<16xi1> to vector<16xi32>
        %add3A_794 = arith.addi %add3A_791, %convert_element_type3A_793 : vector<16xi32>
        %add3A_795 = arith.addi %add3A_718, %add3A_718 : vector<16xi32>
        %le3A_796 = arith.cmpf ole, %gather3A_769, %gather3A_751 : vector<16xf32>
        %convert_element_type3A_797 = arith.extui %le3A_796 : vector<16xi1> to vector<16xi32>
        %add3A_798 = arith.addi %add3A_795, %convert_element_type3A_797 : vector<16xi32>
        %add3A_799 = arith.addi %add3A_722, %add3A_722 : vector<16xi32>
        %le3A_800 = arith.cmpf ole, %gather3A_772, %gather3A_752 : vector<16xf32>
        %convert_element_type3A_801 = arith.extui %le3A_800 : vector<16xi1> to vector<16xi32>
        %add3A_802 = arith.addi %add3A_799, %convert_element_type3A_801 : vector<16xi32>
        %add3A_803 = arith.addi %add3A_726, %add3A_726 : vector<16xi32>
        %le3A_804 = arith.cmpf ole, %gather3A_775, %gather3A_753 : vector<16xf32>
        %convert_element_type3A_805 = arith.extui %le3A_804 : vector<16xi1> to vector<16xi32>
        %add3A_806 = arith.addi %add3A_803, %convert_element_type3A_805 : vector<16xi32>
        %add3A_807 = arith.addi %add3A_730, %add3A_730 : vector<16xi32>
        %le3A_808 = arith.cmpf ole, %gather3A_778, %gather3A_754 : vector<16xf32>
        %convert_element_type3A_809 = arith.extui %le3A_808 : vector<16xi1> to vector<16xi32>
        %add3A_810 = arith.addi %add3A_807, %convert_element_type3A_809 : vector<16xi32>
        %add3A_811 = arith.addi %mul3A_82, %add3A_782 : vector<16xi32>
        %add3A_812 = arith.addi %mul3A_82, %add3A_786 : vector<16xi32>
        %add3A_813 = arith.addi %mul3A_82, %add3A_790 : vector<16xi32>
        %add3A_814 = arith.addi %mul3A_82, %add3A_794 : vector<16xi32>
        %add3A_815 = arith.addi %mul3A_82, %add3A_798 : vector<16xi32>
        %add3A_816 = arith.addi %mul3A_82, %add3A_802 : vector<16xi32>
        %add3A_817 = arith.addi %mul3A_82, %add3A_806 : vector<16xi32>
        %add3A_818 = arith.addi %mul3A_82, %add3A_810 : vector<16xi32>
        %gather3A_819 = tpu.vector_load_idx %arg48[%add3A_811] : memref<1024xi32, #tpu.memory_space<vmem>>[vector<16xi32>], vector<16xi32>,
        %gather3A_820 = tpu.vector_load_idx %arg48[%add3A_812] : memref<1024xi32, #tpu.memory_space<vmem>>[vector<16xi32>], vector<16xi32>,
        %gather3A_821 = tpu.vector_load_idx %arg48[%add3A_813] : memref<1024xi32, #tpu.memory_space<vmem>>[vector<16xi32>], vector<16xi32>,
        %gather3A_822 = tpu.vector_load_idx %arg48[%add3A_814] : memref<1024xi32, #tpu.memory_space<vmem>>[vector<16xi32>], vector<16xi32>,
        %gather3A_823 = tpu.vector_load_idx %arg48[%add3A_815] : memref<1024xi32, #tpu.memory_space<vmem>>[vector<16xi32>], vector<16xi32>,
        %gather3A_824 = tpu.vector_load_idx %arg48[%add3A_816] : memref<1024xi32, #tpu.memory_space<vmem>>[vector<16xi32>], vector<16xi32>,
        %gather3A_825 = tpu.vector_load_idx %arg48[%add3A_817] : memref<1024xi32, #tpu.memory_space<vmem>>[vector<16xi32>], vector<16xi32>,
        %gather3A_826 = tpu.vector_load_idx %arg48[%add3A_818] : memref<1024xi32, #tpu.memory_space<vmem>>[vector<16xi32>], vector<16xi32>,
        %gather3A_827 = tpu.vector_load_idx %arg55[%add3A_811] : memref<1024xf32, #tpu.memory_space<vmem>>[vector<16xi32>], vector<16xf32>,
        %gather3A_828 = tpu.vector_load_idx %arg55[%add3A_812] : memref<1024xf32, #tpu.memory_space<vmem>>[vector<16xi32>], vector<16xf32>,
        %gather3A_829 = tpu.vector_load_idx %arg55[%add3A_813] : memref<1024xf32, #tpu.memory_space<vmem>>[vector<16xi32>], vector<16xf32>,
        %gather3A_830 = tpu.vector_load_idx %arg55[%add3A_814] : memref<1024xf32, #tpu.memory_space<vmem>>[vector<16xi32>], vector<16xf32>,
        %gather3A_831 = tpu.vector_load_idx %arg55[%add3A_815] : memref<1024xf32, #tpu.memory_space<vmem>>[vector<16xi32>], vector<16xf32>,
        %gather3A_832 = tpu.vector_load_idx %arg55[%add3A_816] : memref<1024xf32, #tpu.memory_space<vmem>>[vector<16xi32>], vector<16xf32>,
        %gather3A_833 = tpu.vector_load_idx %arg55[%add3A_817] : memref<1024xf32, #tpu.memory_space<vmem>>[vector<16xi32>], vector<16xf32>,
        %gather3A_834 = tpu.vector_load_idx %arg55[%add3A_818] : memref<1024xf32, #tpu.memory_space<vmem>>[vector<16xi32>], vector<16xf32>,
        %add3A_835 = vector.broadcast %mul3A_330 : i32 to vector<16xi32>
        %add3A_836 = arith.addi %gather3A_819, %add3A_835 : vector<16xi32>
        %gather3A_837 = tpu.vector_load_idx %arg21[%add3A_836] : memref<32768xf32, #tpu.memory_space<vmem>>[vector<16xi32>], vector<16xf32>,
        %add3A_838 = vector.broadcast %mul3A_336 : i32 to vector<16xi32>
        %add3A_839 = arith.addi %gather3A_820, %add3A_838 : vector<16xi32>
        %gather3A_840 = tpu.vector_load_idx %arg21[%add3A_839] : memref<32768xf32, #tpu.memory_space<vmem>>[vector<16xi32>], vector<16xf32>,
        %add3A_841 = vector.broadcast %mul3A_342 : i32 to vector<16xi32>
        %add3A_842 = arith.addi %gather3A_821, %add3A_841 : vector<16xi32>
        %gather3A_843 = tpu.vector_load_idx %arg21[%add3A_842] : memref<32768xf32, #tpu.memory_space<vmem>>[vector<16xi32>], vector<16xf32>,
        %add3A_844 = vector.broadcast %mul3A_348 : i32 to vector<16xi32>
        %add3A_845 = arith.addi %gather3A_822, %add3A_844 : vector<16xi32>
        %gather3A_846 = tpu.vector_load_idx %arg21[%add3A_845] : memref<32768xf32, #tpu.memory_space<vmem>>[vector<16xi32>], vector<16xf32>,
        %add3A_847 = vector.broadcast %mul3A_354 : i32 to vector<16xi32>
        %add3A_848 = arith.addi %gather3A_823, %add3A_847 : vector<16xi32>
        %gather3A_849 = tpu.vector_load_idx %arg21[%add3A_848] : memref<32768xf32, #tpu.memory_space<vmem>>[vector<16xi32>], vector<16xf32>,
        %add3A_850 = vector.broadcast %mul3A_360 : i32 to vector<16xi32>
        %add3A_851 = arith.addi %gather3A_824, %add3A_850 : vector<16xi32>
        %gather3A_852 = tpu.vector_load_idx %arg21[%add3A_851] : memref<32768xf32, #tpu.memory_space<vmem>>[vector<16xi32>], vector<16xf32>,
        %add3A_853 = vector.broadcast %mul3A_366 : i32 to vector<16xi32>
        %add3A_854 = arith.addi %gather3A_825, %add3A_853 : vector<16xi32>
        %gather3A_855 = tpu.vector_load_idx %arg21[%add3A_854] : memref<32768xf32, #tpu.memory_space<vmem>>[vector<16xi32>], vector<16xf32>,
        %add3A_856 = vector.broadcast %mul3A_372 : i32 to vector<16xi32>
        %add3A_857 = arith.addi %gather3A_826, %add3A_856 : vector<16xi32>
        %gather3A_858 = tpu.vector_load_idx %arg21[%add3A_857] : memref<32768xf32, #tpu.memory_space<vmem>>[vector<16xi32>], vector<16xf32>,
        %add3A_859 = arith.addi %add3A_782, %add3A_782 : vector<16xi32>
        %le3A_860 = arith.cmpf ole, %gather3A_837, %gather3A_827 : vector<16xf32>
        %convert_element_type3A_861 = arith.extui %le3A_860 : vector<16xi1> to vector<16xi32>
        %add3A_862 = arith.addi %add3A_859, %convert_element_type3A_861 : vector<16xi32>
        %add3A_863 = arith.addi %add3A_786, %add3A_786 : vector<16xi32>
        %le3A_864 = arith.cmpf ole, %gather3A_840, %gather3A_828 : vector<16xf32>
        %convert_element_type3A_865 = arith.extui %le3A_864 : vector<16xi1> to vector<16xi32>
        %add3A_866 = arith.addi %add3A_863, %convert_element_type3A_865 : vector<16xi32>
        %add3A_867 = arith.addi %add3A_790, %add3A_790 : vector<16xi32>
        %le3A_868 = arith.cmpf ole, %gather3A_843, %gather3A_829 : vector<16xf32>
        %convert_element_type3A_869 = arith.extui %le3A_868 : vector<16xi1> to vector<16xi32>
        %add3A_870 = arith.addi %add3A_867, %convert_element_type3A_869 : vector<16xi32>
        %add3A_871 = arith.addi %add3A_794, %add3A_794 : vector<16xi32>
        %le3A_872 = arith.cmpf ole, %gather3A_846, %gather3A_830 : vector<16xf32>
        %convert_element_type3A_873 = arith.extui %le3A_872 : vector<16xi1> to vector<16xi32>
        %add3A_874 = arith.addi %add3A_871, %convert_element_type3A_873 : vector<16xi32>
        %add3A_875 = arith.addi %add3A_798, %add3A_798 : vector<16xi32>
        %le3A_876 = arith.cmpf ole, %gather3A_849, %gather3A_831 : vector<16xf32>
        %convert_element_type3A_877 = arith.extui %le3A_876 : vector<16xi1> to vector<16xi32>
        %add3A_878 = arith.addi %add3A_875, %convert_element_type3A_877 : vector<16xi32>
        %add3A_879 = arith.addi %add3A_802, %add3A_802 : vector<16xi32>
        %le3A_880 = arith.cmpf ole, %gather3A_852, %gather3A_832 : vector<16xf32>
        %convert_element_type3A_881 = arith.extui %le3A_880 : vector<16xi1> to vector<16xi32>
        %add3A_882 = arith.addi %add3A_879, %convert_element_type3A_881 : vector<16xi32>
        %add3A_883 = arith.addi %add3A_806, %add3A_806 : vector<16xi32>
        %le3A_884 = arith.cmpf ole, %gather3A_855, %gather3A_833 : vector<16xf32>
        %convert_element_type3A_885 = arith.extui %le3A_884 : vector<16xi1> to vector<16xi32>
        %add3A_886 = arith.addi %add3A_883, %convert_element_type3A_885 : vector<16xi32>
        %add3A_887 = arith.addi %add3A_810, %add3A_810 : vector<16xi32>
        %le3A_888 = arith.cmpf ole, %gather3A_858, %gather3A_834 : vector<16xf32>
        %convert_element_type3A_889 = arith.extui %le3A_888 : vector<16xi1> to vector<16xi32>
        %add3A_890 = arith.addi %add3A_887, %convert_element_type3A_889 : vector<16xi32>
        %add3A_891 = arith.addi %mul3A_85, %add3A_862 : vector<16xi32>
        %add3A_892 = arith.addi %mul3A_85, %add3A_866 : vector<16xi32>
        %add3A_893 = arith.addi %mul3A_85, %add3A_870 : vector<16xi32>
        %add3A_894 = arith.addi %mul3A_85, %add3A_874 : vector<16xi32>
        %add3A_895 = arith.addi %mul3A_85, %add3A_878 : vector<16xi32>
        %add3A_896 = arith.addi %mul3A_85, %add3A_882 : vector<16xi32>
        %add3A_897 = arith.addi %mul3A_85, %add3A_886 : vector<16xi32>
        %add3A_898 = arith.addi %mul3A_85, %add3A_890 : vector<16xi32>
        %gather3A_899 = tpu.vector_load_idx %arg49[%add3A_891] : memref<2048xi32, #tpu.memory_space<vmem>>[vector<16xi32>], vector<16xi32>,
        %gather3A_900 = tpu.vector_load_idx %arg49[%add3A_892] : memref<2048xi32, #tpu.memory_space<vmem>>[vector<16xi32>], vector<16xi32>,
        %gather3A_901 = tpu.vector_load_idx %arg49[%add3A_893] : memref<2048xi32, #tpu.memory_space<vmem>>[vector<16xi32>], vector<16xi32>,
        %gather3A_902 = tpu.vector_load_idx %arg49[%add3A_894] : memref<2048xi32, #tpu.memory_space<vmem>>[vector<16xi32>], vector<16xi32>,
        %gather3A_903 = tpu.vector_load_idx %arg49[%add3A_895] : memref<2048xi32, #tpu.memory_space<vmem>>[vector<16xi32>], vector<16xi32>,
        %gather3A_904 = tpu.vector_load_idx %arg49[%add3A_896] : memref<2048xi32, #tpu.memory_space<vmem>>[vector<16xi32>], vector<16xi32>,
        %gather3A_905 = tpu.vector_load_idx %arg49[%add3A_897] : memref<2048xi32, #tpu.memory_space<vmem>>[vector<16xi32>], vector<16xi32>,
        %gather3A_906 = tpu.vector_load_idx %arg49[%add3A_898] : memref<2048xi32, #tpu.memory_space<vmem>>[vector<16xi32>], vector<16xi32>,
        %gather3A_907 = tpu.vector_load_idx %arg56[%add3A_891] : memref<2048xf32, #tpu.memory_space<vmem>>[vector<16xi32>], vector<16xf32>,
        %gather3A_908 = tpu.vector_load_idx %arg56[%add3A_892] : memref<2048xf32, #tpu.memory_space<vmem>>[vector<16xi32>], vector<16xf32>,
        %gather3A_909 = tpu.vector_load_idx %arg56[%add3A_893] : memref<2048xf32, #tpu.memory_space<vmem>>[vector<16xi32>], vector<16xf32>,
        %gather3A_910 = tpu.vector_load_idx %arg56[%add3A_894] : memref<2048xf32, #tpu.memory_space<vmem>>[vector<16xi32>], vector<16xf32>,
        %gather3A_911 = tpu.vector_load_idx %arg56[%add3A_895] : memref<2048xf32, #tpu.memory_space<vmem>>[vector<16xi32>], vector<16xf32>,
        %gather3A_912 = tpu.vector_load_idx %arg56[%add3A_896] : memref<2048xf32, #tpu.memory_space<vmem>>[vector<16xi32>], vector<16xf32>,
        %gather3A_913 = tpu.vector_load_idx %arg56[%add3A_897] : memref<2048xf32, #tpu.memory_space<vmem>>[vector<16xi32>], vector<16xf32>,
        %gather3A_914 = tpu.vector_load_idx %arg56[%add3A_898] : memref<2048xf32, #tpu.memory_space<vmem>>[vector<16xi32>], vector<16xf32>,
        %add3A_915 = vector.broadcast %mul3A_330 : i32 to vector<16xi32>
        %add3A_916 = arith.addi %gather3A_899, %add3A_915 : vector<16xi32>
        %gather3A_917 = tpu.vector_load_idx %arg21[%add3A_916] : memref<32768xf32, #tpu.memory_space<vmem>>[vector<16xi32>], vector<16xf32>,
        %add3A_918 = vector.broadcast %mul3A_336 : i32 to vector<16xi32>
        %add3A_919 = arith.addi %gather3A_900, %add3A_918 : vector<16xi32>
        %gather3A_920 = tpu.vector_load_idx %arg21[%add3A_919] : memref<32768xf32, #tpu.memory_space<vmem>>[vector<16xi32>], vector<16xf32>,
        %add3A_921 = vector.broadcast %mul3A_342 : i32 to vector<16xi32>
        %add3A_922 = arith.addi %gather3A_901, %add3A_921 : vector<16xi32>
        %gather3A_923 = tpu.vector_load_idx %arg21[%add3A_922] : memref<32768xf32, #tpu.memory_space<vmem>>[vector<16xi32>], vector<16xf32>,
        %add3A_924 = vector.broadcast %mul3A_348 : i32 to vector<16xi32>
        %add3A_925 = arith.addi %gather3A_902, %add3A_924 : vector<16xi32>
        %gather3A_926 = tpu.vector_load_idx %arg21[%add3A_925] : memref<32768xf32, #tpu.memory_space<vmem>>[vector<16xi32>], vector<16xf32>,
        %add3A_927 = vector.broadcast %mul3A_354 : i32 to vector<16xi32>
        %add3A_928 = arith.addi %gather3A_903, %add3A_927 : vector<16xi32>
        %gather3A_929 = tpu.vector_load_idx %arg21[%add3A_928] : memref<32768xf32, #tpu.memory_space<vmem>>[vector<16xi32>], vector<16xf32>,
        %add3A_930 = vector.broadcast %mul3A_360 : i32 to vector<16xi32>
        %add3A_931 = arith.addi %gather3A_904, %add3A_930 : vector<16xi32>
        %gather3A_932 = tpu.vector_load_idx %arg21[%add3A_931] : memref<32768xf32, #tpu.memory_space<vmem>>[vector<16xi32>], vector<16xf32>,
        %add3A_933 = vector.broadcast %mul3A_366 : i32 to vector<16xi32>
        %add3A_934 = arith.addi %gather3A_905, %add3A_933 : vector<16xi32>
        %gather3A_935 = tpu.vector_load_idx %arg21[%add3A_934] : memref<32768xf32, #tpu.memory_space<vmem>>[vector<16xi32>], vector<16xf32>,
        %add3A_936 = vector.broadcast %mul3A_372 : i32 to vector<16xi32>
        %add3A_937 = arith.addi %gather3A_906, %add3A_936 : vector<16xi32>
        %gather3A_938 = tpu.vector_load_idx %arg21[%add3A_937] : memref<32768xf32, #tpu.memory_space<vmem>>[vector<16xi32>], vector<16xf32>,
        %add3A_939 = arith.addi %add3A_862, %add3A_862 : vector<16xi32>
        %le3A_940 = arith.cmpf ole, %gather3A_917, %gather3A_907 : vector<16xf32>
        %convert_element_type3A_941 = arith.extui %le3A_940 : vector<16xi1> to vector<16xi32>
        %add3A_942 = arith.addi %add3A_939, %convert_element_type3A_941 : vector<16xi32>
        %add3A_943 = arith.addi %add3A_866, %add3A_866 : vector<16xi32>
        %le3A_944 = arith.cmpf ole, %gather3A_920, %gather3A_908 : vector<16xf32>
        %convert_element_type3A_945 = arith.extui %le3A_944 : vector<16xi1> to vector<16xi32>
        %add3A_946 = arith.addi %add3A_943, %convert_element_type3A_945 : vector<16xi32>
        %add3A_947 = arith.addi %add3A_870, %add3A_870 : vector<16xi32>
        %le3A_948 = arith.cmpf ole, %gather3A_923, %gather3A_909 : vector<16xf32>
        %convert_element_type3A_949 = arith.extui %le3A_948 : vector<16xi1> to vector<16xi32>
        %add3A_950 = arith.addi %add3A_947, %convert_element_type3A_949 : vector<16xi32>
        %add3A_951 = arith.addi %add3A_874, %add3A_874 : vector<16xi32>
        %le3A_952 = arith.cmpf ole, %gather3A_926, %gather3A_910 : vector<16xf32>
        %convert_element_type3A_953 = arith.extui %le3A_952 : vector<16xi1> to vector<16xi32>
        %add3A_954 = arith.addi %add3A_951, %convert_element_type3A_953 : vector<16xi32>
        %add3A_955 = arith.addi %add3A_878, %add3A_878 : vector<16xi32>
        %le3A_956 = arith.cmpf ole, %gather3A_929, %gather3A_911 : vector<16xf32>
        %convert_element_type3A_957 = arith.extui %le3A_956 : vector<16xi1> to vector<16xi32>
        %add3A_958 = arith.addi %add3A_955, %convert_element_type3A_957 : vector<16xi32>
        %add3A_959 = arith.addi %add3A_882, %add3A_882 : vector<16xi32>
        %le3A_960 = arith.cmpf ole, %gather3A_932, %gather3A_912 : vector<16xf32>
        %convert_element_type3A_961 = arith.extui %le3A_960 : vector<16xi1> to vector<16xi32>
        %add3A_962 = arith.addi %add3A_959, %convert_element_type3A_961 : vector<16xi32>
        %add3A_963 = arith.addi %add3A_886, %add3A_886 : vector<16xi32>
        %le3A_964 = arith.cmpf ole, %gather3A_935, %gather3A_913 : vector<16xf32>
        %convert_element_type3A_965 = arith.extui %le3A_964 : vector<16xi1> to vector<16xi32>
        %add3A_966 = arith.addi %add3A_963, %convert_element_type3A_965 : vector<16xi32>
        %add3A_967 = arith.addi %add3A_890, %add3A_890 : vector<16xi32>
        %le3A_968 = arith.cmpf ole, %gather3A_938, %gather3A_914 : vector<16xf32>
        %convert_element_type3A_969 = arith.extui %le3A_968 : vector<16xi1> to vector<16xi32>
        %add3A_970 = arith.addi %add3A_967, %convert_element_type3A_969 : vector<16xi32>
        %add3A_971 = arith.addi %mul3A_88, %add3A_942 : vector<16xi32>
        %gather3A_972 = tpu.vector_load_idx %arg57[%add3A_971] : memref<4096xf32, #tpu.memory_space<vmem>>[vector<16xi32>], vector<16xf32>,
        %mul3A_973 = arith.constant 8 : i32
        %mul3A_974 = arith.muli %scan3A_324, %mul3A_973 : i32
        %add3A_975 = arith.constant 0 : i32
        %add3A_976 = arith.addi %mul3A_974, %add3A_975 : i32
        %broadcast_in_dim3A = vector.broadcast %add3A_976 : i32 to vector<16xi32>
        tpu.vector_store_idx %arg24[%broadcast_in_dim3A, %add3A_317], %gather3A_972 : memref<128x512xf32, #tpu.memory_space<vmem>>[vector<16xi32>, vector<16xi32>], vector<16xf32>,
        %add3A_977 = arith.addi %mul3A_88, %add3A_946 : vector<16xi32>
        %gather3A_978 = tpu.vector_load_idx %arg57[%add3A_977] : memref<4096xf32, #tpu.memory_space<vmem>>[vector<16xi32>], vector<16xf32>,
        %mul3A_979 = arith.constant 8 : i32
        %mul3A_980 = arith.muli %scan3A_324, %mul3A_979 : i32
        %add3A_981 = arith.constant 1 : i32
        %add3A_982 = arith.addi %mul3A_980, %add3A_981 : i32
        %broadcast_in_dim3A_983 = vector.broadcast %add3A_982 : i32 to vector<16xi32>
        tpu.vector_store_idx %arg24[%broadcast_in_dim3A_983, %add3A_317], %gather3A_978 : memref<128x512xf32, #tpu.memory_space<vmem>>[vector<16xi32>, vector<16xi32>], vector<16xf32>,
        %add3A_984 = arith.addi %mul3A_88, %add3A_950 : vector<16xi32>
        %gather3A_985 = tpu.vector_load_idx %arg57[%add3A_984] : memref<4096xf32, #tpu.memory_space<vmem>>[vector<16xi32>], vector<16xf32>,
        %mul3A_986 = arith.constant 8 : i32
        %mul3A_987 = arith.muli %scan3A_324, %mul3A_986 : i32
        %add3A_988 = arith.constant 2 : i32
        %add3A_989 = arith.addi %mul3A_987, %add3A_988 : i32
        %broadcast_in_dim3A_990 = vector.broadcast %add3A_989 : i32 to vector<16xi32>
        tpu.vector_store_idx %arg24[%broadcast_in_dim3A_990, %add3A_317], %gather3A_985 : memref<128x512xf32, #tpu.memory_space<vmem>>[vector<16xi32>, vector<16xi32>], vector<16xf32>,
        %add3A_991 = arith.addi %mul3A_88, %add3A_954 : vector<16xi32>
        %gather3A_992 = tpu.vector_load_idx %arg57[%add3A_991] : memref<4096xf32, #tpu.memory_space<vmem>>[vector<16xi32>], vector<16xf32>,
        %mul3A_993 = arith.constant 8 : i32
        %mul3A_994 = arith.muli %scan3A_324, %mul3A_993 : i32
        %add3A_995 = arith.constant 3 : i32
        %add3A_996 = arith.addi %mul3A_994, %add3A_995 : i32
        %broadcast_in_dim3A_997 = vector.broadcast %add3A_996 : i32 to vector<16xi32>
        tpu.vector_store_idx %arg24[%broadcast_in_dim3A_997, %add3A_317], %gather3A_992 : memref<128x512xf32, #tpu.memory_space<vmem>>[vector<16xi32>, vector<16xi32>], vector<16xf32>,
        %add3A_998 = arith.addi %mul3A_88, %add3A_958 : vector<16xi32>
        %gather3A_999 = tpu.vector_load_idx %arg57[%add3A_998] : memref<4096xf32, #tpu.memory_space<vmem>>[vector<16xi32>], vector<16xf32>,
        %mul3A_1000 = arith.constant 8 : i32
        %mul3A_1001 = arith.muli %scan3A_324, %mul3A_1000 : i32
        %add3A_1002 = arith.constant 4 : i32
        %add3A_1003 = arith.addi %mul3A_1001, %add3A_1002 : i32
        %broadcast_in_dim3A_1004 = vector.broadcast %add3A_1003 : i32 to vector<16xi32>
        tpu.vector_store_idx %arg24[%broadcast_in_dim3A_1004, %add3A_317], %gather3A_999 : memref<128x512xf32, #tpu.memory_space<vmem>>[vector<16xi32>, vector<16xi32>], vector<16xf32>,
        %add3A_1005 = arith.addi %mul3A_88, %add3A_962 : vector<16xi32>
        %gather3A_1006 = tpu.vector_load_idx %arg57[%add3A_1005] : memref<4096xf32, #tpu.memory_space<vmem>>[vector<16xi32>], vector<16xf32>,
        %mul3A_1007 = arith.constant 8 : i32
        %mul3A_1008 = arith.muli %scan3A_324, %mul3A_1007 : i32
        %add3A_1009 = arith.constant 5 : i32
        %add3A_1010 = arith.addi %mul3A_1008, %add3A_1009 : i32
        %broadcast_in_dim3A_1011 = vector.broadcast %add3A_1010 : i32 to vector<16xi32>
        tpu.vector_store_idx %arg24[%broadcast_in_dim3A_1011, %add3A_317], %gather3A_1006 : memref<128x512xf32, #tpu.memory_space<vmem>>[vector<16xi32>, vector<16xi32>], vector<16xf32>,
        %add3A_1012 = arith.addi %mul3A_88, %add3A_966 : vector<16xi32>
        %gather3A_1013 = tpu.vector_load_idx %arg57[%add3A_1012] : memref<4096xf32, #tpu.memory_space<vmem>>[vector<16xi32>], vector<16xf32>,
        %mul3A_1014 = arith.constant 8 : i32
        %mul3A_1015 = arith.muli %scan3A_324, %mul3A_1014 : i32
        %add3A_1016 = arith.constant 6 : i32
        %add3A_1017 = arith.addi %mul3A_1015, %add3A_1016 : i32
        %broadcast_in_dim3A_1018 = vector.broadcast %add3A_1017 : i32 to vector<16xi32>
        tpu.vector_store_idx %arg24[%broadcast_in_dim3A_1018, %add3A_317], %gather3A_1013 : memref<128x512xf32, #tpu.memory_space<vmem>>[vector<16xi32>, vector<16xi32>], vector<16xf32>,
        %add3A_1019 = arith.addi %mul3A_88, %add3A_970 : vector<16xi32>
        %gather3A_1020 = tpu.vector_load_idx %arg57[%add3A_1019] : memref<4096xf32, #tpu.memory_space<vmem>>[vector<16xi32>], vector<16xf32>,
        %mul3A_1021 = arith.constant 8 : i32
        %mul3A_1022 = arith.muli %scan3A_324, %mul3A_1021 : i32
        %add3A_1023 = arith.constant 7 : i32
        %add3A_1024 = arith.addi %mul3A_1022, %add3A_1023 : i32
        %broadcast_in_dim3A_1025 = vector.broadcast %add3A_1024 : i32 to vector<16xi32>
        tpu.vector_store_idx %arg24[%broadcast_in_dim3A_1025, %add3A_317], %gather3A_1020 : memref<128x512xf32, #tpu.memory_space<vmem>>[vector<16xi32>, vector<16xi32>], vector<16xf32>,
      }
      %scan3A_323 = arith.constant 16 : i32
    }
    %scan3A_93 = arith.constant 16 : i32
    %mul3A_94 = arith.constant 128 : i32
    %mul3A_95 = arith.muli %add3A, %mul3A_94 : i32
    "tpu.region"() ({
      %run_scoped3A = tpu.sem_alloc : memref<!tpu.dma_semaphore, #tpu.memory_space<semaphore_mem>>
      %dma_start3A_96 = arith.constant 0 : i32
      %dma_start3A_97 = tpu.memref_slice %arg20[%mul3A_95, %dma_start3A_96] : memref<4096x512xf32, #tpu.memory_space<hbm>> -> memref<128x512xf32, #tpu.memory_space<hbm>>
      %dma_start3A_98 = arith.constant 0 : i32
      %dma_start3A_99 = tpu.memref_slice %arg20[%mul3A_95, %dma_start3A_98] : memref<4096x512xf32, #tpu.memory_space<hbm>> -> memref<128x512xf32, #tpu.memory_space<hbm>>
      tpu.enqueue_dma source(%arg24 : memref<128x512xf32, #tpu.memory_space<vmem>>) target(%dma_start3A_99 : memref<128x512xf32, #tpu.memory_space<hbm>>) target_semaphore(%run_scoped3A : memref<!tpu.dma_semaphore, #tpu.memory_space<semaphore_mem>>)
      %dma_wait3A_100 = arith.constant 0 : i32
      %dma_wait3A_101 = tpu.memref_slice %arg20[%mul3A_95, %dma_wait3A_100] : memref<4096x512xf32, #tpu.memory_space<hbm>> -> memref<128x512xf32, #tpu.memory_space<hbm>>
      %dma_wait3A_102 = arith.constant 0 : i32
      %dma_wait3A_103 = tpu.memref_slice %arg20[%mul3A_95, %dma_wait3A_102] : memref<4096x512xf32, #tpu.memory_space<hbm>> -> memref<128x512xf32, #tpu.memory_space<hbm>>
      tpu.wait_dma2 semaphore(%run_scoped3A : memref<!tpu.dma_semaphore, #tpu.memory_space<semaphore_mem>>) src(%arg24 : memref<128x512xf32, #tpu.memory_space<vmem>>) dst(%dma_wait3A_103 : memref<128x512xf32, #tpu.memory_space<hbm>>)
      tpu.yield
    }) : () -> ()
    return
  }
}

</mosaic_0001>

<sc_bundles>
// kernel: kernel.3.cloned.1.call-start
scs
__scs_entry_jumppad:
0x0: {  	(pc) =	sbr.rel $0x88, $3  }
0x1: {  	(tag) =	ssettag $0x0;
	lr =	simm.s32 $0x1  }
0x2: {  	[smem:$0x3F8F] =	sst lr;
	_ =	strace $0xD0000000  }
0x3: {  	_ = 	snop  }
0x4: {  	_ = 	snop  }
0x5: {  	_ = 	snop  }
0x6: {  	_ = 	snop  }
0x7: {  	_ = 	snop  }
__scs_overlays_trampoline_lowered:
0x8: {  	[smem:$0x3F9E] =	sst s0  }
0x9: {  	[smem:$0x3F9F] =	sst s1  }
0xa: {  	[smem:$0x3FA0] =	sst s2  }
0xb: {  	[smem:$0x3FA1] =	sst s3  }
0xc: {  	[smem:$0x3FA2] =	sst s4  }
0xd: {  	[smem:$0x3FA3] =	sst s5  }
0xe: {  	[smem:$0x3FA4] =	sst s6  }
0xf: {  	[smem:$0x3FA5] =	sst s7  }
0x10: {  	[smem:$0x3FA6] =	sst s8  }
0x11: {  	[smem:$0x3FA7] =	sst s9;
	s0 =	simm.s32 @!p0 $0x0  }
0x12: {  	s1 =	sld [smem:$0x3F8D];
	s0 =	simm.s32 @p0 $0x1  }
0x13: {  	[smem:$0x3FA8] =	sst s0;
	s0 =	simm.s32 @!p1 $0x0  }
0x14: {  	s2 =	sld [smem:$0x3F8C];
	s0 =	simm.s32 @p1 $0x1  }
0x15: {  	[smem:$0x3FA9] =	sst s0;
	s0 =	simm.s32 @!p2 $0x0  }
0x16: {  	s3 =	sld [smem:$0x3FDB];
	s0 =	simm.s32 @p2 $0x1  }
0x17: {  	s4 =	simm.s32 $0x1BF5;
	[smem:$0x3FAB] =	sst s0  }
0x18: {  	s0 =	sld [smem:$0x3F8E];
	_ =	swait.ge [sflag:s4], $0x0  }
0x19: {  	s7 =	sld [smem:$0x3F8F]  }
0x1a: {  	s8 =	sadd.s32 $0xFFFFE003, lr  }
0x1b: {  	s9 =	sadd.s32 $0xFFFFFEF7, lr;
	s5 =	simm.s32 $0xFFFFFFFF;
	p2 =	slt.u32 s8, $0xFFFFF086  }
0x1c: {  	p1 =	slt.u32 s9, $0xF7A;
	s5 =	simm.s32 @!p2 $0x0  }
0x1d: {  	s5 =	simm.s32 @p1 $0x1;
	p0 =	seq.s32 s7, s2  }
0x1e: {  	s7 =	smul.u32 @!p0 $0xF7A, s2;
	p2 =	seq.s32 @!p0 s5, $0x0  }
0x1f: {  	s9 =	smul.u32 $0xF7A, s1;
	s8 =	simm.s32 @!p0 $0x1BF5;
	p2 =	por !p2, p0  }
0x20: {  	[sflag:s8] =	ssyncset.s32 @!p0 $0xFFFFF086;
	s6 =	sadd.s32 @!p0 s3, s7;
	s7 =	simm.s32 @!p0 $0x108  }
0x21: {  	s3 =	sadd.s32 s3, s9;
	s6 =	sadd.s32 @!p0 $0x88, s6;
	s7 =	simm.s32 @p2 $0x1082  }
0x22: {  	[simem:s7], [sflag:s8] =	dma.local @!p0 [hbm:s6], $0xF7A  }
0x23: {  	s9 =	sor.u32 $0xD0000000, s2;
	s6 =	simm.s32 $0x108;
	_ =	swait.ge @!p0 [sflag:s8], $0x0  }
0x24: {  	s3 =	sadd.s32 $0x88, s3;
	s6 =	simm.s32 @!p1 $0x1082;
	[sflag:s4] =	ssyncset.s32 $0xFFFFF086  }
0x25: {  	[simem:s6], [sflag:s4] =	dma.local [hbm:s3], $0xF7A  }
0x26: {  	[smem:$0x3F8F] =	sst s1;
	(tag) =	ssettag s2;
	_ =	strace s9  }
0x27: {  	s1 =	sld [smem:$0x3F9F]  }
0x28: {  	s2 =	sld [smem:$0x3FA0]  }
0x29: {  	s4 =	sld [smem:$0x3FA2]  }
0x2a: {  	p0 =	seq.s32 s5, $0x0;
	s5 =	sld [smem:$0x3FA3]  }
0x2b: {  	s6 =	sld [smem:$0x3FA4]  }
0x2c: {  	s7 =	sld [smem:$0x3FA5]  }
0x2d: {  	s3 =	simm.s32 $0x108;
	s8 =	sld [smem:$0x3FA6]  }
0x2e: {  	s3 =	simm.s32 @!p0 $0x1082;
	s9 =	sld [smem:$0x3FA7]  }
0x2f: {  	lr =	sadd.s32 s0, s3;
	s0 =	sld [smem:$0x3F9E]  }
0x30: {  	s3 =	sld [smem:$0x3FA1]  }
0x31: {  	[smem:$0x3FAA] =	sst s10  }
0x32: {  	s10 =	sld [smem:$0x3FA8];
	_ =	sdelay $0x3  }
0x33: {  	p0 =	seq.s32 s10, $0x1;
	s10 =	sld [smem:$0x3FAA];
	_ =	sdelay $0x3  }
0x34: {  	[smem:$0x3FAA] =	sst s10  }
0x35: {  	s10 =	sld [smem:$0x3FA9];
	_ =	sdelay $0x3  }
0x36: {  	p1 =	seq.s32 s10, $0x1;
	s10 =	sld [smem:$0x3FAA];
	_ =	sdelay $0x3  }
0x37: {  	[smem:$0x3FAA] =	sst s10  }
0x38: {  	s10 =	sld [smem:$0x3FAB]  }
0x39: {  	_ = 	snop;
	(pc) =	sbr.ind lr, $3  }
0x3a: {  	_ = 	snop  }
0x3b: {  	_ = 	snop  }
0x3c: {  	p2 =	seq.s32 s10, $0x1;
	s10 =	sld [smem:$0x3FAA]  }
0x3d: {  	_ =	shalt  }
0x3e: {  	_ =	shalt  }
0x3f: {  	_ =	shalt  }
0x40: {  	_ =	shalt  }
0x41: {  	_ =	shalt  }
0x42: {  	_ =	shalt  }
0x43: {  	_ =	shalt  }
0x44: {  	_ =	shalt  }
0x45: {  	_ =	shalt  }
0x46: {  	_ =	shalt  }
0x47: {  	_ =	shalt  }
0x48: {  	_ =	shalt  }
0x49: {  	_ =	shalt  }
0x4a: {  	_ =	shalt  }
0x4b: {  	_ =	shalt  }
0x4c: {  	_ =	shalt  }
0x4d: {  	_ =	shalt  }
0x4e: {  	_ =	shalt  }
0x4f: {  	_ =	shalt  }
0x50: {  	_ =	shalt  }
0x51: {  	_ =	shalt  }
0x52: {  	_ =	shalt  }
0x53: {  	_ =	shalt  }
0x54: {  	_ =	shalt  }
0x55: {  	_ =	shalt  }
0x56: {  	_ =	shalt  }
0x57: {  	_ =	shalt  }
0x58: {  	_ =	shalt  }
0x59: {  	_ =	shalt  }
0x5a: {  	_ =	shalt  }
0x5b: {  	_ =	shalt  }
0x5c: {  	_ =	shalt  }
0x5d: {  	_ =	shalt  }
0x5e: {  	_ =	shalt  }
0x5f: {  	_ =	shalt  }
0x60: {  	_ =	shalt  }
0x61: {  	_ =	shalt  }
0x62: {  	_ =	shalt  }
0x63: {  	_ =	shalt  }
0x64: {  	_ =	shalt  }
0x65: {  	_ =	shalt  }
0x66: {  	_ =	shalt  }
0x67: {  	_ =	shalt  }
0x68: {  	_ =	shalt  }
0x69: {  	_ =	shalt  }
0x6a: {  	_ =	shalt  }
0x6b: {  	_ =	shalt  }
0x6c: {  	_ =	shalt  }
0x6d: {  	_ =	shalt  }
0x6e: {  	_ =	shalt  }
0x6f: {  	_ =	shalt  }
0x70: {  	_ =	shalt  }
0x71: {  	_ =	shalt  }
0x72: {  	_ =	shalt  }
0x73: {  	_ =	shalt  }
0x74: {  	_ =	shalt  }
0x75: {  	_ =	shalt  }
0x76: {  	_ =	shalt  }
0x77: {  	_ =	shalt  }
0x78: {  	_ =	shalt  }
0x79: {  	_ =	shalt  }
0x7a: {  	_ =	shalt  }
0x7b: {  	_ =	shalt  }
0x7c: {  	_ =	shalt  }
0x7d: {  	_ =	shalt  }
0x7e: {  	_ =	shalt  }
0x7f: {  	_ =	shalt  }
0x80: {  	_ =	shalt  }
0x81: {  	_ =	shalt  }
0x82: {  	_ =	shalt  }
0x83: {  	_ =	shalt  }
0x84: {  	_ =	shalt  }
0x85: {  	_ =	shalt  }
0x86: {  	_ =	shalt  }
0x87: {  	_ =	shalt  }
.Lfunc_end0:
.L_simem_size_0:
called_computation_lowered:
.L_overlay_start_0:
0x88: {  	s2 =	sld [smem:$0x3FD9]  }
0x89: {  	s3 =	sld [smem:$0x3FFE];
	_ =	sdelay $0x1  }
0x8a: {  	s1 =	srdreg.scid  }
0x8b: {  	s0 =	sand.u32 $0x1, s1  }
0x8c: {  	s29 =	sshll.u32 s0, $0xA;
	s2 =	sadd.s32 s3, s2  }
0x8d: {  	s2 =	sadd.s32 s2, s29  }
0x8e: {  	[smem:$0x3FB6] =	sst s2  }
0x8f: {  	_ = 	snop  }
0x90: {  	s2 =	sld [smem:$0x3FC8]  }
0x91: {  	s3 =	sld [smem:$0x3FC7]  }
0x92: {  	s4 =	sld [smem:$0x3FC6]  }
0x93: {  	s5 =	sld [smem:$0x3FC5]  }
0x94: {  	s6 =	sld [smem:$0x3FC4]  }
0x95: {  	s7 =	sld [smem:$0x3FC3]  }
0x96: {  	s8 =	sld [smem:$0x3FC2]  }
0x97: {  	s9 =	sld [smem:$0x3FC1]  }
0x98: {  	s10 =	sld [smem:$0x3FC0]  }
0x99: {  	s11 =	sld [smem:$0x3FBF]  }
0x9a: {  	s12 =	sld [smem:$0x3FBE]  }
0x9b: {  	s13 =	sld [smem:$0x3FBD]  }
0x9c: {  	s14 =	sld [smem:$0x3FBC]  }
0x9d: {  	s17 =	sld [smem:$0x3FBB]  }
0x9e: {  	s18 =	sld [smem:$0x3FBA]  }
0x9f: {  	s19 =	sld [smem:$0x3FB9]  }
0xa0: {  	s20 =	sld [smem:$0x3FB8]  }
0xa1: {  	s16 =	sld [smem:$0x3FD0];
	(tm) =	ssettm $0x1  }
0xa2: {  	s15 =	sld [smem:$0x3FFB];
	_ =	sdelay $0x3  }
0xa3: {  	_ =	strace s15  }
0xa4: {  	s15 =	sld [smem:$0x3FFC];
	_ =	sdelay $0x3  }
0xa5: {  	_ =	strace s15  }
0xa6: {  	s15 =	sld [smem:$0x3FFD];
	_ =	sdelay $0x3  }
0xa7: {  	_ =	strace s15  }
0xa8: {  	_ =	strace $0x8FFFFFFF  }
0xa9: {  	s30 =	sld [smem:$0x3FDB];
	_ =	sdelay $0x1  }
0xaa: {  	s21 =	simm.s32 $_scs_section_size  }
0xab: {  	s22 =	simm.s32 $_size__tile_task_arg_handler_lowered;
	s23 =	simm.s32 $_tile_task_arg_handler_lowered  }
0xac: {  	s26 =	simm.s32 $0x1BFF;
	s25 =	sshll.u32 s23, $0x1;
	s21 =	sadd.s32 s21, s30  }
0xad: {  	s24 =	simm.s32 $0x60;
	s31 =	sshll.u32 s22, $0x1;
	s22 =	sadd.s32 s25, s21  }
0xae: {  	[timem:s24], [sflag:s26] =	dma.local [hbm:s22], s31  }
0xaf: {  	_ =	swait.ge [sflag:s26], s31  }
0xb0: {  	s28 =	simm.s32 $_tile_overlayer_lowered;
	s15 =	ssub.s32 $0x0, s31;
	[sflag:s26] =	ssyncset.done $0x0  }
0xb1: {  	s29 =	simm.s32 $_size__tile_overlayer_lowered;
	s22 =	sshll.u32 s28, $0x1;
	[sflag:s26] =	ssyncadd.s32 s15  }
0xb2: {  	s30 =	sshll.u32 s29, $0x1;
	s22 =	sadd.s32 s22, s21;
	s15 =	simm.s32 $0x0  }
0xb3: {  	[timem:s15], [sflag:s26] =	dma.local [hbm:s22], s30  }
0xb4: {  	_ =	swait.ge [sflag:s26], s30  }
0xb5: {  	s31 =	ssub.s32 $0x0, s30;
	[sflag:s26] =	ssyncset.done $0x0  }
0xb6: {  	[sflag:s26] =	ssyncadd.s32 s31;
	_ =	sdelay $0x1  }
0xb7: {  	s23 =	simm.s32 $0x1B8B  }
0xb8: {  	_ =	swait.ge [sflag:s23], $0x1  }
0xb9: {  	[sflag:s23] =	ssyncset.done $0x0  }
0xba: {  	s25 =	simm.s32 $0x1B8E;
	s24 =	sld [smem:$0x3FFE];
	[sflag:s23] =	ssyncadd.s32 $0xFFFFFFFF  }
0xbb: {  	s26 =	simm.s32 $execute0_lowered;
	[smem:$0x3FD2] =	sst s25  }
0xbc: {  	s23 =	sshll.u32 s26, $0x1;
	_ =	strace $0x80000046;
	[dreg:$0x1] =	wrdreg $0xFFFFFFFF  }
0xbd: {  	s28 =	simm.s32 $_size_execute0_lowered;
	s21 =	sadd.s32 s21, s23;
	[dreg:$0x0] =	wrdreg $0x0  }
0xbe: {  	s23 =	sshll.u32 s28, $0x1;
	[dreg:$0x2] =	wrdreg s21  }
0xbf: {  	[dreg:$0x3] =	wrdreg s23  }
0xc0: {  	[dreg:$0x4] =	wrdreg $0xC0  }
0xc1: {  	_ =	task [dreg:s15], $0x5FFFF  }
0xc2: {  	[dreg:$0x1] =	wrdreg $0xFFFFFFFF  }
0xc3: {  	[dreg:$0x0] =	wrdreg $0x30  }
0xc4: {  	[dreg:$0x2] =	wrdreg $0x0  }
0xc5: {  	[dreg:$0x3] =	wrdreg s17  }
0xc6: {  	[dreg:$0x4] =	wrdreg s18  }
0xc7: {  	[dreg:$0x5] =	wrdreg s19  }
0xc8: {  	[dreg:$0x6] =	wrdreg s20  }
0xc9: {  	[dreg:$0x7] =	wrdreg s24  }
0xca: {  	[dreg:$0x8] =	wrdreg $0x9  }
0xcb: {  	_ =	task [dreg:s15], $0x9FFFF  }
0xcc: {  	[dreg:$0x1] =	wrdreg $0xFFFFFFFF  }
0xcd: {  	[dreg:$0x0] =	wrdreg $0x60  }
0xce: {  	[dreg:$0x2] =	wrdreg s16  }
0xcf: {  	[dreg:$0x3] =	wrdreg s2  }
0xd0: {  	[dreg:$0x4] =	wrdreg s3  }
0xd1: {  	[dreg:$0x5] =	wrdreg s4  }
0xd2: {  	[dreg:$0x6] =	wrdreg s5  }
0xd3: {  	[dreg:$0x7] =	wrdreg s6  }
0xd4: {  	[dreg:$0x8] =	wrdreg s7  }
0xd5: {  	[dreg:$0x9] =	wrdreg s8  }
0xd6: {  	[dreg:$0xa] =	wrdreg s9  }
0xd7: {  	[dreg:$0xb] =	wrdreg s10  }
0xd8: {  	[dreg:$0xc] =	wrdreg s11  }
0xd9: {  	[dreg:$0xd] =	wrdreg s12  }
0xda: {  	[dreg:$0xe] =	wrdreg s13  }
0xdb: {  	[dreg:$0xf] =	wrdreg s14  }
0xdc: {  	_ =	task.clear_ibuf [dreg:s15], $0x10FFFF;
	_ =	strace $0x90000046  }
0xdd: {  	s29 =	simm.s32 $0x9;
	_ =	strace $0x80000048  }
0xde: {  	_ =	swait.ge [sflag:s29], $0x1  }
0xdf: {  	[sflag:s29] =	ssyncadd.s32 $0xFFFFFFFF  }
0xe0: {  	_ =	strace $0x90000048  }
0xe1: {  	_ =	sfence  }
0xe2: {  	s30 =	sld [smem:$0x0];
	_ =	sdelay $0x2  }
0xe3: {  	s31 =	sshll.u32 s1, $0xD;
	s1 =	sshrl.u32 s1, $0x2  }
0xe4: {  	s3 =	sand.u32 $0x4000, s31;
	s1 =	sadd.s32 s1, s30  }
0xe5: {  	s0 =	sor.u32 s3, s0;
	s1 =	sshll.u32 s1, $0x11  }
0xe6: {  	s0 =	sor.u32 s1, s0  }
0xe7: {  	s0 =	sadd.s32 $0x8F2B, s0  }
0xe8: {  	[sflag:s0] =	ssyncadd.remote.s32 $0x1  }
0xe9: {  	_ =	sfence.sel $0xFFFF  }
0xea: {  	[dreg:$0x0] =	wrdreg $0xFFFFFFFF;
	(pc) =	sbr.abs _section_cstart, $3  }
0xeb: {  	[dreg:$0x1] =	wrdreg $0xFFFFFFFF  }
0xec: {  	_ =	task.clear_ibuf [dreg:s15], $0x2FFFF;
	_ =	strace $0x9FFFFFFF  }
0xed: {  	(tm) =	ssettm $0x7FFFFFFF  }
tec
_tile_task_arg_handler_lowered:
.L_overlay_start_1:
0x0: {  	(tag) =	ssettag $0x1  }
0x1: {  	s0 =	rddreg [dreg:$0x0]  }
0x2: {  	s1 =	rddreg [dreg:$0x1]  }
0x3: {  	s2 =	rddreg [dreg:$0x2]  }
0x4: {  	s3 =	rddreg [dreg:$0x3]  }
0x5: {  	s4 =	rddreg [dreg:$0x4]  }
0x6: {  	s5 =	rddreg [dreg:$0x5]  }
0x7: {  	s6 =	rddreg [dreg:$0x6]  }
0x8: {  	s7 =	rddreg [dreg:$0x7]  }
0x9: {  	s8 =	rddreg [dreg:$0x8]  }
0xa: {  	s9 =	rddreg [dreg:$0x9]  }
0xb: {  	s10 =	rddreg [dreg:$0xa]  }
0xc: {  	s11 =	rddreg [dreg:$0xb]  }
0xd: {  	s12 =	rddreg [dreg:$0xc]  }
0xe: {  	s13 =	rddreg [dreg:$0xd]  }
0xf: {  	[smem:s0] =	sst s1  }
0x10: {  	[smem:s0+$0x1] =	sst s2  }
0x11: {  	[smem:s0+$0x2] =	sst s3  }
0x12: {  	[smem:s0+$0x3] =	sst s4  }
0x13: {  	[smem:s0+$0x4] =	sst s5  }
0x14: {  	[smem:s0+$0x5] =	sst s6  }
0x15: {  	[smem:s0+$0x6] =	sst s7  }
0x16: {  	[smem:s0+$0x7] =	sst s8  }
0x17: {  	[smem:s0+$0x8] =	sst s9  }
0x18: {  	[smem:s0+$0x9] =	sst s10  }
0x19: {  	[smem:s0+$0xA] =	sst s11  }
0x1a: {  	[smem:s0+$0xB] =	sst s12  }
0x1b: {  	[smem:s0+$0xC] =	sst s13;
	_ =	shalt  }
.Lfunc_end2:
execute0_lowered:
.L_overlay_start_2:
0x1c: {  	(tag) =	ssettag $0x2  }
0x1d: {  	s0 =	rddreg [dreg:$0x0];
	s13 =	simm.s32 $0x0  }
0x1e: {  	[smem:$0x7FF] =	sst s13  }
0x1f: {  	s26 =	srdreg.scid;
	s1 =	sld [smem:$0x0]  }
0x20: {  	s3 =	stileid.u32;
	s15 =	simm.s32 $0x18400;
	s23 =	sld [smem:$0x1]  }
0x21: {  	s18 =	simm.s32 $0x19480;
	s20 =	simm.s32 $0x18480;
	s24 =	sld [smem:$0x2]  }
0x22: {  	s21 =	simm.s32 $0x19500;
	s22 =	simm.s32 $0x18500;
	s25 =	sld [smem:$0x3]  }
0x23: {  	s5 =	simm.s32 $0x19600;
	s6 =	simm.s32 $0x18680;
	s2 =	sld [smem:$0x4]  }
0x24: {  	s7 =	simm.s32 $0x19700;
	s8 =	simm.s32 $0x18880;
	s4 =	sld [smem:$0x5]  }
0x25: {  	s9 =	simm.s32 $0x19900;
	s10 =	simm.s32 $0x18C80;
	[dreg:$0xe] =	wrdreg s1  }
0x26: {  	s11 =	simm.s32 $0x19D00;
	s12 =	simm.s32 $0x1A500;
	[dreg:$0xf] =	wrdreg s23  }
0x27: {  	s14 =	simm.s32 $0x1B980;
	s16 =	simm.s32 $0x1CA00;
	[dreg:$0x10] =	wrdreg s24  }
0x28: {  	s17 =	simm.s32 $0x1BD80;
	s19 =	simm.s32 $0x1CE00;
	[dreg:$0x12] =	wrdreg s25  }
0x29: {  	s3 =	sshll.u32 s3, $0x1;
	s1 =	sand.u32 $0x1, s26;
	[dreg:$0x11] =	wrdreg s4  }
0x2a: {  	s4 =	simm.s32 $0x18580;
	s23 =	simm.s32 $0x1B500;
	s24 =	simm.s32 $0x1C580  }
0x2b: {  	s25 =	simm.s32 $0x8400;
	s3 =	sor.u32 s1, s3;
	_ =	strace $0x80000047  }
0x2c: {  	v0 =	vlaneseq.u32;
	s1 =	ssub.s32 $0x2, s1;
	s28 =	sshll.u32 s3, $0xD;
	s3 =	sshll.u32 s3, $0xC  }
0x2d: {  	v3 =	vimm.s32 $0x0;
	vm0 =	vcmask $0x300;
	v1 =	vmul.u32 $0x2, v0;
	s29 =	sshrl.u32 s1, $0x1;
	s2 =	sadd.s32 s28, s2;
	s0 =	sadd.s32 s0, s3  }
0x2e: {  	v4 =	vmul.u32 $0x4, v0;
	v5 =	vmul.u32 $0x8, v0;
	v6 =	vmul.u32 $0x10, v0;
	s1 =	ssub.s32 s1, s29;
	[dreg:$0x13] =	wrdreg s0;
	s30 =	sadd.s32 $0x400, s2  }
0x2f: {  	v7 =	vmul.u32 $0x20, v0;
	v8 =	vmul.u32 $0x40, v0;
	v9 =	vmul.u32 $0x80, v0;
	s26 =	simm.s32 $0x0;
	s31 =	smax.u32 s1, $0x1;
	[dreg:$0x14] =	wrdreg s30  }
0x30: {  	v10 =	vmul.u32 $0x100, v0;
	v11 =	vsel vm0, $0xC, v3;
	v2 =	vor.u32 $0x1, v1;
	s3 =	simm.s32 $0x19580;
	s2 =	simm.s32 $0x1D600;
	[dreg:$0x15] =	wrdreg s31  }
.LBB3_1:
0x31: {  	[dreg:$0x16] =	wrdreg s26  }
0x32: {  	s0 =	rddreg [dreg:$0x13]  }
0x33: {  	[tilespmem:s13], [sflag:$0x1] =	stream.linear.gather [hbm4b:s0+s13], $0x8000, $0x38;
	[tilespmem:$0x1E600] =	vst v63  }
0x34: {  	s29 =	rddreg [dreg:$0x1];
	s1 =	simm.s32 $0x8000  }
0x35: {  	[tilespmem:s1], [sflag:$0x1] =	stream.linear.gather [hbm4b:s29+s13], $0x200, $0x38;
	[tilespmem:$0x1E600] =	vst v63  }
0x36: {  	s30 =	rddreg [dreg:$0x2];
	s31 =	simm.s32 $0x8200  }
0x37: {  	[tilespmem:s31], [sflag:$0x1] =	stream.linear.gather [hbm4b:s30+s13], $0x200, $0x38;
	[tilespmem:$0x1E600] =	vst v63  }
0x38: {  	s26 =	rddreg [dreg:$0x3]  }
0x39: {  	[tilespmem:s15], [sflag:$0x2] =	stream.linear.gather [hbm4b:s26+s13], $0x20, $0x38;
	[tilespmem:$0x1E600] =	vst v63  }
0x3a: {  	s28 =	rddreg [dreg:$0xa]  }
0x3b: {  	[tilespmem:s18], [sflag:$0x2] =	stream.linear.gather [hbm4b:s28+s13], $0x20, $0x38;
	[tilespmem:$0x1E600] =	vst v63  }
0x3c: {  	s29 =	rddreg [dreg:$0x4]  }
0x3d: {  	[tilespmem:s20], [sflag:$0x2] =	stream.linear.gather [hbm4b:s29+s13], $0x40, $0x38;
	[tilespmem:$0x1E600] =	vst v63  }
0x3e: {  	s30 =	rddreg [dreg:$0xb]  }
0x3f: {  	[tilespmem:s21], [sflag:$0x2] =	stream.linear.gather [hbm4b:s30+s13], $0x40, $0x38;
	[tilespmem:$0x1E600] =	vst v63  }
0x40: {  	s31 =	rddreg [dreg:$0x5]  }
0x41: {  	[tilespmem:s22], [sflag:$0x2] =	stream.linear.gather [hbm4b:s31+s13], $0x80, $0x38;
	[tilespmem:$0x1E600] =	vst v63  }
0x42: {  	s1 =	rddreg [dreg:$0xc]  }
0x43: {  	[tilespmem:s3], [sflag:$0x2] =	stream.linear.gather [hbm4b:s1+s13], $0x80, $0x38;
	[tilespmem:$0x1E600] =	vst v63  }
0x44: {  	s15 =	rddreg [dreg:$0x6]  }
0x45: {  	[tilespmem:s4], [sflag:$0x2] =	stream.linear.gather [hbm4b:s15+s13], $0x100, $0x38;
	[tilespmem:$0x1E600] =	vst v63  }
0x46: {  	s18 =	rddreg [dreg:$0xd]  }
0x47: {  	[tilespmem:s5], [sflag:$0x2] =	stream.linear.gather [hbm4b:s18+s13], $0x100, $0x38;
	[tilespmem:$0x1E600] =	vst v63  }
0x48: {  	s20 =	rddreg [dreg:$0x7]  }
0x49: {  	[tilespmem:s6], [sflag:$0x2] =	stream.linear.gather [hbm4b:s20+s13], $0x200, $0x38;
	[tilespmem:$0x1E600] =	vst v63  }
0x4a: {  	s21 =	rddreg [dreg:$0xe]  }
0x4b: {  	[tilespmem:s7], [sflag:$0x2] =	stream.linear.gather [hbm4b:s21+s13], $0x200, $0x38;
	[tilespmem:$0x1E600] =	vst v63  }
0x4c: {  	s22 =	rddreg [dreg:$0x8]  }
0x4d: {  	[tilespmem:s8], [sflag:$0x2] =	stream.linear.gather [hbm4b:s22+s13], $0x400, $0x38;
	[tilespmem:$0x1E600] =	vst v63  }
0x4e: {  	s26 =	rddreg [dreg:$0xf]  }
0x4f: {  	[tilespmem:s9], [sflag:$0x2] =	stream.linear.gather [hbm4b:s26+s13], $0x400, $0x38;
	[tilespmem:$0x1E600] =	vst v63  }
0x50: {  	s28 =	rddreg [dreg:$0x9]  }
0x51: {  	[tilespmem:s10], [sflag:$0x2] =	stream.linear.gather [hbm4b:s28+s13], $0x800, $0x38;
	[tilespmem:$0x1E600] =	vst v63  }
0x52: {  	s29 =	rddreg [dreg:$0x10]  }
0x53: {  	[tilespmem:s11], [sflag:$0x2] =	stream.linear.gather [hbm4b:s29+s13], $0x800, $0x38;
	[tilespmem:$0x1E600] =	vst v63  }
0x54: {  	s30 =	rddreg [dreg:$0x12];
	s31 =	simm.s32 $0x1  }
0x55: {  	[tilespmem:s12], [sflag:$0x2] =	stream.linear.gather [hbm4b:s30+s13], $0x1000, $0x38;
	[tilespmem:$0x1E600] =	vst v63  }
0x56: {  	_ =	swait.ge [sflag:s31], $0x8000  }
0x57: {  	[sflag:s31] =	ssyncset.done $0x0  }
0x58: {  	[sflag:s31] =	ssyncadd.s32 $0xFFFF8000  }
0x59: {  	_ =	swait.ge [sflag:s31], $0x200  }
0x5a: {  	s4 =	simm.s32 $0x1B580;
	[sflag:s31] =	ssyncset.done $0x0  }
0x5b: {  	s5 =	simm.s32 $0x1C600;
	s6 =	simm.s32 $0x1B600;
	[sflag:s31] =	ssyncadd.s32 $0xFFFFFE00  }
0x5c: {  	s7 =	simm.s32 $0x1C680;
	s8 =	simm.s32 $0x1B680;
	_ =	swait.ge [sflag:s31], $0x200  }
0x5d: {  	s9 =	simm.s32 $0x1C700;
	s10 =	simm.s32 $0x1B780;
	[sflag:s31] =	ssyncset.done $0x0  }
0x5e: {  	s11 =	simm.s32 $0x1C800;
	s12 =	simm.s32 $0x0;
	[sflag:s31] =	ssyncadd.s32 $0xFFFFFE00  }
.LBB3_2:
0x5f: {  	s3 =	simm.s32 $0x2  }
0x60: {  	_ =	swait.ge [sflag:s3], $0x20  }
0x61: {  	[sflag:s3] =	ssyncset.done $0x0  }
0x62: {  	[sflag:s3] =	ssyncadd.s32 $0xFFFFFFE0  }
0x63: {  	_ =	swait.ge [sflag:s3], $0x20  }
0x64: {  	[sflag:s3] =	ssyncset.done $0x0  }
0x65: {  	[sflag:s3] =	ssyncadd.s32 $0xFFFFFFE0  }
0x66: {  	_ =	swait.ge [sflag:s3], $0x40  }
0x67: {  	[sflag:s3] =	ssyncset.done $0x0  }
0x68: {  	[sflag:s3] =	ssyncadd.s32 $0xFFFFFFC0  }
0x69: {  	_ =	swait.ge [sflag:s3], $0x40  }
0x6a: {  	[sflag:s3] =	ssyncset.done $0x0  }
0x6b: {  	[sflag:s3] =	ssyncadd.s32 $0xFFFFFFC0  }
0x6c: {  	_ =	swait.ge [sflag:s3], $0x80  }
0x6d: {  	[sflag:s3] =	ssyncset.done $0x0  }
0x6e: {  	[sflag:s3] =	ssyncadd.s32 $0xFFFFFF80  }
0x6f: {  	_ =	swait.ge [sflag:s3], $0x80  }
0x70: {  	[sflag:s3] =	ssyncset.done $0x0  }
0x71: {  	[sflag:s3] =	ssyncadd.s32 $0xFFFFFF80  }
0x72: {  	_ =	swait.ge [sflag:s3], $0x100  }
0x73: {  	[sflag:s3] =	ssyncset.done $0x0  }
0x74: {  	[sflag:s3] =	ssyncadd.s32 $0xFFFFFF00  }
0x75: {  	_ =	swait.ge [sflag:s3], $0x100  }
0x76: {  	[sflag:s3] =	ssyncset.done $0x0  }
0x77: {  	[sflag:s3] =	ssyncadd.s32 $0xFFFFFF00  }
0x78: {  	_ =	swait.ge [sflag:s3], $0x200  }
0x79: {  	[sflag:s3] =	ssyncset.done $0x0  }
0x7a: {  	[sflag:s3] =	ssyncadd.s32 $0xFFFFFE00  }
0x7b: {  	_ =	swait.ge [sflag:s3], $0x200  }
0x7c: {  	[sflag:s3] =	ssyncset.done $0x0  }
0x7d: {  	[sflag:s3] =	ssyncadd.s32 $0xFFFFFE00  }
0x7e: {  	_ =	swait.ge [sflag:s3], $0x400  }
0x7f: {  	[sflag:s3] =	ssyncset.done $0x0  }
0x80: {  	[sflag:s3] =	ssyncadd.s32 $0xFFFFFC00  }
0x81: {  	_ =	swait.ge [sflag:s3], $0x400  }
0x82: {  	[sflag:s3] =	ssyncset.done $0x0  }
0x83: {  	[sflag:s3] =	ssyncadd.s32 $0xFFFFFC00  }
0x84: {  	_ =	swait.ge [sflag:s3], $0x800  }
0x85: {  	[sflag:s3] =	ssyncset.done $0x0  }
0x86: {  	[sflag:s3] =	ssyncadd.s32 $0xFFFFF800  }
0x87: {  	_ =	swait.ge [sflag:s3], $0x800  }
0x88: {  	[sflag:s3] =	ssyncset.done $0x0  }
0x89: {  	[sflag:s3] =	ssyncadd.s32 $0xFFFFF800  }
0x8a: {  	_ =	swait.ge [sflag:s3], $0x1000  }
0x8b: {  	[sflag:s3] =	ssyncset.done $0x0  }
0x8c: {  	s0 =	sshllo.u32 s12, $0x1;
	[sflag:s3] =	ssyncadd.s32 $0xFFFFF000  }
0x8d: {  	s1 =	sshll.u32 s0, $0x2;
	s15 =	rddreg [dreg:$0x3]  }
0x8e: {  	s15 =	sadd.s32 s15, s1  }
0x8f: {  	[tilespmem:s23], [sflag:$0x3] =	stream.linear.gather [hbm4b:s15+s13], $0x20, $0x38;
	[tilespmem:$0x1E600] =	vst v63  }
0x90: {  	s30 =	sshll.u32 s0, $0x4;
	s23 =	rddreg [dreg:$0xa]  }
0x91: {  	[dreg:$0x18] =	wrdreg s30;
	s1 =	sadd.s32 s23, s1  }
0x92: {  	[tilespmem:s24], [sflag:$0x3] =	stream.linear.gather [hbm4b:s1+s13], $0x20, $0x38;
	[tilespmem:$0x1E600] =	vst v63  }
0x93: {  	s26 =	rddreg [dreg:$0x4];
	s24 =	sshll.u32 s0, $0x3  }
0x94: {  	s29 =	rddreg [dreg:$0xb];
	s15 =	sadd.s32 s26, s24  }
0x95: {  	[tilespmem:s4], [sflag:$0x3] =	stream.linear.gather [hbm4b:s15+s13], $0x40, $0x38;
	[tilespmem:$0x1E600] =	vst v63  }
0x96: {  	s31 =	rddreg [dreg:$0x5];
	s1 =	sadd.s32 s29, s24  }
0x97: {  	[tilespmem:s5], [sflag:$0x3] =	stream.linear.gather [hbm4b:s1+s13], $0x40, $0x38;
	[tilespmem:$0x1E600] =	vst v63  }
0x98: {  	s4 =	rddreg [dreg:$0xc];
	s1 =	sadd.s32 s31, s30  }
0x99: {  	[tilespmem:s6], [sflag:$0x3] =	stream.linear.gather [hbm4b:s1+s13], $0x80, $0x38;
	[tilespmem:$0x1E600] =	vst v63  }
0x9a: {  	s5 =	sshll.u32 s0, $0x5;
	s1 =	sadd.s32 s4, s30;
	s6 =	rddreg [dreg:$0x6]  }
0x9b: {  	[tilespmem:s7], [sflag:$0x3] =	stream.linear.gather [hbm4b:s1+s13], $0x80, $0x38;
	[tilespmem:$0x1E600] =	vst v63  }
0x9c: {  	s15 =	sadd.s32 s6, s5;
	s7 =	rddreg [dreg:$0xd]  }
0x9d: {  	[tilespmem:s8], [sflag:$0x3] =	stream.linear.gather [hbm4b:s15+s13], $0x100, $0x38;
	[tilespmem:$0x1E600] =	vst v63  }
0x9e: {  	[dreg:$0x17] =	wrdreg s12;
	s1 =	sadd.s32 s7, s5  }
0x9f: {  	[tilespmem:s9], [sflag:$0x3] =	stream.linear.gather [hbm4b:s1+s13], $0x100, $0x38;
	[tilespmem:$0x1E600] =	vst v63  }
0xa0: {  	s8 =	sshll.u32 s0, $0x6;
	s9 =	rddreg [dreg:$0x7]  }
0xa1: {  	s28 =	simm.s32 $0x7;
	s18 =	rddreg [dreg:$0xe];
	s15 =	sadd.s32 s9, s8  }
0xa2: {  	[tilespmem:s10], [sflag:$0x3] =	stream.linear.gather [hbm4b:s15+s13], $0x200, $0x38;
	[tilespmem:$0x1E600] =	vst v63  }
0xa3: {  	s20 =	sshll.u32 s0, $0x7;
	s21 =	rddreg [dreg:$0x8];
	s1 =	sadd.s32 s18, s8  }
0xa4: {  	[tilespmem:s11], [sflag:$0x3] =	stream.linear.gather [hbm4b:s1+s13], $0x200, $0x38;
	[tilespmem:$0x1E600] =	vst v63  }
0xa5: {  	s22 =	rddreg [dreg:$0xf];
	s3 =	simm.s32 $0x19580;
	s15 =	sadd.s32 s21, s20  }
0xa6: {  	[tilespmem:s14], [sflag:$0x3] =	stream.linear.gather [hbm4b:s15+s13], $0x400, $0x38;
	[tilespmem:$0x1E600] =	vst v63  }
0xa7: {  	s23 =	sshll.u32 s0, $0x8;
	s24 =	rddreg [dreg:$0x9];
	s1 =	sadd.s32 s22, s20  }
0xa8: {  	[tilespmem:s16], [sflag:$0x3] =	stream.linear.gather [hbm4b:s1+s13], $0x400, $0x38;
	[tilespmem:$0x1E600] =	vst v63  }
0xa9: {  	s26 =	rddreg [dreg:$0x10];
	s29 =	sshll.u32 s12, $0x5;
	s15 =	sadd.s32 s24, s23  }
0xaa: {  	[tilespmem:s17], [sflag:$0x3] =	stream.linear.gather [hbm4b:s15+s13], $0x800, $0x38;
	[tilespmem:$0x1E600] =	vst v63  }
0xab: {  	s30 =	rddreg [dreg:$0x12];
	s0 =	sshll.u32 s0, $0x9;
	s1 =	sadd.s32 s26, s23  }
0xac: {  	[tilespmem:s19], [sflag:$0x3] =	stream.linear.gather [hbm4b:s1+s13], $0x800, $0x38;
	[tilespmem:$0x1E600] =	vst v63  }
0xad: {  	s31 =	sshll.u32 s12, $0x1;
	s12 =	simm.s32 $0x1A500;
	s0 =	sadd.s32 s30, s0  }
0xae: {  	v12 =	vmov s29;
	[tilespmem:s2], [sflag:$0x3] =	stream.linear.gather [hbm4b:s0+s13], $0x1000, $0x38;
	[tilespmem:$0x1E600] =	vst v63  }
0xaf: {  	v12 =	vshll.u32 v12, $0x3;
	[dreg:$0x19] =	wrdreg s31;
	s4 =	simm.s32 $0x18580;
	s6 =	simm.s32 $0x18680;
	v15 =	vld [tilespmem:s29+$0x8000]  }
0xb0: {  	v13 =	vor.u32 s29, v0;
	v12 =	vand.u32 $0xC00, v12;
	s5 =	simm.s32 $0x19600;
	s7 =	simm.s32 $0x19700;
	s8 =	simm.s32 $0x18880  }
0xb1: {  	v13 =	vand.u32 $0x6F, v13;
	v14 =	vor.u32 $0x80, v12;
	v16 =	vor.u32 $0x100, v12;
	s9 =	simm.s32 $0x19900;
	s21 =	simm.s32 $0x19500;
	s10 =	simm.s32 $0x18C80  }
0xb2: {  	v17 =	vor.u32 $0x180, v12;
	v18 =	vor.u32 $0x200, v12;
	v20 =	vor.u32 $0x280, v12;
	s20 =	simm.s32 $0x18480;
	s22 =	simm.s32 $0x18500;
	s11 =	simm.s32 $0x19D00  }
0xb3: {  	v21 =	vor.u32 $0x300, v12;
	v22 =	vor.u32 $0x380, v12;
	s24 =	simm.s32 $0x19480;
	s26 =	simm.s32 $0x700;
	s23 =	simm.s32 $0x18400;
	v19 =	vld [tilespmem:s29+$0x8200]  }
.LBB3_3:
0xb4: {  	s1 =	sadd.s32 $0xFFFFF900, s26;
	v30 =	vadd.s32 s26, v15  }
0xb5: {  	s0 =	sadd.s32 $0xFFFFFA00, s26;
	v23 =	vadd.s32 s1, v15  }
0xb6: {  	s18 =	sadd.s32 $0xFFFFFB00, s26;
	v24 =	vadd.s32 s0, v15  }
0xb7: {  	s15 =	sadd.s32 $0xFFFFFC00, s26;
	v25 =	vadd.s32 s18, v15  }
0xb8: {  	s31 =	sadd.s32 $0xFFFFFD00, s26;
	v26 =	vadd.s32 s15, v15  }
0xb9: {  	v27 =	vadd.s32 s31, v15;
	v57 =	vld.idx.msk [tilespmem:v30+s13+$0x0], $0xffff  }
0xba: {  	v23 =	vld.idx.msk [tilespmem:v23+s13+$0x0], $0xffff  }
0xbb: {  	v24 =	vld.idx.msk [tilespmem:v24+s13+$0x0], $0xffff  }
0xbc: {  	s29 =	sadd.s32 $0xFFFFFE00, s26;
	v25 =	vld.idx.msk [tilespmem:v25+s13+$0x0], $0xffff  }
0xbd: {  	s30 =	sadd.s32 $0xFFFFFF00, s26;
	v28 =	vadd.s32 s29, v15;
	v26 =	vld.idx.msk [tilespmem:v26+s13+$0x0], $0xffff  }
0xbe: {  	v29 =	vadd.s32 s30, v15;
	v27 =	vld.idx.msk [tilespmem:v27+s13+$0x0], $0xffff;
	vm0 =	vle.f32 v57, v19  }
0xbf: {  	vm7 =	vle.f32 v23, v19;
	v32 =	vsel vm0, v2, v1  }
0xc0: {  	vm6 =	vle.f32 v24, v19;
	v56 =	vsel vm7, v2, v1  }
0xc1: {  	vm5 =	vle.f32 v25, v19;
	v58 =	vsel vm6, v2, v1  }
0xc2: {  	v28 =	vld.idx.msk [tilespmem:v28+s13+$0x0], $0xffff;
	vm4 =	vle.f32 v26, v19;
	v59 =	vsel vm5, v2, v1  }
0xc3: {  	v23 =	vld.idx.msk [tilespmem:v29+s13+$0x0], $0xffff;
	vm3 =	vle.f32 v27, v19;
	v60 =	vsel vm4, v2, v1  }
0xc4: {  	v61 =	vsel vm3, v2, v1;
	v38 =	vld.idx.msk [tilespmem:v32+s23+$0x0], $0xffff  }
0xc5: {  	v62 =	vld.idx.msk [tilespmem:v56+s23+$0x0], $0xffff  }
0xc6: {  	v31 =	vld.idx.msk [tilespmem:v58+s23+$0x0], $0xffff  }
0xc7: {  	v33 =	vld.idx.msk [tilespmem:v59+s23+$0x0], $0xffff  }
0xc8: {  	v34 =	vld.idx.msk [tilespmem:v60+s23+$0x0], $0xffff  }
0xc9: {  	vm2 =	vle.f32 v28, v19;
	v35 =	vld.idx.msk [tilespmem:v61+s23+$0x0], $0xffff  }
0xca: {  	vm1 =	vle.f32 v23, v19;
	v23 =	vsel vm2, v2, v1;
	v24 =	vld.idx.msk [tilespmem:v56+s24+$0x0], $0xffff  }
0xcb: {  	v63 =	vsel vm1, v2, v1;
	v25 =	vld.idx.msk [tilespmem:v58+s24+$0x0], $0xffff  }
0xcc: {  	v26 =	vld.idx.msk [tilespmem:v59+s24+$0x0], $0xffff;
	v30 =	vadd.s32 s1, v62  }
0xcd: {  	v27 =	vld.idx.msk [tilespmem:v60+s24+$0x0], $0xffff;
	v31 =	vadd.s32 s0, v31  }
0xce: {  	v28 =	vld.idx.msk [tilespmem:v61+s24+$0x0], $0xffff;
	v33 =	vadd.s32 s18, v33  }
0xcf: {  	v36 =	vld.idx.msk [tilespmem:v23+s23+$0x0], $0xffff;
	v34 =	vadd.s32 s15, v34  }
0xd0: {  	v37 =	vld.idx.msk [tilespmem:v63+s23+$0x0], $0xffff;
	v35 =	vadd.s32 s31, v35  }
0xd1: {  	v30 =	vld.idx.msk [tilespmem:v30+s13+$0x0], $0xffff  }
0xd2: {  	v31 =	vld.idx.msk [tilespmem:v31+s13+$0x0], $0xffff  }
0xd3: {  	v33 =	vld.idx.msk [tilespmem:v33+s13+$0x0], $0xffff  }
0xd4: {  	v34 =	vld.idx.msk [tilespmem:v34+s13+$0x0], $0xffff  }
0xd5: {  	v41 =	vld.idx.msk [tilespmem:v35+s13+$0x0], $0xffff  }
0xd6: {  	v44 =	vsel vm6, $0x2, v3;
	v47 =	vsel vm5, $0x2, v3;
	v36 =	vadd.s32 s29, v36  }
0xd7: {  	v51 =	vsel vm4, $0x2, v3;
	v54 =	vsel vm3, $0x2, v3;
	v38 =	vadd.s32 s26, v38  }
0xd8: {  	v37 =	vadd.s32 s30, v37;
	vm8 =	vle.f32 v30, v24;
	vm9 =	vle.f32 v31, v25  }
0xd9: {  	v50 =	vld.idx.msk [tilespmem:v32+s24+$0x0], $0xffff;
	vm10 =	vle.f32 v33, v26;
	vm11 =	vle.f32 v34, v27;
	v46 =	vsel vm9, $0x1, v3  }
0xda: {  	v23 =	vld.idx.msk [tilespmem:v23+s24+$0x0], $0xffff;
	vm12 =	vle.f32 v41, v28;
	v48 =	vsel vm10, $0x1, v3;
	v26 =	vor.u32 v46, v44  }
0xdb: {  	v43 =	vld.idx.msk [tilespmem:v36+s13+$0x0], $0xffff;
	v52 =	vsel vm11, $0x1, v3;
	v29 =	vor.u32 v48, v47;
	v58 =	vor.u32 v4, v26  }
0xdc: {  	v45 =	vld.idx.msk [tilespmem:v63+s24+$0x0], $0xffff;
	v55 =	vsel vm12, $0x1, v3;
	v30 =	vor.u32 v52, v51;
	v59 =	vor.u32 v4, v29  }
0xdd: {  	v53 =	vld.idx.msk [tilespmem:v38+s13+$0x0], $0xffff;
	v31 =	vor.u32 v55, v54;
	v62 =	vor.u32 v4, v30  }
0xde: {  	v40 =	vsel vm7, $0x2, v3;
	v49 =	vld.idx.msk [tilespmem:v37+s13+$0x0], $0xffff;
	v42 =	vsel vm8, $0x1, v3;
	v63 =	vor.u32 v4, v31  }
0xdf: {  	v24 =	vor.u32 v42, v40  }
0xe0: {  	vm13 =	vle.f32 v43, v23;
	v23 =	vor.u32 v4, v24;
	v39 =	vld.idx.msk [tilespmem:v58+s20+$0x0], $0xffff  }
0xe1: {  	v56 =	vsel vm2, $0x2, v3;
	v60 =	vsel vm1, $0x2, v3;
	v41 =	vld.idx.msk [tilespmem:v59+s20+$0x0], $0xffff  }
0xe2: {  	vm15 =	vle.f32 v53, v50;
	v47 =	vsel vm0, $0x2, v3;
	v57 =	vsel vm13, $0x1, v3;
	v42 =	vld.idx.msk [tilespmem:v62+s20+$0x0], $0xffff  }
0xe3: {  	v48 =	vsel vm15, $0x1, v3;
	vm14 =	vle.f32 v49, v45;
	v32 =	vor.u32 v57, v56;
	v43 =	vld.idx.msk [tilespmem:v63+s20+$0x0], $0xffff  }
0xe4: {  	v28 =	vor.u32 v48, v47;
	v61 =	vsel vm14, $0x1, v3;
	v49 =	vor.u32 v4, v32;
	v35 =	vld.idx.msk [tilespmem:v58+s21+$0x0], $0xffff  }
0xe5: {  	v40 =	vor.u32 v4, v28;
	v33 =	vor.u32 v61, v60;
	v50 =	vld.idx.msk [tilespmem:v23+s20+$0x0], $0xffff  }
0xe6: {  	v51 =	vor.u32 v4, v33;
	v25 =	vld.idx.msk [tilespmem:v59+s21+$0x0], $0xffff  }
0xe7: {  	v36 =	vld.idx.msk [tilespmem:v62+s21+$0x0], $0xffff  }
0xe8: {  	v27 =	vld.idx.msk [tilespmem:v63+s21+$0x0], $0xffff;
	v39 =	vadd.s32 s0, v39  }
0xe9: {  	v44 =	vld.idx.msk [tilespmem:v49+s20+$0x0], $0xffff;
	v41 =	vadd.s32 s18, v41  }
0xea: {  	v46 =	vld.idx.msk [tilespmem:v40+s20+$0x0], $0xffff;
	v38 =	vadd.s32 s1, v50  }
0xeb: {  	v45 =	vld.idx.msk [tilespmem:v51+s20+$0x0], $0xffff  }
0xec: {  	v23 =	vld.idx.msk [tilespmem:v23+s21+$0x0], $0xffff  }
0xed: {  	v42 =	vadd.s32 s15, v42;
	v39 =	vld.idx.msk [tilespmem:v39+s13+$0x0], $0xffff  }
0xee: {  	v44 =	vadd.s32 s29, v44;
	v41 =	vld.idx.msk [tilespmem:v41+s13+$0x0], $0xffff  }
0xef: {  	v43 =	vadd.s32 s31, v43;
	v38 =	vld.idx.msk [tilespmem:v38+s13+$0x0], $0xffff  }
0xf0: {  	v37 =	vld.idx.msk [tilespmem:v49+s21+$0x0], $0xffff;
	v45 =	vadd.s32 s30, v45  }
0xf1: {  	v54 =	vld.idx.msk [tilespmem:v51+s21+$0x0], $0xffff  }
0xf2: {  	v26 =	vshll.u32 v26, $0x1;
	v29 =	vshll.u32 v29, $0x1;
	v42 =	vld.idx.msk [tilespmem:v42+s13+$0x0], $0xffff;
	vm5 =	vle.f32 v39, v35  }
0xf3: {  	v52 =	vadd.s32 s26, v46;
	v53 =	vld.idx.msk [tilespmem:v44+s13+$0x0], $0xffff;
	vm6 =	vle.f32 v41, v25;
	v55 =	vsel vm5, $0x1, v3  }
0xf4: {  	vm4 =	vle.f32 v38, v23;
	v23 =	vld.idx.msk [tilespmem:v43+s13+$0x0], $0xffff;
	v56 =	vsel vm6, $0x1, v3;
	v26 =	vor.u32 v55, v26  }
0xf5: {  	v57 =	vld.idx.msk [tilespmem:v45+s13+$0x0], $0xffff;
	v29 =	vor.u32 v56, v29;
	v63 =	vor.u32 v5, v26  }
0xf6: {  	v30 =	vshll.u32 v30, $0x1;
	v24 =	vshll.u32 v24, $0x1;
	v48 =	vor.u32 v5, v29  }
0xf7: {  	v60 =	vshll.u32 v31, $0x1;
	vm7 =	vle.f32 v42, v36;
	v38 =	vsel vm4, $0x1, v3  }
0xf8: {  	v32 =	vshll.u32 v32, $0x1;
	v58 =	vld.idx.msk [tilespmem:v40+s21+$0x0], $0xffff;
	v59 =	vsel vm7, $0x1, v3;
	v24 =	vor.u32 v38, v24  }
0xf9: {  	vm9 =	vle.f32 v53, v37;
	v31 =	vor.u32 v5, v24;
	vm8 =	vle.f32 v23, v27;
	v23 =	vld.idx.msk [tilespmem:v52+s13+$0x0], $0xffff  }
0xfa: {  	v62 =	vsel vm9, $0x1, v3;
	vm10 =	vle.f32 v57, v54;
	v27 =	vor.u32 v59, v30;
	v54 =	vld.idx.msk [tilespmem:v63+s22+$0x0], $0xffff  }
0xfb: {  	v32 =	vor.u32 v62, v32;
	v50 =	vor.u32 v5, v27;
	v56 =	vld.idx.msk [tilespmem:v48+s22+$0x0], $0xffff  }
0xfc: {  	v61 =	vsel vm8, $0x1, v3;
	v51 =	vor.u32 v5, v32;
	v36 =	vld.idx.msk [tilespmem:v63+s3+$0x0], $0xffff  }
0xfd: {  	v33 =	vshll.u32 v33, $0x1;
	v30 =	vor.u32 v61, v60;
	v25 =	vld.idx.msk [tilespmem:v48+s3+$0x0], $0xffff  }
0xfe: {  	v49 =	vsel vm10, $0x1, v3;
	v52 =	vld.idx.msk [tilespmem:v31+s22+$0x0], $0xffff;
	vm11 =	vle.f32 v23, v58;
	v23 =	vor.u32 v5, v30  }
0xff: {  	v33 =	vor.u32 v49, v33;
	v31 =	vld.idx.msk [tilespmem:v31+s3+$0x0], $0xffff  }
0x100: {  	v53 =	vor.u32 v5, v33;
	v57 =	vld.idx.msk [tilespmem:v50+s22+$0x0], $0xffff  }
0x101: {  	v28 =	vshll.u32 v28, $0x1;
	v34 =	vsel vm11, $0x1, v3;
	v59 =	vld.idx.msk [tilespmem:v51+s22+$0x0], $0xffff;
	v39 =	vadd.s32 s0, v54  }
0x102: {  	v37 =	vld.idx.msk [tilespmem:v50+s3+$0x0], $0xffff;
	v28 =	vor.u32 v34, v28;
	v41 =	vadd.s32 s18, v56  }
0x103: {  	v55 =	vor.u32 v5, v28;
	v58 =	vld.idx.msk [tilespmem:v23+s22+$0x0], $0xffff  }
0x104: {  	v35 =	vld.idx.msk [tilespmem:v51+s3+$0x0], $0xffff;
	v38 =	vadd.s32 s1, v52  }
0x105: {  	v60 =	vld.idx.msk [tilespmem:v53+s22+$0x0], $0xffff  }
0x106: {  	v42 =	vadd.s32 s15, v57;
	v39 =	vld.idx.msk [tilespmem:v39+s13+$0x0], $0xffff  }
0x107: {  	v44 =	vadd.s32 s29, v59;
	v41 =	vld.idx.msk [tilespmem:v41+s13+$0x0], $0xffff  }
0x108: {  	v61 =	vld.idx.msk [tilespmem:v55+s22+$0x0], $0xffff;
	v43 =	vadd.s32 s31, v58  }
0x109: {  	v38 =	vld.idx.msk [tilespmem:v38+s13+$0x0], $0xffff  }
0x10a: {  	v23 =	vld.idx.msk [tilespmem:v23+s3+$0x0], $0xffff;
	v45 =	vadd.s32 s30, v60  }
0x10b: {  	v26 =	vshll.u32 v26, $0x1;
	v42 =	vld.idx.msk [tilespmem:v42+s13+$0x0], $0xffff;
	vm13 =	vle.f32 v39, v36  }
0x10c: {  	v29 =	vshll.u32 v29, $0x1;
	v44 =	vld.idx.msk [tilespmem:v44+s13+$0x0], $0xffff;
	vm14 =	vle.f32 v41, v25;
	v47 =	vsel vm13, $0x1, v3  }
0x10d: {  	v63 =	vadd.s32 s26, v61;
	v48 =	vsel vm14, $0x1, v3;
	v26 =	vor.u32 v47, v26;
	v62 =	vld.idx.msk [tilespmem:v43+s13+$0x0], $0xffff  }
0x10e: {  	v46 =	vld.idx.msk [tilespmem:v53+s3+$0x0], $0xffff;
	vm12 =	vle.f32 v38, v31;
	v29 =	vor.u32 v48, v29;
	v53 =	vor.u32 v6, v26  }
0x10f: {  	v24 =	vshll.u32 v24, $0x1;
	v49 =	vld.idx.msk [tilespmem:v45+s13+$0x0], $0xffff;
	v38 =	vsel vm12, $0x1, v3;
	v54 =	vor.u32 v6, v29  }
0x110: {  	v24 =	vor.u32 v38, v24  }
0x111: {  	v27 =	vshll.u32 v27, $0x1;
	v50 =	vld.idx.msk [tilespmem:v55+s3+$0x0], $0xffff;
	vm15 =	vle.f32 v42, v37;
	v52 =	vor.u32 v6, v24  }
0x112: {  	vm5 =	vle.f32 v44, v35;
	v51 =	vsel vm15, $0x1, v3;
	vm4 =	vle.f32 v62, v23;
	v23 =	vld.idx.msk [tilespmem:v63+s13+$0x0], $0xffff  }
0x113: {  	v32 =	vshll.u32 v32, $0x1;
	v35 =	vsel vm5, $0x1, v3;
	v27 =	vor.u32 v51, v27;
	v60 =	vld.idx.msk [tilespmem:v53+s4+$0x0], $0xffff  }
0x114: {  	vm6 =	vle.f32 v49, v46;
	v32 =	vor.u32 v35, v32;
	v56 =	vor.u32 v6, v27;
	v62 =	vld.idx.msk [tilespmem:v54+s4+$0x0], $0xffff  }
0x115: {  	v33 =	vshll.u32 v33, $0x1;
	v55 =	vsel vm6, $0x1, v3;
	v57 =	vor.u32 v6, v32;
	v36 =	vld.idx.msk [tilespmem:v53+s5+$0x0], $0xffff  }
0x116: {  	v30 =	vshll.u32 v30, $0x1;
	v33 =	vor.u32 v55, v33;
	v31 =	vsel vm4, $0x1, v3;
	v58 =	vld.idx.msk [tilespmem:v52+s4+$0x0], $0xffff  }
0x117: {  	v59 =	vor.u32 v6, v33;
	v25 =	vld.idx.msk [tilespmem:v54+s5+$0x0], $0xffff;
	v30 =	vor.u32 v31, v30  }
0x118: {  	v31 =	vld.idx.msk [tilespmem:v52+s5+$0x0], $0xffff;
	vm7 =	vle.f32 v23, v50;
	v23 =	vor.u32 v6, v30  }
0x119: {  	v63 =	vld.idx.msk [tilespmem:v56+s4+$0x0], $0xffff;
	v41 =	vadd.s32 s18, v62  }
0x11a: {  	v49 =	vld.idx.msk [tilespmem:v57+s4+$0x0], $0xffff;
	v39 =	vadd.s32 s0, v60  }
0x11b: {  	v37 =	vld.idx.msk [tilespmem:v56+s5+$0x0], $0xffff;
	v38 =	vadd.s32 s1, v58  }
0x11c: {  	v28 =	vshll.u32 v28, $0x1;
	v50 =	vld.idx.msk [tilespmem:v59+s4+$0x0], $0xffff;
	v34 =	vsel vm7, $0x1, v3  }
0x11d: {  	v28 =	vor.u32 v34, v28;
	v48 =	vld.idx.msk [tilespmem:v23+s4+$0x0], $0xffff  }
0x11e: {  	v61 =	vor.u32 v6, v28;
	v41 =	vld.idx.msk [tilespmem:v41+s13+$0x0], $0xffff  }
0x11f: {  	v42 =	vadd.s32 s15, v63;
	v39 =	vld.idx.msk [tilespmem:v39+s13+$0x0], $0xffff  }
0x120: {  	v44 =	vadd.s32 s29, v49;
	v38 =	vld.idx.msk [tilespmem:v38+s13+$0x0], $0xffff  }
0x121: {  	v35 =	vld.idx.msk [tilespmem:v57+s5+$0x0], $0xffff;
	v45 =	vadd.s32 s30, v50  }
0x122: {  	v26 =	vshll.u32 v26, $0x1;
	v55 =	vld.idx.msk [tilespmem:v59+s5+$0x0], $0xffff  }
0x123: {  	v29 =	vshll.u32 v29, $0x1;
	v24 =	vshll.u32 v24, $0x1;
	v51 =	vld.idx.msk [tilespmem:v61+s4+$0x0], $0xffff;
	vm10 =	vle.f32 v41, v25  }
0x124: {  	v42 =	vld.idx.msk [tilespmem:v42+s13+$0x0], $0xffff;
	v43 =	vadd.s32 s31, v48;
	vm9 =	vle.f32 v39, v36;
	v57 =	vsel vm10, $0x1, v3  }
0x125: {  	v54 =	vld.idx.msk [tilespmem:v44+s13+$0x0], $0xffff;
	vm8 =	vle.f32 v38, v31;
	v56 =	vsel vm9, $0x1, v3;
	v29 =	vor.u32 v57, v29  }
0x126: {  	v58 =	vld.idx.msk [tilespmem:v45+s13+$0x0], $0xffff;
	v38 =	vsel vm8, $0x1, v3;
	v26 =	vor.u32 v56, v26;
	v63 =	vadd.s32 v7, v29  }
0x127: {  	v23 =	vld.idx.msk [tilespmem:v23+s5+$0x0], $0xffff;
	v24 =	vor.u32 v38, v24;
	v62 =	vadd.s32 v7, v26  }
0x128: {  	v59 =	vld.idx.msk [tilespmem:v61+s5+$0x0], $0xffff;
	v61 =	vadd.s32 v7, v24  }
0x129: {  	v27 =	vshll.u32 v27, $0x1;
	v53 =	vadd.s32 s26, v51;
	vm11 =	vle.f32 v42, v37;
	v52 =	vld.idx.msk [tilespmem:v43+s13+$0x0], $0xffff  }
0x12a: {  	v32 =	vshll.u32 v32, $0x1;
	vm13 =	vle.f32 v54, v35;
	v60 =	vsel vm11, $0x1, v3  }
0x12b: {  	v35 =	vsel vm13, $0x1, v3;
	vm14 =	vle.f32 v58, v55;
	v27 =	vor.u32 v60, v27;
	v55 =	vld.idx.msk [tilespmem:v63+s6+$0x0], $0xffff  }
0x12c: {  	v32 =	vor.u32 v35, v32;
	v49 =	vadd.s32 v7, v27;
	v36 =	vld.idx.msk [tilespmem:v62+s7+$0x0], $0xffff  }
0x12d: {  	v50 =	vadd.s32 v7, v32;
	v51 =	vld.idx.msk [tilespmem:v61+s6+$0x0], $0xffff  }
0x12e: {  	v33 =	vshll.u32 v33, $0x1;
	v48 =	vsel vm14, $0x1, v3;
	vm12 =	vle.f32 v52, v23;
	v23 =	vld.idx.msk [tilespmem:v53+s13+$0x0], $0xffff  }
0x12f: {  	v33 =	vor.u32 v48, v33;
	v53 =	vld.idx.msk [tilespmem:v62+s6+$0x0], $0xffff  }
0x130: {  	v25 =	vld.idx.msk [tilespmem:v63+s7+$0x0], $0xffff;
	v52 =	vadd.s32 v7, v33  }
0x131: {  	v30 =	vshll.u32 v30, $0x1;
	v31 =	vsel vm12, $0x1, v3;
	v56 =	vld.idx.msk [tilespmem:v49+s6+$0x0], $0xffff;
	v41 =	vadd.s32 s18, v55  }
0x132: {  	v30 =	vor.u32 v31, v30;
	v58 =	vld.idx.msk [tilespmem:v50+s6+$0x0], $0xffff;
	v38 =	vadd.s32 s1, v51  }
0x133: {  	v31 =	vld.idx.msk [tilespmem:v61+s7+$0x0], $0xffff;
	vm15 =	vle.f32 v23, v59;
	v23 =	vadd.s32 v7, v30  }
0x134: {  	v37 =	vld.idx.msk [tilespmem:v49+s7+$0x0], $0xffff;
	v39 =	vadd.s32 s0, v53  }
0x135: {  	v59 =	vld.idx.msk [tilespmem:v52+s6+$0x0], $0xffff  }
0x136: {  	v28 =	vshll.u32 v28, $0x1;
	v34 =	vsel vm15, $0x1, v3;
	v42 =	vadd.s32 s15, v56;
	v41 =	vld.idx.msk [tilespmem:v41+s13+$0x0], $0xffff  }
0x137: {  	v28 =	vor.u32 v34, v28;
	v44 =	vadd.s32 s29, v58;
	v38 =	vld.idx.msk [tilespmem:v38+s13+$0x0], $0xffff  }
0x138: {  	v54 =	vadd.s32 v7, v28;
	v57 =	vld.idx.msk [tilespmem:v23+s6+$0x0], $0xffff  }
0x139: {  	v39 =	vld.idx.msk [tilespmem:v39+s13+$0x0], $0xffff  }
0x13a: {  	v35 =	vld.idx.msk [tilespmem:v50+s7+$0x0], $0xffff  }
0x13b: {  	v29 =	vshll.u32 v29, $0x1;
	v45 =	vadd.s32 s30, v59;
	v42 =	vld.idx.msk [tilespmem:v42+s13+$0x0], $0xffff;
	vm6 =	vle.f32 v41, v25  }
0x13c: {  	v24 =	vshll.u32 v24, $0x1;
	v63 =	vld.idx.msk [tilespmem:v44+s13+$0x0], $0xffff;
	vm4 =	vle.f32 v38, v31;
	v47 =	vsel vm6, $0x1, v3  }
0x13d: {  	v60 =	vld.idx.msk [tilespmem:v54+s6+$0x0], $0xffff;
	v43 =	vadd.s32 s31, v57;
	v38 =	vsel vm4, $0x1, v3;
	v29 =	vor.u32 v47, v29  }
0x13e: {  	v23 =	vld.idx.msk [tilespmem:v23+s7+$0x0], $0xffff;
	vm5 =	vle.f32 v39, v36;
	v24 =	vor.u32 v38, v24;
	v53 =	vadd.s32 v8, v29  }
0x13f: {  	v26 =	vshll.u32 v26, $0x1;
	v44 =	vld.idx.msk [tilespmem:v52+s7+$0x0], $0xffff;
	v46 =	vsel vm5, $0x1, v3;
	v51 =	vadd.s32 v8, v24  }
0x140: {  	v48 =	vld.idx.msk [tilespmem:v45+s13+$0x0], $0xffff;
	v26 =	vor.u32 v46, v26  }
0x141: {  	v27 =	vshll.u32 v27, $0x1;
	v49 =	vld.idx.msk [tilespmem:v54+s7+$0x0], $0xffff;
	vm7 =	vle.f32 v42, v37;
	v52 =	vadd.s32 v8, v26  }
0x142: {  	vm9 =	vle.f32 v63, v35;
	v62 =	vadd.s32 s26, v60;
	v50 =	vsel vm7, $0x1, v3;
	v61 =	vld.idx.msk [tilespmem:v43+s13+$0x0], $0xffff  }
0x143: {  	v32 =	vshll.u32 v32, $0x1;
	v35 =	vsel vm9, $0x1, v3;
	v27 =	vor.u32 v50, v27;
	v60 =	vld.idx.msk [tilespmem:v53+s8+$0x0], $0xffff  }
0x144: {  	v32 =	vor.u32 v35, v32;
	v55 =	vadd.s32 v8, v27;
	v57 =	vld.idx.msk [tilespmem:v51+s8+$0x0], $0xffff  }
0x145: {  	vm10 =	vle.f32 v48, v44;
	v56 =	vadd.s32 v8, v32;
	v25 =	vld.idx.msk [tilespmem:v53+s9+$0x0], $0xffff  }
0x146: {  	v33 =	vshll.u32 v33, $0x1;
	v54 =	vsel vm10, $0x1, v3;
	v59 =	vld.idx.msk [tilespmem:v52+s8+$0x0], $0xffff  }
0x147: {  	v33 =	vor.u32 v54, v33;
	vm8 =	vle.f32 v61, v23;
	v23 =	vld.idx.msk [tilespmem:v62+s13+$0x0], $0xffff  }
0x148: {  	v58 =	vadd.s32 v8, v33;
	v36 =	vld.idx.msk [tilespmem:v52+s9+$0x0], $0xffff  }
0x149: {  	v61 =	vld.idx.msk [tilespmem:v55+s8+$0x0], $0xffff;
	v38 =	vadd.s32 s1, v57  }
0x14a: {  	v30 =	vshll.u32 v30, $0x1;
	v63 =	vld.idx.msk [tilespmem:v56+s8+$0x0], $0xffff;
	v31 =	vsel vm8, $0x1, v3;
	v41 =	vadd.s32 s18, v60  }
0x14b: {  	v37 =	vld.idx.msk [tilespmem:v55+s9+$0x0], $0xffff;
	v30 =	vor.u32 v31, v30;
	v39 =	vadd.s32 s0, v59  }
0x14c: {  	v31 =	vld.idx.msk [tilespmem:v51+s9+$0x0], $0xffff;
	vm11 =	vle.f32 v23, v49;
	v23 =	vadd.s32 v8, v30  }
0x14d: {  	v48 =	vld.idx.msk [tilespmem:v58+s8+$0x0], $0xffff  }
0x14e: {  	v28 =	vshll.u32 v28, $0x1;
	v42 =	vadd.s32 s15, v61;
	v34 =	vsel vm11, $0x1, v3;
	v38 =	vld.idx.msk [tilespmem:v38+s13+$0x0], $0xffff  }
0x14f: {  	v44 =	vadd.s32 s29, v63;
	v41 =	vld.idx.msk [tilespmem:v41+s13+$0x0], $0xffff;
	v28 =	vor.u32 v34, v28  }
0x150: {  	v40 =	vadd.s32 v8, v28;
	v39 =	vld.idx.msk [tilespmem:v39+s13+$0x0], $0xffff  }
0x151: {  	v62 =	vld.idx.msk [tilespmem:v23+s8+$0x0], $0xffff  }
0x152: {  	v29 =	vshll.u32 v29, $0x1;
	v24 =	vshll.u32 v24, $0x1;
	v35 =	vld.idx.msk [tilespmem:v56+s9+$0x0], $0xffff  }
0x153: {  	v52 =	vshll.u32 v26, $0x1;
	v63 =	vshll.u32 v33, $0x1;
	v42 =	vld.idx.msk [tilespmem:v42+s13+$0x0], $0xffff;
	vm12 =	vle.f32 v38, v31  }
0x154: {  	v45 =	vadd.s32 s30, v48;
	v54 =	vld.idx.msk [tilespmem:v44+s13+$0x0], $0xffff;
	vm14 =	vle.f32 v41, v25;
	v51 =	vsel vm12, $0x1, v3  }
0x155: {  	v49 =	vld.idx.msk [tilespmem:v40+s8+$0x0], $0xffff;
	vm13 =	vle.f32 v39, v36;
	v36 =	vor.u32 v51, v24;
	v24 =	vadd.s32 v9, v24  }
0x156: {  	v57 =	vsel vm14, $0x1, v3;
	v43 =	vadd.s32 s31, v62;
	v24 =	vand.u32 $0x7FFFFF80, v24  }
0x157: {  	v39 =	vadd.s32 v9, v52;
	v62 =	vld.idx.msk [tilespmem:v40+s9+$0x0], $0xffff;
	v40 =	vadd.s32 v9, v29;
	v41 =	vor.u32 v24, v36  }
0x158: {  	v56 =	vld.idx.msk [tilespmem:v58+s9+$0x0], $0xffff;
	vm15 =	vle.f32 v42, v37;
	v42 =	vor.u32 v57, v29;
	v25 =	vand.u32 $0x7FFFFF80, v40  }
0x159: {  	v58 =	vld.idx.msk [tilespmem:v45+s13+$0x0], $0xffff;
	v53 =	vsel vm13, $0x1, v3;
	vm5 =	vle.f32 v54, v35;
	v35 =	vor.u32 v25, v42  }
0x15a: {  	v23 =	vld.idx.msk [tilespmem:v23+s9+$0x0], $0xffff;
	v33 =	vand.u32 $0x7FFFFF80, v39;
	v44 =	vor.u32 v53, v52;
	v55 =	vadd.s32 s26, v49  }
0x15b: {  	v33 =	vor.u32 v33, v44;
	v50 =	vld.idx.msk [tilespmem:v43+s13+$0x0], $0xffff  }
0x15c: {  	v45 =	vld.idx.msk [tilespmem:v41+s10+$0x0], $0xffff  }
0x15d: {  	v60 =	vshll.u32 v32, $0x1  }
0x15e: {  	v27 =	vshll.u32 v27, $0x1;
	v48 =	vadd.s32 v9, v60;
	vm6 =	vle.f32 v58, v56;
	v58 =	vld.idx.msk [tilespmem:v35+s10+$0x0], $0xffff  }
0x15f: {  	v54 =	vadd.s32 v9, v63;
	v37 =	vsel vm15, $0x1, v3;
	v61 =	vsel vm5, $0x1, v3;
	v46 =	vld.idx.msk [tilespmem:v55+s13+$0x0], $0xffff  }
0x160: {  	v37 =	vor.u32 v37, v27;
	v24 =	vor.u32 v61, v60;
	v27 =	vadd.s32 v9, v27;
	v55 =	vld.idx.msk [tilespmem:v33+s10+$0x0], $0xffff  }
0x161: {  	v47 =	vand.u32 $0x7FFFFF80, v27;
	vm4 =	vle.f32 v50, v23;
	v52 =	vadd.s32 s1, v45  }
0x162: {  	v49 =	vor.u32 v47, v37;
	v23 =	vshll.u32 v30, $0x1;
	v59 =	vsel vm4, $0x1, v3  }
0x163: {  	v41 =	vld.idx.msk [tilespmem:v41+s11+$0x0], $0xffff;
	v50 =	vsel vm6, $0x1, v3;
	v26 =	vor.u32 v59, v23;
	v23 =	vadd.s32 v9, v23  }
0x164: {  	v35 =	vld.idx.msk [tilespmem:v35+s11+$0x0], $0xffff;
	v25 =	vor.u32 v50, v63;
	v39 =	vadd.s32 s18, v58;
	v23 =	vand.u32 $0x7FFFFF80, v23  }
0x165: {  	v33 =	vld.idx.msk [tilespmem:v33+s11+$0x0], $0xffff;
	v31 =	vadd.s32 s0, v55;
	v51 =	vor.u32 v23, v26;
	v23 =	vand.u32 $0x7FFFFF80, v48  }
0x166: {  	vm7 =	vle.f32 v46, v62;
	v53 =	vor.u32 v23, v24;
	v23 =	vshll.u32 v28, $0x1;
	v27 =	vld.idx.msk [tilespmem:v52+s13+$0x0], $0xffff  }
0x167: {  	v59 =	vld.idx.msk [tilespmem:v49+s10+$0x0], $0xffff;
	v56 =	vsel vm7, $0x1, v3;
	v28 =	vand.u32 $0x7FFFFF80, v54;
	v57 =	vadd.s32 v9, v23  }
0x168: {  	v30 =	vld.idx.msk [tilespmem:v49+s11+$0x0], $0xffff;
	v23 =	vor.u32 v56, v23;
	v28 =	vor.u32 v28, v25;
	v34 =	vand.u32 $0x7FFFFF80, v57  }
0x169: {  	v39 =	vld.idx.msk [tilespmem:v39+s13+$0x0], $0xffff;
	v34 =	vor.u32 v34, v23  }
0x16a: {  	v36 =	vshll.u32 v36, $0x1;
	s18 =	sadd.s32 $0xFFFFFFF9, s28;
	v31 =	vld.idx.msk [tilespmem:v31+s13+$0x0], $0xffff  }
0x16b: {  	v47 =	vmov s18;
	v60 =	vld.idx.msk [tilespmem:v51+s10+$0x0], $0xffff;
	vm8 =	vle.f32 v27, v41;
	v41 =	vadd.s32 v10, v36  }
0x16c: {  	v32 =	vadd.s32 s15, v59;
	v61 =	vld.idx.msk [tilespmem:v53+s10+$0x0], $0xffff;
	v36 =	vand.u32 $0x7E, v36;
	v27 =	vand.u32 $0x7FFFFF80, v41  }
0x16d: {  	v49 =	vshrl.u32 v47, $0x3;
	v62 =	vld.idx.msk [tilespmem:v28+s10+$0x0], $0xffff;
	v48 =	vsel vm8, $0x1, v3;
	v27 =	vor.u32 v36, v27  }
0x16e: {  	v44 =	vshll.u32 v44, $0x1;
	v38 =	vshll.u32 v49, v11;
	v63 =	vld.idx.msk [tilespmem:v34+s10+$0x0], $0xffff;
	v27 =	vor.u32 v48, v27  }
0x16f: {  	v54 =	vadd.s32 v10, v44;
	v38 =	vor.u32 v12, v38;
	v29 =	vld.idx.msk [tilespmem:v53+s11+$0x0], $0xffff  }
0x170: {  	s1 =	sadd.s32 $0xFFFFFFFA, s28;
	v44 =	vand.u32 $0x7E, v44;
	v53 =	vbroadcast v38, $0x0;
	v28 =	vld.idx.msk [tilespmem:v28+s11+$0x0], $0xffff;
	v40 =	vadd.s32 s31, v60  }
0x171: {  	v56 =	vmov s1;
	v32 =	vld.idx.msk [tilespmem:v32+s13+$0x0], $0xffff;
	vm9 =	vle.f32 v31, v33;
	v50 =	vadd.s32 s29, v61  }
0x172: {  	v36 =	vld.idx.msk [tilespmem:v51+s11+$0x0], $0xffff;
	v33 =	vand.u32 $0x7FFFFF80, v54;
	v31 =	vor.u32 v13, v53;
	v51 =	vadd.s32 s30, v62  }
0x173: {  	v55 =	vsel vm9, $0x1, v3;
	v33 =	vor.u32 v44, v33;
	v52 =	vadd.s32 s26, v63;
	v27 =	vld.idx.msk [tilespmem:v27+s12+$0x0], $0xffff  }
0x174: {  	v57 =	vshrl.u32 v56, $0x3;
	v34 =	vld.idx.msk [tilespmem:v34+s11+$0x0], $0xffff;
	v33 =	vor.u32 v55, v33  }
0x175: {  	v38 =	vshll.u32 v57, v11;
	v40 =	vld.idx.msk [tilespmem:v40+s13+$0x0], $0xffff  }
0x176: {  	v42 =	vshll.u32 v42, $0x1;
	v38 =	vor.u32 v14, v38;
	v41 =	vld.idx.msk [tilespmem:v50+s13+$0x0], $0xffff  }
0x177: {  	v59 =	vadd.s32 v10, v42;
	vm10 =	vle.f32 v39, v35;
	v58 =	vbroadcast v38, $0x0;
	v43 =	vld.idx.msk [tilespmem:v51+s13+$0x0], $0xffff  }
0x178: {  	s15 =	sadd.s32 $0xFFFFFFFB, s28;
	v39 =	vsel vm10, $0x1, v3;
	v60 =	vand.u32 $0x7FFFFF80, v59;
	v61 =	vand.u32 $0x7E, v42;
	v44 =	vld.idx.msk [tilespmem:v52+s13+$0x0], $0xffff;
	[tilespmem:v31+s25+$0x0] =	vst.idx.msk $0xffff, v27  }
0x179: {  	v35 =	vor.u32 v13, v58;
	v62 =	vmov s15;
	v27 =	vor.u32 v61, v60;
	v33 =	vld.idx.msk [tilespmem:v33+s12+$0x0], $0xffff  }
0x17a: {  	v31 =	vshrl.u32 v62, $0x3;
	v27 =	vor.u32 v39, v27  }
0x17b: {  	v31 =	vshll.u32 v31, v11  }
0x17c: {  	v37 =	vshll.u32 v37, $0x1;
	s18 =	sadd.s32 $0xFFFFFFFC, s28;
	v31 =	vor.u32 v16, v31  }
0x17d: {  	v38 =	vadd.s32 v10, v37;
	v42 =	vmov s18;
	v63 =	vbroadcast v31, $0x0  }
0x17e: {  	vm11 =	vle.f32 v32, v30;
	v39 =	vand.u32 $0x7E, v37;
	v31 =	vand.u32 $0x7FFFFF80, v38;
	[tilespmem:v35+s25+$0x0] =	vst.idx.msk $0xffff, v33  }
0x17f: {  	v32 =	vsel vm11, $0x1, v3;
	v31 =	vor.u32 v39, v31;
	v30 =	vor.u32 v13, v63;
	v27 =	vld.idx.msk [tilespmem:v27+s12+$0x0], $0xffff  }
0x180: {  	v45 =	vshrl.u32 v42, $0x3;
	v31 =	vor.u32 v32, v31  }
0x181: {  	v26 =	vshll.u32 v26, $0x1;
	v32 =	vshll.u32 v45, v11  }
0x182: {  	v46 =	vadd.s32 v10, v26;
	v32 =	vor.u32 v17, v32  }
0x183: {  	v26 =	vand.u32 $0x7E, v26;
	v48 =	vand.u32 $0x7FFFFF80, v46;
	v32 =	vbroadcast v32, $0x0  }
0x184: {  	s29 =	sadd.s32 $0xFFFFFFFD, s28;
	v26 =	vor.u32 v26, v48;
	vm12 =	vle.f32 v40, v36;
	[tilespmem:v30+s25+$0x0] =	vst.idx.msk $0xffff, v27  }
0x185: {  	v50 =	vmov s29;
	v47 =	vsel vm12, $0x1, v3;
	v49 =	vor.u32 v13, v32;
	v30 =	vld.idx.msk [tilespmem:v31+s12+$0x0], $0xffff  }
0x186: {  	v26 =	vor.u32 v47, v26;
	v27 =	vshrl.u32 v50, $0x3  }
0x187: {  	v27 =	vshll.u32 v27, v11  }
0x188: {  	v24 =	vshll.u32 v24, $0x1;
	s30 =	sadd.s32 $0xFFFFFFFE, s28;
	v27 =	vor.u32 v18, v27  }
0x189: {  	v53 =	vmov s30;
	v51 =	vadd.s32 v10, v24;
	v27 =	vbroadcast v27, $0x0  }
0x18a: {  	v24 =	vand.u32 $0x7E, v24;
	vm13 =	vle.f32 v41, v29;
	v29 =	vand.u32 $0x7FFFFF80, v51;
	[tilespmem:v49+s25+$0x0] =	vst.idx.msk $0xffff, v30  }
0x18b: {  	v52 =	vsel vm13, $0x1, v3;
	v24 =	vor.u32 v24, v29;
	v27 =	vor.u32 v13, v27;
	v26 =	vld.idx.msk [tilespmem:v26+s12+$0x0], $0xffff  }
0x18c: {  	v29 =	vshrl.u32 v53, $0x3;
	v24 =	vor.u32 v52, v24  }
0x18d: {  	v29 =	vshll.u32 v29, v11  }
0x18e: {  	v25 =	vshll.u32 v25, $0x1;
	s31 =	sadd.s32 $0xFFFFFFFF, s28;
	v29 =	vor.u32 v20, v29  }
0x18f: {  	v54 =	vmov s31;
	v55 =	vadd.s32 v10, v25;
	v29 =	vbroadcast v29, $0x0  }
0x190: {  	v25 =	vand.u32 $0x7E, v25;
	v56 =	vand.u32 $0x7FFFFF80, v55;
	vm14 =	vle.f32 v43, v28;
	[tilespmem:v27+s25+$0x0] =	vst.idx.msk $0xffff, v26  }
0x191: {  	v25 =	vor.u32 v25, v56;
	v57 =	vsel vm14, $0x1, v3;
	v58 =	vor.u32 v13, v29;
	v24 =	vld.idx.msk [tilespmem:v24+s12+$0x0], $0xffff  }
0x192: {  	v59 =	vshrl.u32 v54, $0x3;
	v25 =	vor.u32 v57, v25  }
0x193: {  	v23 =	vshll.u32 v23, $0x1;
	v26 =	vshll.u32 v59, v11  }
0x194: {  	v60 =	vadd.s32 v10, v23;
	v26 =	vor.u32 v21, v26  }
0x195: {  	v23 =	vand.u32 $0x7E, v23;
	v62 =	vand.u32 $0x7FFFFF80, v60;
	v26 =	vbroadcast v26, $0x0  }
0x196: {  	v23 =	vor.u32 v23, v62;
	vm15 =	vle.f32 v44, v34;
	[tilespmem:v58+s25+$0x0] =	vst.idx.msk $0xffff, v24  }
0x197: {  	v61 =	vsel vm15, $0x1, v3;
	v63 =	vmov s28;
	v26 =	vor.u32 v13, v26;
	v25 =	vld.idx.msk [tilespmem:v25+s12+$0x0], $0xffff  }
0x198: {  	v23 =	vor.u32 v61, v23;
	v24 =	vshrl.u32 v63, $0x3  }
0x199: {  	v24 =	vshll.u32 v24, v11  }
0x19a: {  	v24 =	vor.u32 v22, v24  }
0x19b: {  	v24 =	vbroadcast v24, $0x0  }
0x19c: {  	[tilespmem:v26+s25+$0x0] =	vst.idx.msk $0xffff, v25  }
0x19d: {  	p0 =	sne.s32 s26, $0x7F00;
	v24 =	vor.u32 v13, v24;
	v23 =	vld.idx.msk [tilespmem:v23+s12+$0x0], $0xffff  }
.Ltmp0:
0x19e: {  	_ = 	snop;
	(pc) =	sbr.rel @p0 .LBB3_3-.Ltmp0, $2  }
0x19f: {  	_ =	sdelay $0x2  }
0x1a0: {  	s26 =	sadd.s32 $0x800, s26;
	s28 =	sadd.s32 $0x8, s28;
	[tilespmem:v24+s25+$0x0] =	vst.idx.msk $0xffff, v23  }
0x1a1: {  	s1 =	simm.s32 $0x3  }
0x1a2: {  	_ =	swait.ge [sflag:s1], $0x20  }
0x1a3: {  	[sflag:s1] =	ssyncset.done $0x0  }
0x1a4: {  	[sflag:s1] =	ssyncadd.s32 $0xFFFFFFE0  }
0x1a5: {  	_ =	swait.ge [sflag:s1], $0x20  }
0x1a6: {  	[sflag:s1] =	ssyncset.done $0x0  }
0x1a7: {  	[sflag:s1] =	ssyncadd.s32 $0xFFFFFFE0  }
0x1a8: {  	_ =	swait.ge [sflag:s1], $0x40  }
0x1a9: {  	[sflag:s1] =	ssyncset.done $0x0  }
0x1aa: {  	[sflag:s1] =	ssyncadd.s32 $0xFFFFFFC0  }
0x1ab: {  	_ =	swait.ge [sflag:s1], $0x40  }
0x1ac: {  	[sflag:s1] =	ssyncset.done $0x0  }
0x1ad: {  	[sflag:s1] =	ssyncadd.s32 $0xFFFFFFC0  }
0x1ae: {  	_ =	swait.ge [sflag:s1], $0x80  }
0x1af: {  	[sflag:s1] =	ssyncset.done $0x0  }
0x1b0: {  	[sflag:s1] =	ssyncadd.s32 $0xFFFFFF80  }
0x1b1: {  	_ =	swait.ge [sflag:s1], $0x80  }
0x1b2: {  	[sflag:s1] =	ssyncset.done $0x0  }
0x1b3: {  	[sflag:s1] =	ssyncadd.s32 $0xFFFFFF80  }
0x1b4: {  	_ =	swait.ge [sflag:s1], $0x100  }
0x1b5: {  	[sflag:s1] =	ssyncset.done $0x0  }
0x1b6: {  	[sflag:s1] =	ssyncadd.s32 $0xFFFFFF00  }
0x1b7: {  	_ =	swait.ge [sflag:s1], $0x100  }
0x1b8: {  	[sflag:s1] =	ssyncset.done $0x0  }
0x1b9: {  	[sflag:s1] =	ssyncadd.s32 $0xFFFFFF00  }
0x1ba: {  	_ =	swait.ge [sflag:s1], $0x200  }
0x1bb: {  	[sflag:s1] =	ssyncset.done $0x0  }
0x1bc: {  	[sflag:s1] =	ssyncadd.s32 $0xFFFFFE00  }
0x1bd: {  	_ =	swait.ge [sflag:s1], $0x200  }
0x1be: {  	[sflag:s1] =	ssyncset.done $0x0  }
0x1bf: {  	[sflag:s1] =	ssyncadd.s32 $0xFFFFFE00  }
0x1c0: {  	_ =	swait.ge [sflag:s1], $0x400  }
0x1c1: {  	[sflag:s1] =	ssyncset.done $0x0  }
0x1c2: {  	[sflag:s1] =	ssyncadd.s32 $0xFFFFFC00  }
0x1c3: {  	_ =	swait.ge [sflag:s1], $0x400  }
0x1c4: {  	[sflag:s1] =	ssyncset.done $0x0  }
0x1c5: {  	[sflag:s1] =	ssyncadd.s32 $0xFFFFFC00  }
0x1c6: {  	_ =	swait.ge [sflag:s1], $0x800  }
0x1c7: {  	[sflag:s1] =	ssyncset.done $0x0  }
0x1c8: {  	[sflag:s1] =	ssyncadd.s32 $0xFFFFF800  }
0x1c9: {  	_ =	swait.ge [sflag:s1], $0x800  }
0x1ca: {  	[sflag:s1] =	ssyncset.done $0x0  }
0x1cb: {  	[sflag:s1] =	ssyncadd.s32 $0xFFFFF800  }
0x1cc: {  	_ =	swait.ge [sflag:s1], $0x1000  }
0x1cd: {  	s12 =	rddreg [dreg:$0x17]  }
0x1ce: {  	[sflag:s1] =	ssyncset.done $0x0;
	s0 =	rddreg [dreg:$0x19];
	p0 =	seq.s32 s12, $0xF  }
0x1cf: {  	[sflag:s1] =	ssyncadd.s32 $0xFFFFF000;
	s0 =	sadd.s32 @!p0 $0x2, s0  }
0x1d0: {  	s15 =	rddreg [dreg:$0x3];
	s1 =	sshll.u32 @!p0 s0, $0x2  }
0x1d1: {  	s18 =	simm.s32 @!p0 $0x0;
	s26 =	simm.s32 @!p0 $0x18400;
	s15 =	sadd.s32 @!p0 s15, s1  }
0x1d2: {  	[tilespmem:s26], [sflag:$0x2] =	stream.linear.gather @!p0 [hbm4b:s15+s18], $0x20, $0x38;
	[tilespmem:$0x1E600] =	vst v63  }
0x1d3: {  	s15 =	rddreg [dreg:$0xa]  }
0x1d4: {  	s1 =	sadd.s32 @!p0 s15, s1;
	s15 =	simm.s32 @!p0 $0x19480  }
0x1d5: {  	[tilespmem:s15], [sflag:$0x2] =	stream.linear.gather @!p0 [hbm4b:s1+s18], $0x20, $0x38;
	[tilespmem:$0x1E600] =	vst v63  }
0x1d6: {  	s1 =	sshll.u32 @!p0 s0, $0x3;
	s15 =	rddreg [dreg:$0x4]  }
0x1d7: {  	s26 =	simm.s32 @!p0 $0x18480;
	s15 =	sadd.s32 @!p0 s15, s1  }
0x1d8: {  	[tilespmem:s26], [sflag:$0x2] =	stream.linear.gather @!p0 [hbm4b:s15+s18], $0x40, $0x38;
	[tilespmem:$0x1E600] =	vst v63  }
0x1d9: {  	s15 =	rddreg [dreg:$0xb]  }
0x1da: {  	s1 =	sadd.s32 @!p0 s15, s1;
	s15 =	simm.s32 @!p0 $0x19500  }
0x1db: {  	[tilespmem:s15], [sflag:$0x2] =	stream.linear.gather @!p0 [hbm4b:s1+s18], $0x40, $0x38;
	[tilespmem:$0x1E600] =	vst v63  }
0x1dc: {  	s1 =	sshll.u32 @!p0 s0, $0x4;
	s15 =	rddreg [dreg:$0x5]  }
0x1dd: {  	s26 =	simm.s32 @!p0 $0x18500;
	s15 =	sadd.s32 @!p0 s15, s1  }
0x1de: {  	[tilespmem:s26], [sflag:$0x2] =	stream.linear.gather @!p0 [hbm4b:s15+s18], $0x80, $0x38;
	[tilespmem:$0x1E600] =	vst v63  }
0x1df: {  	s15 =	rddreg [dreg:$0xc]  }
0x1e0: {  	s1 =	sadd.s32 @!p0 s15, s1;
	s15 =	simm.s32 @!p0 $0x19580  }
0x1e1: {  	[tilespmem:s15], [sflag:$0x2] =	stream.linear.gather @!p0 [hbm4b:s1+s18], $0x80, $0x38;
	[tilespmem:$0x1E600] =	vst v63  }
0x1e2: {  	s1 =	sshll.u32 @!p0 s0, $0x5;
	s15 =	rddreg [dreg:$0x6]  }
0x1e3: {  	s26 =	simm.s32 @!p0 $0x18580;
	s15 =	sadd.s32 @!p0 s15, s1  }
0x1e4: {  	[tilespmem:s26], [sflag:$0x2] =	stream.linear.gather @!p0 [hbm4b:s15+s18], $0x100, $0x38;
	[tilespmem:$0x1E600] =	vst v63  }
0x1e5: {  	s15 =	rddreg [dreg:$0xd]  }
0x1e6: {  	s1 =	sadd.s32 @!p0 s15, s1;
	s15 =	simm.s32 @!p0 $0x19600  }
0x1e7: {  	[tilespmem:s15], [sflag:$0x2] =	stream.linear.gather @!p0 [hbm4b:s1+s18], $0x100, $0x38;
	[tilespmem:$0x1E600] =	vst v63  }
0x1e8: {  	s1 =	sshll.u32 @!p0 s0, $0x6;
	s15 =	rddreg [dreg:$0x7]  }
0x1e9: {  	s26 =	simm.s32 @!p0 $0x18680;
	s15 =	sadd.s32 @!p0 s15, s1  }
0x1ea: {  	[tilespmem:s26], [sflag:$0x2] =	stream.linear.gather @!p0 [hbm4b:s15+s18], $0x200, $0x38;
	[tilespmem:$0x1E600] =	vst v63  }
0x1eb: {  	s15 =	rddreg [dreg:$0xe]  }
0x1ec: {  	s1 =	sadd.s32 @!p0 s15, s1;
	s15 =	simm.s32 @!p0 $0x19700  }
0x1ed: {  	[tilespmem:s15], [sflag:$0x2] =	stream.linear.gather @!p0 [hbm4b:s1+s18], $0x200, $0x38;
	[tilespmem:$0x1E600] =	vst v63  }
0x1ee: {  	s1 =	sshll.u32 @!p0 s0, $0x7;
	s15 =	rddreg [dreg:$0x8]  }
0x1ef: {  	s26 =	simm.s32 @!p0 $0x18880;
	s15 =	sadd.s32 @!p0 s15, s1  }
0x1f0: {  	[tilespmem:s26], [sflag:$0x2] =	stream.linear.gather @!p0 [hbm4b:s15+s18], $0x400, $0x38;
	[tilespmem:$0x1E600] =	vst v63  }
0x1f1: {  	s15 =	rddreg [dreg:$0xf]  }
0x1f2: {  	s1 =	sadd.s32 @!p0 s15, s1;
	s15 =	simm.s32 @!p0 $0x19900  }
0x1f3: {  	[tilespmem:s15], [sflag:$0x2] =	stream.linear.gather @!p0 [hbm4b:s1+s18], $0x400, $0x38;
	[tilespmem:$0x1E600] =	vst v63  }
0x1f4: {  	s1 =	sshll.u32 @!p0 s0, $0x8;
	s15 =	rddreg [dreg:$0x9]  }
0x1f5: {  	s26 =	simm.s32 @!p0 $0x18C80;
	s15 =	sadd.s32 @!p0 s15, s1  }
0x1f6: {  	[tilespmem:s26], [sflag:$0x2] =	stream.linear.gather @!p0 [hbm4b:s15+s18], $0x800, $0x38;
	[tilespmem:$0x1E600] =	vst v63  }
0x1f7: {  	s15 =	rddreg [dreg:$0x10]  }
0x1f8: {  	s1 =	sadd.s32 @!p0 s15, s1;
	s15 =	simm.s32 @!p0 $0x19D00  }
0x1f9: {  	[tilespmem:s15], [sflag:$0x2] =	stream.linear.gather @!p0 [hbm4b:s1+s18], $0x800, $0x38;
	[tilespmem:$0x1E600] =	vst v63  }
0x1fa: {  	s0 =	sshll.u32 @!p0 s0, $0x9;
	s1 =	rddreg [dreg:$0x12]  }
0x1fb: {  	s3 =	rddreg [dreg:$0x18];
	s0 =	sadd.s32 @!p0 s1, s0;
	s1 =	simm.s32 @!p0 $0x1A500  }
0x1fc: {  	v12 =	vmov s3;
	v13 =	vor.u32 s3, v0;
	[tilespmem:s1], [sflag:$0x2] =	stream.linear.gather @!p0 [hbm4b:s0+s18], $0x1000, $0x38;
	[tilespmem:$0x1E600] =	vst v63  }
0x1fd: {  	v18 =	vshll.u32 v12, $0x3;
	v19 =	vand.u32 $0x7F, v13;
	v15 =	vld [tilespmem:s3+$0x8000]  }
0x1fe: {  	s23 =	simm.s32 $0x1B500;
	s24 =	simm.s32 $0x1C580;
	s4 =	simm.s32 $0x1B580;
	v12 =	vand.u32 $0x7FFFFC00, v18;
	v21 =	vor.u32 v19, v18  }
0x1ff: {  	s5 =	simm.s32 $0x1C600;
	s6 =	simm.s32 $0x1B600;
	s7 =	simm.s32 $0x1C680;
	v12 =	vor.u32 v19, v12;
	v21 =	vor.u32 $0x380, v21  }
0x200: {  	s8 =	simm.s32 $0x1B680;
	s9 =	simm.s32 $0x1C700;
	s10 =	simm.s32 $0x1B780;
	v13 =	vor.u32 $0x80, v12;
	v14 =	vor.u32 $0x100, v12;
	v16 =	vor.u32 $0x180, v12  }
0x201: {  	s28 =	simm.s32 $0x7;
	s11 =	simm.s32 $0x1C800;
	v17 =	vor.u32 $0x200, v12;
	v19 =	vor.u32 $0x280, v12;
	v20 =	vor.u32 $0x300, v12;
	s26 =	simm.s32 $0x700;
	v18 =	vld [tilespmem:s3+$0x8200]  }
.LBB3_5:
0x202: {  	s1 =	sadd.s32 $0xFFFFF900, s26;
	v29 =	vadd.s32 s26, v15  }
0x203: {  	s0 =	sadd.s32 $0xFFFFFA00, s26;
	v22 =	vadd.s32 s1, v15  }
0x204: {  	s18 =	sadd.s32 $0xFFFFFB00, s26;
	v23 =	vadd.s32 s0, v15  }
0x205: {  	s15 =	sadd.s32 $0xFFFFFC00, s26;
	v24 =	vadd.s32 s18, v15  }
0x206: {  	s30 =	sadd.s32 $0xFFFFFD00, s26;
	v25 =	vadd.s32 s15, v15  }
0x207: {  	v26 =	vadd.s32 s30, v15;
	v58 =	vld.idx.msk [tilespmem:v29+s13+$0x0], $0xffff  }
0x208: {  	v22 =	vld.idx.msk [tilespmem:v22+s13+$0x0], $0xffff  }
0x209: {  	v23 =	vld.idx.msk [tilespmem:v23+s13+$0x0], $0xffff  }
0x20a: {  	s31 =	sadd.s32 $0xFFFFFE00, s26;
	v24 =	vld.idx.msk [tilespmem:v24+s13+$0x0], $0xffff  }
0x20b: {  	s29 =	sadd.s32 $0xFFFFFF00, s26;
	v27 =	vadd.s32 s31, v15;
	v25 =	vld.idx.msk [tilespmem:v25+s13+$0x0], $0xffff  }
0x20c: {  	v28 =	vadd.s32 s29, v15;
	v26 =	vld.idx.msk [tilespmem:v26+s13+$0x0], $0xffff;
	vm0 =	vle.f32 v58, v18  }
0x20d: {  	vm7 =	vle.f32 v22, v18;
	v31 =	vsel vm0, v2, v1  }
0x20e: {  	vm6 =	vle.f32 v23, v18;
	v23 =	vsel vm7, v2, v1  }
0x20f: {  	vm5 =	vle.f32 v24, v18;
	v59 =	vsel vm6, v2, v1  }
0x210: {  	v27 =	vld.idx.msk [tilespmem:v27+s13+$0x0], $0xffff;
	vm4 =	vle.f32 v25, v18;
	v60 =	vsel vm5, v2, v1  }
0x211: {  	v22 =	vld.idx.msk [tilespmem:v28+s13+$0x0], $0xffff;
	vm3 =	vle.f32 v26, v18;
	v61 =	vsel vm4, v2, v1  }
0x212: {  	v62 =	vsel vm3, v2, v1;
	v37 =	vld.idx.msk [tilespmem:v31+s23+$0x0], $0xffff  }
0x213: {  	v63 =	vld.idx.msk [tilespmem:v23+s23+$0x0], $0xffff  }
0x214: {  	v30 =	vld.idx.msk [tilespmem:v59+s23+$0x0], $0xffff  }
0x215: {  	v32 =	vld.idx.msk [tilespmem:v60+s23+$0x0], $0xffff  }
0x216: {  	v33 =	vld.idx.msk [tilespmem:v61+s23+$0x0], $0xffff  }
0x217: {  	vm2 =	vle.f32 v27, v18;
	v34 =	vld.idx.msk [tilespmem:v62+s23+$0x0], $0xffff  }
0x218: {  	vm1 =	vle.f32 v22, v18;
	v22 =	vsel vm2, v2, v1;
	v23 =	vld.idx.msk [tilespmem:v23+s24+$0x0], $0xffff  }
0x219: {  	v40 =	vsel vm1, v2, v1;
	v24 =	vld.idx.msk [tilespmem:v59+s24+$0x0], $0xffff  }
0x21a: {  	v25 =	vld.idx.msk [tilespmem:v60+s24+$0x0], $0xffff;
	v29 =	vadd.s32 s1, v63  }
0x21b: {  	v26 =	vld.idx.msk [tilespmem:v61+s24+$0x0], $0xffff;
	v30 =	vadd.s32 s0, v30  }
0x21c: {  	v27 =	vld.idx.msk [tilespmem:v62+s24+$0x0], $0xffff;
	v32 =	vadd.s32 s18, v32  }
0x21d: {  	v35 =	vld.idx.msk [tilespmem:v22+s23+$0x0], $0xffff;
	v33 =	vadd.s32 s15, v33  }
0x21e: {  	v36 =	vld.idx.msk [tilespmem:v40+s23+$0x0], $0xffff;
	v34 =	vadd.s32 s30, v34  }
0x21f: {  	v29 =	vld.idx.msk [tilespmem:v29+s13+$0x0], $0xffff  }
0x220: {  	v30 =	vld.idx.msk [tilespmem:v30+s13+$0x0], $0xffff  }
0x221: {  	v32 =	vld.idx.msk [tilespmem:v32+s13+$0x0], $0xffff  }
0x222: {  	v33 =	vld.idx.msk [tilespmem:v33+s13+$0x0], $0xffff  }
0x223: {  	v41 =	vld.idx.msk [tilespmem:v34+s13+$0x0], $0xffff  }
0x224: {  	v44 =	vsel vm6, $0x2, v3;
	v47 =	vsel vm5, $0x2, v3;
	v35 =	vadd.s32 s31, v35  }
0x225: {  	v51 =	vsel vm4, $0x2, v3;
	v54 =	vsel vm3, $0x2, v3;
	v37 =	vadd.s32 s26, v37  }
0x226: {  	v36 =	vadd.s32 s29, v36;
	vm8 =	vle.f32 v29, v23;
	vm9 =	vle.f32 v30, v24  }
0x227: {  	vm10 =	vle.f32 v32, v25;
	vm11 =	vle.f32 v33, v26;
	v46 =	vsel vm9, $0x1, v3  }
0x228: {  	v22 =	vld.idx.msk [tilespmem:v22+s24+$0x0], $0xffff;
	vm12 =	vle.f32 v41, v27;
	v48 =	vsel vm10, $0x1, v3;
	v25 =	vor.u32 v46, v44  }
0x229: {  	v43 =	vld.idx.msk [tilespmem:v35+s13+$0x0], $0xffff;
	v52 =	vsel vm11, $0x1, v3;
	v28 =	vor.u32 v48, v47;
	v58 =	vor.u32 v4, v25  }
0x22a: {  	v50 =	vld.idx.msk [tilespmem:v31+s24+$0x0], $0xffff;
	v55 =	vsel vm12, $0x1, v3;
	v29 =	vor.u32 v52, v51;
	v59 =	vor.u32 v4, v28  }
0x22b: {  	v45 =	vld.idx.msk [tilespmem:v40+s24+$0x0], $0xffff;
	v30 =	vor.u32 v55, v54;
	v62 =	vor.u32 v4, v29  }
0x22c: {  	v23 =	vsel vm7, $0x2, v3;
	v49 =	vld.idx.msk [tilespmem:v36+s13+$0x0], $0xffff;
	v42 =	vsel vm8, $0x1, v3;
	v63 =	vor.u32 v4, v30  }
0x22d: {  	v53 =	vld.idx.msk [tilespmem:v37+s13+$0x0], $0xffff;
	v23 =	vor.u32 v42, v23  }
0x22e: {  	vm13 =	vle.f32 v43, v22;
	v22 =	vor.u32 v4, v23;
	v38 =	vld.idx.msk [tilespmem:v58+s4+$0x0], $0xffff  }
0x22f: {  	v40 =	vld.idx.msk [tilespmem:v59+s4+$0x0], $0xffff  }
0x230: {  	v56 =	vsel vm2, $0x2, v3;
	v57 =	vsel vm13, $0x1, v3;
	v41 =	vld.idx.msk [tilespmem:v62+s4+$0x0], $0xffff  }
0x231: {  	v60 =	vsel vm1, $0x2, v3;
	vm14 =	vle.f32 v49, v45;
	v31 =	vor.u32 v57, v56;
	v42 =	vld.idx.msk [tilespmem:v63+s4+$0x0], $0xffff  }
0x232: {  	vm15 =	vle.f32 v53, v50;
	v61 =	vsel vm14, $0x1, v3;
	v50 =	vor.u32 v4, v31;
	v34 =	vld.idx.msk [tilespmem:v58+s5+$0x0], $0xffff  }
0x233: {  	v48 =	vsel vm0, $0x2, v3;
	v49 =	vsel vm15, $0x1, v3;
	v32 =	vor.u32 v61, v60;
	v51 =	vld.idx.msk [tilespmem:v22+s4+$0x0], $0xffff  }
0x234: {  	v27 =	vor.u32 v49, v48;
	v52 =	vor.u32 v4, v32;
	v24 =	vld.idx.msk [tilespmem:v59+s5+$0x0], $0xffff  }
0x235: {  	v39 =	vor.u32 v4, v27;
	v35 =	vld.idx.msk [tilespmem:v62+s5+$0x0], $0xffff  }
0x236: {  	v26 =	vld.idx.msk [tilespmem:v63+s5+$0x0], $0xffff;
	v38 =	vadd.s32 s0, v38  }
0x237: {  	v43 =	vld.idx.msk [tilespmem:v50+s4+$0x0], $0xffff;
	v40 =	vadd.s32 s18, v40  }
0x238: {  	v22 =	vld.idx.msk [tilespmem:v22+s5+$0x0], $0xffff;
	v37 =	vadd.s32 s1, v51  }
0x239: {  	v44 =	vld.idx.msk [tilespmem:v52+s4+$0x0], $0xffff  }
0x23a: {  	v45 =	vld.idx.msk [tilespmem:v39+s4+$0x0], $0xffff  }
0x23b: {  	v41 =	vadd.s32 s15, v41;
	v38 =	vld.idx.msk [tilespmem:v38+s13+$0x0], $0xffff  }
0x23c: {  	v43 =	vadd.s32 s31, v43;
	v40 =	vld.idx.msk [tilespmem:v40+s13+$0x0], $0xffff  }
0x23d: {  	v42 =	vadd.s32 s30, v42;
	v37 =	vld.idx.msk [tilespmem:v37+s13+$0x0], $0xffff  }
0x23e: {  	v36 =	vld.idx.msk [tilespmem:v50+s5+$0x0], $0xffff;
	v44 =	vadd.s32 s29, v44  }
0x23f: {  	v55 =	vld.idx.msk [tilespmem:v52+s5+$0x0], $0xffff  }
0x240: {  	v25 =	vshll.u32 v25, $0x1;
	v28 =	vshll.u32 v28, $0x1;
	v41 =	vld.idx.msk [tilespmem:v41+s13+$0x0], $0xffff;
	vm5 =	vle.f32 v38, v34  }
0x241: {  	v53 =	vadd.s32 s26, v45;
	v54 =	vld.idx.msk [tilespmem:v43+s13+$0x0], $0xffff;
	vm6 =	vle.f32 v40, v24;
	v56 =	vsel vm5, $0x1, v3  }
0x242: {  	vm4 =	vle.f32 v37, v22;
	v22 =	vld.idx.msk [tilespmem:v42+s13+$0x0], $0xffff;
	v57 =	vsel vm6, $0x1, v3;
	v25 =	vor.u32 v56, v25  }
0x243: {  	v58 =	vld.idx.msk [tilespmem:v44+s13+$0x0], $0xffff;
	v28 =	vor.u32 v57, v28;
	v48 =	vor.u32 v5, v25  }
0x244: {  	v29 =	vshll.u32 v29, $0x1;
	v49 =	vor.u32 v5, v28  }
0x245: {  	v23 =	vshll.u32 v23, $0x1;
	vm7 =	vle.f32 v41, v35;
	v37 =	vsel vm4, $0x1, v3  }
0x246: {  	v31 =	vshll.u32 v31, $0x1;
	v59 =	vld.idx.msk [tilespmem:v39+s5+$0x0], $0xffff;
	v60 =	vsel vm7, $0x1, v3;
	v23 =	vor.u32 v37, v23  }
0x247: {  	vm9 =	vle.f32 v54, v36;
	v63 =	vor.u32 v5, v23;
	vm8 =	vle.f32 v22, v26;
	v22 =	vld.idx.msk [tilespmem:v53+s13+$0x0], $0xffff  }
0x248: {  	v47 =	vsel vm9, $0x1, v3;
	vm10 =	vle.f32 v58, v55;
	v26 =	vor.u32 v60, v29;
	v55 =	vld.idx.msk [tilespmem:v48+s6+$0x0], $0xffff  }
0x249: {  	v31 =	vor.u32 v47, v31;
	v51 =	vor.u32 v5, v26;
	v57 =	vld.idx.msk [tilespmem:v49+s6+$0x0], $0xffff  }
0x24a: {  	v52 =	vor.u32 v5, v31;
	v35 =	vld.idx.msk [tilespmem:v48+s7+$0x0], $0xffff  }
0x24b: {  	v61 =	vshll.u32 v30, $0x1;
	v62 =	vsel vm8, $0x1, v3;
	v24 =	vld.idx.msk [tilespmem:v49+s7+$0x0], $0xffff  }
0x24c: {  	v32 =	vshll.u32 v32, $0x1;
	v50 =	vsel vm10, $0x1, v3;
	v29 =	vor.u32 v62, v61;
	v53 =	vld.idx.msk [tilespmem:v63+s6+$0x0], $0xffff  }
0x24d: {  	v32 =	vor.u32 v50, v32;
	v30 =	vld.idx.msk [tilespmem:v63+s7+$0x0], $0xffff;
	vm11 =	vle.f32 v22, v59;
	v22 =	vor.u32 v5, v29  }
0x24e: {  	v54 =	vor.u32 v5, v32;
	v58 =	vld.idx.msk [tilespmem:v51+s6+$0x0], $0xffff  }
0x24f: {  	v60 =	vld.idx.msk [tilespmem:v52+s6+$0x0], $0xffff  }
0x250: {  	v27 =	vshll.u32 v27, $0x1;
	v33 =	vsel vm11, $0x1, v3;
	v36 =	vld.idx.msk [tilespmem:v51+s7+$0x0], $0xffff;
	v38 =	vadd.s32 s0, v55  }
0x251: {  	v34 =	vld.idx.msk [tilespmem:v52+s7+$0x0], $0xffff;
	v27 =	vor.u32 v33, v27;
	v40 =	vadd.s32 s18, v57  }
0x252: {  	v56 =	vor.u32 v5, v27;
	v59 =	vld.idx.msk [tilespmem:v22+s6+$0x0], $0xffff  }
0x253: {  	v61 =	vld.idx.msk [tilespmem:v54+s6+$0x0], $0xffff;
	v37 =	vadd.s32 s1, v53  }
0x254: {  	v48 =	vld.idx.msk [tilespmem:v54+s7+$0x0], $0xffff  }
0x255: {  	v41 =	vadd.s32 s15, v58;
	v38 =	vld.idx.msk [tilespmem:v38+s13+$0x0], $0xffff  }
0x256: {  	v43 =	vadd.s32 s31, v60;
	v40 =	vld.idx.msk [tilespmem:v40+s13+$0x0], $0xffff  }
0x257: {  	v62 =	vld.idx.msk [tilespmem:v56+s6+$0x0], $0xffff;
	v42 =	vadd.s32 s30, v59  }
0x258: {  	v37 =	vld.idx.msk [tilespmem:v37+s13+$0x0], $0xffff  }
0x259: {  	v22 =	vld.idx.msk [tilespmem:v22+s7+$0x0], $0xffff;
	v44 =	vadd.s32 s29, v61  }
0x25a: {  	v25 =	vshll.u32 v25, $0x1;
	v41 =	vld.idx.msk [tilespmem:v41+s13+$0x0], $0xffff;
	vm13 =	vle.f32 v38, v35  }
0x25b: {  	v28 =	vshll.u32 v28, $0x1;
	v47 =	vld.idx.msk [tilespmem:v43+s13+$0x0], $0xffff;
	vm14 =	vle.f32 v40, v24;
	v49 =	vsel vm13, $0x1, v3  }
0x25c: {  	v46 =	vadd.s32 s26, v62;
	v50 =	vsel vm14, $0x1, v3;
	v25 =	vor.u32 v49, v25;
	v63 =	vld.idx.msk [tilespmem:v42+s13+$0x0], $0xffff  }
0x25d: {  	v52 =	vld.idx.msk [tilespmem:v56+s7+$0x0], $0xffff;
	vm12 =	vle.f32 v37, v30;
	v28 =	vor.u32 v50, v28;
	v55 =	vor.u32 v6, v25  }
0x25e: {  	v23 =	vshll.u32 v23, $0x1;
	v51 =	vld.idx.msk [tilespmem:v44+s13+$0x0], $0xffff;
	v37 =	vsel vm12, $0x1, v3;
	v56 =	vor.u32 v6, v28  }
0x25f: {  	v23 =	vor.u32 v37, v23  }
0x260: {  	v26 =	vshll.u32 v26, $0x1;
	vm15 =	vle.f32 v41, v36;
	v54 =	vor.u32 v6, v23  }
0x261: {  	vm5 =	vle.f32 v47, v34;
	v53 =	vsel vm15, $0x1, v3;
	vm4 =	vle.f32 v63, v22;
	v22 =	vld.idx.msk [tilespmem:v46+s13+$0x0], $0xffff  }
0x262: {  	v31 =	vshll.u32 v31, $0x1;
	v34 =	vsel vm5, $0x1, v3;
	v26 =	vor.u32 v53, v26;
	v62 =	vld.idx.msk [tilespmem:v55+s8+$0x0], $0xffff  }
0x263: {  	vm6 =	vle.f32 v51, v48;
	v31 =	vor.u32 v34, v31;
	v58 =	vor.u32 v6, v26;
	v48 =	vld.idx.msk [tilespmem:v56+s8+$0x0], $0xffff  }
0x264: {  	v59 =	vor.u32 v6, v31;
	v35 =	vld.idx.msk [tilespmem:v55+s9+$0x0], $0xffff  }
0x265: {  	v32 =	vshll.u32 v32, $0x1;
	v57 =	vsel vm6, $0x1, v3;
	v60 =	vld.idx.msk [tilespmem:v54+s8+$0x0], $0xffff  }
0x266: {  	v29 =	vshll.u32 v29, $0x1;
	v32 =	vor.u32 v57, v32;
	v24 =	vld.idx.msk [tilespmem:v56+s9+$0x0], $0xffff;
	v30 =	vsel vm4, $0x1, v3  }
0x267: {  	v61 =	vor.u32 v6, v32;
	v29 =	vor.u32 v30, v29;
	v30 =	vld.idx.msk [tilespmem:v54+s9+$0x0], $0xffff  }
0x268: {  	v49 =	vld.idx.msk [tilespmem:v58+s8+$0x0], $0xffff;
	vm7 =	vle.f32 v22, v52;
	v22 =	vor.u32 v6, v29  }
0x269: {  	v51 =	vld.idx.msk [tilespmem:v59+s8+$0x0], $0xffff;
	v40 =	vadd.s32 s18, v48  }
0x26a: {  	v36 =	vld.idx.msk [tilespmem:v58+s9+$0x0], $0xffff;
	v37 =	vadd.s32 s1, v60  }
0x26b: {  	v34 =	vld.idx.msk [tilespmem:v59+s9+$0x0], $0xffff  }
0x26c: {  	v27 =	vshll.u32 v27, $0x1;
	v52 =	vld.idx.msk [tilespmem:v61+s8+$0x0], $0xffff;
	v38 =	vadd.s32 s0, v62;
	v33 =	vsel vm7, $0x1, v3  }
0x26d: {  	v27 =	vor.u32 v33, v27;
	v50 =	vld.idx.msk [tilespmem:v22+s8+$0x0], $0xffff  }
0x26e: {  	v63 =	vor.u32 v6, v27;
	v40 =	vld.idx.msk [tilespmem:v40+s13+$0x0], $0xffff  }
0x26f: {  	v41 =	vadd.s32 s15, v49;
	v37 =	vld.idx.msk [tilespmem:v37+s13+$0x0], $0xffff  }
0x270: {  	v57 =	vld.idx.msk [tilespmem:v61+s9+$0x0], $0xffff;
	v43 =	vadd.s32 s31, v51  }
0x271: {  	v38 =	vld.idx.msk [tilespmem:v38+s13+$0x0], $0xffff;
	v44 =	vadd.s32 s29, v52  }
0x272: {  	v22 =	vld.idx.msk [tilespmem:v22+s9+$0x0], $0xffff  }
0x273: {  	v53 =	vld.idx.msk [tilespmem:v63+s8+$0x0], $0xffff;
	v42 =	vadd.s32 s30, v50;
	vm10 =	vle.f32 v40, v24  }
0x274: {  	v28 =	vshll.u32 v28, $0x1;
	v41 =	vld.idx.msk [tilespmem:v41+s13+$0x0], $0xffff;
	vm8 =	vle.f32 v37, v30;
	v59 =	vsel vm10, $0x1, v3  }
0x275: {  	v23 =	vshll.u32 v23, $0x1;
	v56 =	vld.idx.msk [tilespmem:v43+s13+$0x0], $0xffff;
	v37 =	vsel vm8, $0x1, v3;
	v28 =	vor.u32 v59, v28  }
0x276: {  	vm9 =	vle.f32 v38, v35;
	v60 =	vld.idx.msk [tilespmem:v44+s13+$0x0], $0xffff;
	v23 =	vor.u32 v37, v23;
	v49 =	vadd.s32 v7, v28  }
0x277: {  	v25 =	vshll.u32 v25, $0x1;
	v61 =	vld.idx.msk [tilespmem:v63+s9+$0x0], $0xffff;
	v58 =	vsel vm9, $0x1, v3;
	v63 =	vadd.s32 v7, v23  }
0x278: {  	v25 =	vor.u32 v58, v25;
	v55 =	vadd.s32 s26, v53;
	v54 =	vld.idx.msk [tilespmem:v42+s13+$0x0], $0xffff  }
0x279: {  	v26 =	vshll.u32 v26, $0x1;
	v48 =	vadd.s32 v7, v25;
	vm11 =	vle.f32 v41, v36  }
0x27a: {  	v31 =	vshll.u32 v31, $0x1;
	vm13 =	vle.f32 v56, v34;
	v62 =	vsel vm11, $0x1, v3  }
0x27b: {  	v34 =	vsel vm13, $0x1, v3;
	vm14 =	vle.f32 v60, v57;
	v26 =	vor.u32 v62, v26;
	v57 =	vld.idx.msk [tilespmem:v49+s10+$0x0], $0xffff  }
0x27c: {  	v31 =	vor.u32 v34, v31;
	v51 =	vadd.s32 v7, v26;
	v53 =	vld.idx.msk [tilespmem:v63+s10+$0x0], $0xffff  }
0x27d: {  	v52 =	vadd.s32 v7, v31;
	vm12 =	vle.f32 v54, v22;
	v22 =	vld.idx.msk [tilespmem:v55+s13+$0x0], $0xffff  }
0x27e: {  	v32 =	vshll.u32 v32, $0x1;
	v50 =	vsel vm14, $0x1, v3;
	v55 =	vld.idx.msk [tilespmem:v48+s10+$0x0], $0xffff  }
0x27f: {  	v32 =	vor.u32 v50, v32;
	v35 =	vld.idx.msk [tilespmem:v48+s11+$0x0], $0xffff  }
0x280: {  	v29 =	vshll.u32 v29, $0x1;
	v24 =	vld.idx.msk [tilespmem:v49+s11+$0x0], $0xffff;
	v54 =	vadd.s32 v7, v32;
	v30 =	vsel vm12, $0x1, v3  }
0x281: {  	v29 =	vor.u32 v30, v29;
	v58 =	vld.idx.msk [tilespmem:v51+s10+$0x0], $0xffff;
	v37 =	vadd.s32 s1, v53  }
0x282: {  	v60 =	vld.idx.msk [tilespmem:v52+s10+$0x0], $0xffff;
	vm15 =	vle.f32 v22, v61;
	v22 =	vadd.s32 v7, v29  }
0x283: {  	v30 =	vld.idx.msk [tilespmem:v63+s11+$0x0], $0xffff;
	v38 =	vadd.s32 s0, v55  }
0x284: {  	v36 =	vld.idx.msk [tilespmem:v51+s11+$0x0], $0xffff  }
0x285: {  	v40 =	vadd.s32 s18, v57;
	v61 =	vld.idx.msk [tilespmem:v54+s10+$0x0], $0xffff  }
0x286: {  	v37 =	vld.idx.msk [tilespmem:v37+s13+$0x0], $0xffff  }
0x287: {  	v27 =	vshll.u32 v27, $0x1;
	v33 =	vsel vm15, $0x1, v3;
	v59 =	vld.idx.msk [tilespmem:v22+s10+$0x0], $0xffff  }
0x288: {  	v27 =	vor.u32 v33, v27;
	v41 =	vadd.s32 s15, v58;
	v38 =	vld.idx.msk [tilespmem:v38+s13+$0x0], $0xffff  }
0x289: {  	v34 =	vld.idx.msk [tilespmem:v52+s11+$0x0], $0xffff;
	v56 =	vadd.s32 v7, v27  }
0x28a: {  	v43 =	vadd.s32 s31, v60;
	v40 =	vld.idx.msk [tilespmem:v40+s13+$0x0], $0xffff  }
0x28b: {  	v48 =	vld.idx.msk [tilespmem:v54+s11+$0x0], $0xffff;
	vm4 =	vle.f32 v37, v30  }
0x28c: {  	v23 =	vshll.u32 v23, $0x1;
	v22 =	vld.idx.msk [tilespmem:v22+s11+$0x0], $0xffff;
	v44 =	vadd.s32 s29, v61;
	v37 =	vsel vm4, $0x1, v3  }
0x28d: {  	v41 =	vld.idx.msk [tilespmem:v41+s13+$0x0], $0xffff;
	v42 =	vadd.s32 s30, v59;
	vm5 =	vle.f32 v38, v35;
	v23 =	vor.u32 v37, v23  }
0x28e: {  	v25 =	vshll.u32 v25, $0x1;
	v62 =	vld.idx.msk [tilespmem:v56+s10+$0x0], $0xffff;
	v49 =	vsel vm5, $0x1, v3;
	v54 =	vadd.s32 v8, v23  }
0x28f: {  	v47 =	vld.idx.msk [tilespmem:v43+s13+$0x0], $0xffff;
	vm6 =	vle.f32 v40, v24;
	v25 =	vor.u32 v49, v25  }
0x290: {  	v28 =	vshll.u32 v28, $0x1;
	v52 =	vld.idx.msk [tilespmem:v56+s11+$0x0], $0xffff;
	v50 =	vsel vm6, $0x1, v3;
	v55 =	vadd.s32 v8, v25  }
0x291: {  	v51 =	vld.idx.msk [tilespmem:v44+s13+$0x0], $0xffff;
	v28 =	vor.u32 v50, v28  }
0x292: {  	v56 =	vadd.s32 v8, v28;
	vm7 =	vle.f32 v41, v36;
	v63 =	vld.idx.msk [tilespmem:v42+s13+$0x0], $0xffff  }
0x293: {  	v26 =	vshll.u32 v26, $0x1;
	v46 =	vadd.s32 s26, v62;
	v53 =	vsel vm7, $0x1, v3;
	v60 =	vld.idx.msk [tilespmem:v54+s14+$0x0], $0xffff  }
0x294: {  	v26 =	vor.u32 v53, v26  }
0x295: {  	v58 =	vadd.s32 v8, v26;
	v62 =	vld.idx.msk [tilespmem:v55+s14+$0x0], $0xffff  }
0x296: {  	vm10 =	vle.f32 v51, v48  }
0x297: {  	v32 =	vshll.u32 v32, $0x1;
	vm9 =	vle.f32 v47, v34;
	v57 =	vsel vm10, $0x1, v3;
	v24 =	vld.idx.msk [tilespmem:v56+s16+$0x0], $0xffff  }
0x298: {  	v32 =	vor.u32 v57, v32;
	vm8 =	vle.f32 v63, v22;
	v22 =	vld.idx.msk [tilespmem:v46+s13+$0x0], $0xffff;
	v37 =	vadd.s32 s1, v60  }
0x299: {  	v31 =	vshll.u32 v31, $0x1;
	v34 =	vsel vm9, $0x1, v3;
	v61 =	vadd.s32 v8, v32;
	v63 =	vld.idx.msk [tilespmem:v56+s14+$0x0], $0xffff  }
0x29a: {  	v31 =	vor.u32 v34, v31;
	v48 =	vld.idx.msk [tilespmem:v58+s14+$0x0], $0xffff;
	v38 =	vadd.s32 s0, v62  }
0x29b: {  	v29 =	vshll.u32 v29, $0x1;
	v59 =	vadd.s32 v8, v31;
	v35 =	vld.idx.msk [tilespmem:v55+s16+$0x0], $0xffff;
	v30 =	vsel vm8, $0x1, v3  }
0x29c: {  	v29 =	vor.u32 v30, v29;
	v30 =	vld.idx.msk [tilespmem:v54+s16+$0x0], $0xffff  }
0x29d: {  	vm11 =	vle.f32 v22, v52;
	v22 =	vadd.s32 v8, v29;
	v37 =	vld.idx.msk [tilespmem:v37+s13+$0x0], $0xffff  }
0x29e: {  	v27 =	vshll.u32 v27, $0x1;
	v51 =	vld.idx.msk [tilespmem:v61+s14+$0x0], $0xffff;
	v40 =	vadd.s32 s18, v63;
	v33 =	vsel vm11, $0x1, v3  }
0x29f: {  	v41 =	vadd.s32 s15, v48;
	v27 =	vor.u32 v33, v27;
	v38 =	vld.idx.msk [tilespmem:v38+s13+$0x0], $0xffff  }
0x2a0: {  	v50 =	vld.idx.msk [tilespmem:v59+s14+$0x0], $0xffff;
	v39 =	vadd.s32 v8, v27  }
0x2a1: {  	v36 =	vld.idx.msk [tilespmem:v58+s16+$0x0], $0xffff  }
0x2a2: {  	v49 =	vld.idx.msk [tilespmem:v22+s14+$0x0], $0xffff;
	vm12 =	vle.f32 v37, v30  }
0x2a3: {  	v23 =	vshll.u32 v23, $0x1;
	v44 =	vadd.s32 s29, v51;
	v40 =	vld.idx.msk [tilespmem:v40+s13+$0x0], $0xffff;
	v54 =	vsel vm12, $0x1, v3  }
0x2a4: {  	v41 =	vld.idx.msk [tilespmem:v41+s13+$0x0], $0xffff;
	vm13 =	vle.f32 v38, v35;
	v35 =	vor.u32 v54, v23;
	v23 =	vadd.s32 v9, v23  }
0x2a5: {  	v28 =	vshll.u32 v28, $0x1;
	v25 =	vshll.u32 v25, $0x1;
	v52 =	vld.idx.msk [tilespmem:v39+s14+$0x0], $0xffff;
	v23 =	vand.u32 $0x7FFFFF80, v23  }
0x2a6: {  	v34 =	vld.idx.msk [tilespmem:v59+s16+$0x0], $0xffff;
	v60 =	vshll.u32 v31, $0x1;
	v62 =	vadd.s32 v9, v25;
	v31 =	vor.u32 v23, v35  }
0x2a7: {  	v56 =	vld.idx.msk [tilespmem:v61+s16+$0x0], $0xffff;
	v43 =	vadd.s32 s31, v50;
	v55 =	vsel vm13, $0x1, v3;
	v42 =	vadd.s32 s30, v49  }
0x2a8: {  	v58 =	vld.idx.msk [tilespmem:v44+s13+$0x0], $0xffff;
	v37 =	vor.u32 v55, v25;
	vm14 =	vle.f32 v40, v24;
	v24 =	vand.u32 $0x7FFFFF80, v62  }
0x2a9: {  	v26 =	vshll.u32 v26, $0x1;
	v29 =	vshll.u32 v29, $0x1;
	v63 =	vld.idx.msk [tilespmem:v39+s16+$0x0], $0xffff;
	v39 =	vor.u32 v24, v37  }
0x2aa: {  	v22 =	vld.idx.msk [tilespmem:v22+s16+$0x0], $0xffff;
	vm15 =	vle.f32 v41, v36;
	v57 =	vsel vm14, $0x1, v3;
	v45 =	vadd.s32 s26, v52  }
0x2ab: {  	v59 =	vsel vm15, $0x1, v3;
	v33 =	vor.u32 v57, v28;
	v28 =	vadd.s32 v9, v28;
	v51 =	vld.idx.msk [tilespmem:v31+s17+$0x0], $0xffff  }
0x2ac: {  	v53 =	vld.idx.msk [tilespmem:v43+s13+$0x0], $0xffff;
	v38 =	vor.u32 v59, v26;
	v26 =	vadd.s32 v9, v26;
	v46 =	vand.u32 $0x7FFFFF80, v28  }
0x2ad: {  	v50 =	vadd.s32 v9, v60;
	v49 =	vand.u32 $0x7FFFFF80, v26;
	v48 =	vor.u32 v46, v33;
	v42 =	vld.idx.msk [tilespmem:v42+s13+$0x0], $0xffff  }
0x2ae: {  	v23 =	vshll.u32 v32, $0x1;
	vm6 =	vle.f32 v58, v56;
	v52 =	vor.u32 v49, v38;
	v56 =	vld.idx.msk [tilespmem:v39+s17+$0x0], $0xffff  }
0x2af: {  	v47 =	vadd.s32 v9, v29;
	v54 =	vadd.s32 v9, v23;
	v44 =	vsel vm6, $0x1, v3;
	v45 =	vld.idx.msk [tilespmem:v45+s13+$0x0], $0xffff  }
0x2b0: {  	v24 =	vor.u32 v44, v23;
	v23 =	vand.u32 $0x7FFFFF80, v54;
	v31 =	vld.idx.msk [tilespmem:v31+s19+$0x0], $0xffff;
	v30 =	vadd.s32 s1, v51  }
0x2b1: {  	v27 =	vshll.u32 v27, $0x1;
	vm5 =	vle.f32 v53, v34;
	v28 =	vor.u32 v23, v24;
	v39 =	vld.idx.msk [tilespmem:v39+s19+$0x0], $0xffff  }
0x2b2: {  	v53 =	vand.u32 $0x7FFFFF80, v47;
	v61 =	vsel vm5, $0x1, v3;
	v58 =	vld.idx.msk [tilespmem:v48+s17+$0x0], $0xffff;
	vm4 =	vle.f32 v42, v22  }
0x2b3: {  	v57 =	vadd.s32 v9, v27;
	v26 =	vand.u32 $0x7FFFFF80, v50;
	v59 =	vld.idx.msk [tilespmem:v52+s17+$0x0], $0xffff;
	v22 =	vsel vm4, $0x1, v3  }
0x2b4: {  	v40 =	vld.idx.msk [tilespmem:v52+s19+$0x0], $0xffff;
	v25 =	vadd.s32 s0, v56;
	v34 =	vor.u32 v22, v29;
	vm7 =	vle.f32 v45, v63  }
0x2b5: {  	v22 =	vor.u32 v61, v60;
	v55 =	vor.u32 v53, v34;
	v23 =	vsel vm7, $0x1, v3;
	v30 =	vld.idx.msk [tilespmem:v30+s13+$0x0], $0xffff  }
0x2b6: {  	v32 =	vand.u32 $0x7FFFFF80, v57;
	v62 =	vld.idx.msk [tilespmem:v28+s17+$0x0], $0xffff;
	v26 =	vor.u32 v26, v22;
	v23 =	vor.u32 v23, v27  }
0x2b7: {  	v28 =	vld.idx.msk [tilespmem:v28+s19+$0x0], $0xffff;
	v32 =	vor.u32 v32, v23  }
0x2b8: {  	v35 =	vshll.u32 v35, $0x1;
	v29 =	vld.idx.msk [tilespmem:v48+s19+$0x0], $0xffff  }
0x2b9: {  	v46 =	vadd.s32 v10, v35;
	v35 =	vand.u32 $0x7E, v35;
	v36 =	vadd.s32 s18, v58;
	v25 =	vld.idx.msk [tilespmem:v25+s13+$0x0], $0xffff  }
0x2ba: {  	v47 =	vand.u32 $0x7FFFFF80, v46;
	v27 =	vadd.s32 s15, v59;
	v60 =	vld.idx.msk [tilespmem:v55+s17+$0x0], $0xffff;
	vm8 =	vle.f32 v30, v31  }
0x2bb: {  	s18 =	sadd.s32 $0xFFFFFFF9, s28;
	v61 =	vld.idx.msk [tilespmem:v26+s17+$0x0], $0xffff;
	v31 =	vor.u32 v35, v47;
	v48 =	vsel vm8, $0x1, v3  }
0x2bc: {  	v37 =	vshll.u32 v37, $0x1;
	v49 =	vmov s18;
	v63 =	vld.idx.msk [tilespmem:v32+s17+$0x0], $0xffff;
	v31 =	vor.u32 v48, v31  }
0x2bd: {  	v54 =	vadd.s32 v10, v37;
	v26 =	vld.idx.msk [tilespmem:v26+s19+$0x0], $0xffff;
	v35 =	vshrl.u32 v49, $0x3  }
0x2be: {  	v37 =	vand.u32 $0x7E, v37;
	v52 =	vadd.s32 s29, v62;
	v36 =	vld.idx.msk [tilespmem:v36+s13+$0x0], $0xffff;
	v35 =	vshll.u32 v35, v11  }
0x2bf: {  	v27 =	vld.idx.msk [tilespmem:v27+s13+$0x0], $0xffff;
	vm9 =	vle.f32 v25, v39;
	v50 =	vadd.s32 s30, v60;
	v35 =	vbroadcast v35, $0x0  }
0x2c0: {  	v30 =	vld.idx.msk [tilespmem:v55+s19+$0x0], $0xffff;
	v55 =	vand.u32 $0x7FFFFF80, v54;
	v39 =	vsel vm9, $0x1, v3;
	v51 =	vadd.s32 s31, v61  }
0x2c1: {  	s20 =	sadd.s32 $0xFFFFFFFA, s28;
	v25 =	vor.u32 v37, v55;
	v35 =	vadd.s32 v12, v35;
	v53 =	vadd.s32 s26, v63;
	v31 =	vld.idx.msk [tilespmem:v31+s2+$0x0], $0xffff  }
0x2c2: {  	v57 =	vmov s20;
	v32 =	vld.idx.msk [tilespmem:v32+s19+$0x0], $0xffff;
	v25 =	vor.u32 v39, v25  }
0x2c3: {  	v42 =	vld.idx.msk [tilespmem:v52+s13+$0x0], $0xffff;
	v39 =	vshrl.u32 v57, $0x3  }
0x2c4: {  	v33 =	vshll.u32 v33, $0x1;
	v39 =	vshll.u32 v39, v11;
	v56 =	vld.idx.msk [tilespmem:v50+s13+$0x0], $0xffff  }
0x2c5: {  	v59 =	vadd.s32 v10, v33;
	v39 =	vbroadcast v39, $0x0;
	v58 =	vld.idx.msk [tilespmem:v51+s13+$0x0], $0xffff  }
0x2c6: {  	v60 =	vand.u32 $0x7FFFFF80, v59;
	v61 =	vand.u32 $0x7E, v33;
	vm10 =	vle.f32 v36, v29;
	v43 =	vld.idx.msk [tilespmem:v53+s13+$0x0], $0xffff;
	[tilespmem:v35+s25+$0x0] =	vst.idx.msk $0xffff, v31  }
0x2c7: {  	s21 =	sadd.s32 $0xFFFFFFFB, s28;
	v29 =	vor.u32 v61, v60;
	v62 =	vsel vm10, $0x1, v3;
	v63 =	vadd.s32 v13, v39;
	v25 =	vld.idx.msk [tilespmem:v25+s2+$0x0], $0xffff  }
0x2c8: {  	v29 =	vor.u32 v62, v29;
	v39 =	vmov s21  }
0x2c9: {  	v31 =	vshrl.u32 v39, $0x3  }
0x2ca: {  	v44 =	vshll.u32 v38, $0x1;
	v31 =	vshll.u32 v31, v11  }
0x2cb: {  	v45 =	vadd.s32 v10, v44;
	v31 =	vbroadcast v31, $0x0  }
0x2cc: {  	v46 =	vand.u32 $0x7FFFFF80, v45;
	v47 =	vand.u32 $0x7E, v44;
	vm11 =	vle.f32 v27, v40;
	[tilespmem:v63+s25+$0x0] =	vst.idx.msk $0xffff, v25  }
0x2cd: {  	s22 =	sadd.s32 $0xFFFFFFFC, s28;
	v48 =	vsel vm11, $0x1, v3;
	v31 =	vadd.s32 v14, v31;
	v25 =	vor.u32 v47, v46;
	v29 =	vld.idx.msk [tilespmem:v29+s2+$0x0], $0xffff  }
0x2ce: {  	v49 =	vmov s22;
	v25 =	vor.u32 v48, v25  }
0x2cf: {  	v27 =	vshrl.u32 v49, $0x3  }
0x2d0: {  	v27 =	vshll.u32 v27, v11;
	v50 =	vshll.u32 v34, $0x1  }
0x2d1: {  	v27 =	vbroadcast v27, $0x0;
	v34 =	vadd.s32 v10, v50  }
0x2d2: {  	v52 =	vand.u32 $0x7E, v50;
	v51 =	vand.u32 $0x7FFFFF80, v34;
	vm12 =	vle.f32 v56, v30;
	[tilespmem:v31+s25+$0x0] =	vst.idx.msk $0xffff, v29  }
0x2d3: {  	s29 =	sadd.s32 $0xFFFFFFFD, s28;
	v27 =	vadd.s32 v16, v27;
	v53 =	vsel vm12, $0x1, v3;
	v29 =	vor.u32 v52, v51;
	v25 =	vld.idx.msk [tilespmem:v25+s2+$0x0], $0xffff  }
0x2d4: {  	v54 =	vmov s29;
	v29 =	vor.u32 v53, v29  }
0x2d5: {  	v30 =	vshrl.u32 v54, $0x3  }
0x2d6: {  	v22 =	vshll.u32 v22, $0x1;
	v30 =	vshll.u32 v30, v11  }
0x2d7: {  	v55 =	vadd.s32 v10, v22;
	v30 =	vbroadcast v30, $0x0  }
0x2d8: {  	v22 =	vand.u32 $0x7E, v22;
	vm13 =	vle.f32 v58, v26;
	v56 =	vand.u32 $0x7FFFFF80, v55;
	[tilespmem:v27+s25+$0x0] =	vst.idx.msk $0xffff, v25  }
0x2d9: {  	s30 =	sadd.s32 $0xFFFFFFFE, s28;
	v26 =	vsel vm13, $0x1, v3;
	v22 =	vor.u32 v22, v56;
	v57 =	vadd.s32 v17, v30;
	v27 =	vld.idx.msk [tilespmem:v29+s2+$0x0], $0xffff  }
0x2da: {  	v58 =	vmov s30;
	v22 =	vor.u32 v26, v22  }
0x2db: {  	v25 =	vshrl.u32 v58, $0x3  }
0x2dc: {  	v24 =	vshll.u32 v24, $0x1;
	v25 =	vshll.u32 v25, v11  }
0x2dd: {  	v59 =	vadd.s32 v10, v24;
	v25 =	vbroadcast v25, $0x0  }
0x2de: {  	v24 =	vand.u32 $0x7E, v24;
	vm14 =	vle.f32 v42, v28;
	v26 =	vand.u32 $0x7FFFFF80, v59;
	[tilespmem:v57+s25+$0x0] =	vst.idx.msk $0xffff, v27  }
0x2df: {  	s31 =	sadd.s32 $0xFFFFFFFF, s28;
	v60 =	vsel vm14, $0x1, v3;
	v24 =	vor.u32 v24, v26;
	v25 =	vadd.s32 v19, v25;
	v22 =	vld.idx.msk [tilespmem:v22+s2+$0x0], $0xffff  }
0x2e0: {  	v61 =	vmov s31;
	v24 =	vor.u32 v60, v24  }
0x2e1: {  	v26 =	vshrl.u32 v61, $0x3  }
0x2e2: {  	v23 =	vshll.u32 v23, $0x1;
	v26 =	vshll.u32 v26, v11  }
0x2e3: {  	v62 =	vadd.s32 v10, v23;
	v26 =	vbroadcast v26, $0x0  }
0x2e4: {  	v23 =	vand.u32 $0x7E, v23;
	vm15 =	vle.f32 v43, v32;
	[tilespmem:v25+s25+$0x0] =	vst.idx.msk $0xffff, v22;
	v22 =	vand.u32 $0x7FFFFF80, v62  }
0x2e5: {  	v63 =	vsel vm15, $0x1, v3;
	v26 =	vadd.s32 v20, v26;
	v24 =	vld.idx.msk [tilespmem:v24+s2+$0x0], $0xffff;
	v22 =	vor.u32 v23, v22  }
0x2e6: {  	v23 =	vmov s28;
	v22 =	vor.u32 v63, v22  }
0x2e7: {  	v23 =	vshrl.u32 v23, $0x3  }
0x2e8: {  	v23 =	vshll.u32 v23, v11  }
0x2e9: {  	v23 =	vbroadcast v23, $0x0  }
0x2ea: {  	[tilespmem:v26+s25+$0x0] =	vst.idx.msk $0xffff, v24  }
0x2eb: {  	p0 =	sne.s32 s26, $0x7F00;
	v23 =	vadd.s32 v21, v23;
	v22 =	vld.idx.msk [tilespmem:v22+s2+$0x0], $0xffff  }
.Ltmp1:
0x2ec: {  	_ = 	snop;
	(pc) =	sbr.rel @p0 .LBB3_5-.Ltmp1, $2  }
0x2ed: {  	_ =	sdelay $0x2  }
0x2ee: {  	s26 =	sadd.s32 $0x800, s26;
	s28 =	sadd.s32 $0x8, s28;
	[tilespmem:v23+s25+$0x0] =	vst.idx.msk $0xffff, v22  }
0x2ef: {  	s12 =	sadd.s32 $0x1, s12  }
0x2f0: {  	p0 =	sne.s32 s12, $0x10  }
.Ltmp2:
0x2f1: {  	_ = 	snop;
	(pc) =	sbr.rel @p0 .LBB3_2-.Ltmp2, $1  }
0x2f2: {  	_ =	sdelay $0x3  }
0x2f3: {  	s0 =	rddreg [dreg:$0x14];
	s1 =	simm.s32 $0x4  }
0x2f4: {  	[hbm4b:s0+s13] =	stream.linear.scatter [tilespmem:s25], [sflag:$0x4], $0x10000, $0x38;
	[tilespmem:$0x1E600] =	vst v63  }
0x2f5: {  	_ =	swait.ge [sflag:s1], $0x10000  }
0x2f6: {  	s26 =	rddreg [dreg:$0x16]  }
0x2f7: {  	s15 =	simm.s32 $0x18400;
	s31 =	rddreg [dreg:$0x15];
	s26 =	sadd.s32 $0x1, s26  }
0x2f8: {  	s18 =	simm.s32 $0x19480;
	s20 =	simm.s32 $0x18480;
	p0 =	sne.s32 s26, s31  }
.Ltmp3:
0x2f9: {  	s21 =	simm.s32 $0x19500;
	s22 =	simm.s32 $0x18500;
	(pc) =	sbr.rel @p0 .LBB3_1-.Ltmp3, $4  }
0x2fa: {  	s3 =	simm.s32 $0x19580;
	s4 =	simm.s32 $0x18580;
	s5 =	simm.s32 $0x19600  }
0x2fb: {  	s6 =	simm.s32 $0x18680;
	s7 =	simm.s32 $0x19700;
	s8 =	simm.s32 $0x18880  }
0x2fc: {  	s9 =	simm.s32 $0x19900;
	s10 =	simm.s32 $0x18C80;
	[sflag:s1] =	ssyncset.done $0x0  }
0x2fd: {  	s11 =	simm.s32 $0x19D00;
	s12 =	simm.s32 $0x1A500;
	[sflag:s1] =	ssyncadd.s32 $0xFFFF0000  }
0x2fe: {  	_ =	sfence.sel $0x180000  }
0x2ff: {  	[bflag:$0x0] =	sbarrier.arrive $0xFFFF  }
0x300: {  	_ =	strace $0x90000047  }
0x301: {  	s0 =	stileid.u32;
	[bflag:$0x2] =	sbarrier.arrive $0xFFFF  }
0x302: {  	p0 =	sne.s32 s0, $0x0;
	s0 =	rddreg [dreg:$0x11]  }
0x303: {  	s0 =	sadd.s32 @!p0 $0x100000, s0  }
0x304: {  	[sflag:s0] =	ssyncadd.tile.s32 @!p0 $0x1;
	_ =	shalt  }
.Lfunc_end3:
_tile_overlayer_lowered:
.L_overlay_start_3:
0x305: {  	(tag) =	ssettag $0x3  }
0x306: {  	s0 =	rddreg [dreg:$0x0];
	s2 =	stileid.u32  }
0x307: {  	s1 =	rddreg [dreg:$0x1];
	p0 =	sne.s32 s2, $0x0  }
0x308: {  	s3 =	rddreg [dreg:$0x2];
	[bflag:$0x3] =	sbarrier.arrive $0xFFFF;
	s2 =	simm.s32 @!p0 $0x1C04  }
0x309: {  	[timem:s3], [sflag:s2] =	dma.local @!p0 [hbm:s0], s1  }
0x30a: {  	s0 =	simm.s32 @!p0 $0x4  }
0x30b: {  	_ =	swait.ge @!p0 [sflag:s0], s1  }
0x30c: {  	s1 =	ssub.s32 @!p0 $0x0, s1;
	[sflag:s0] =	ssyncset.done @!p0 $0x0  }
0x30d: {  	[sflag:s0] =	ssyncadd.s32 @!p0 s1  }
0x30e: {  	[bflag:$0x3] =	sbarrier.arrive $0xFFFF  }
0x30f: {  	_ =	shalt  }

</sc_bundles>
